<compile_context>
chip_gen: v7x
topology: tpu7x:2x2x1
jax: 0.10.2.dev20260603
libtpu: 0.0.44.dev20260713+nightly
codegen_flags: <defaults>
</compile_context>

<pallas_src>
import functools

import jax
import jax.numpy as jnp
from jax import lax
from jax.experimental import pallas as pl
from jax.experimental.pallas import tpu as pltpu
from jax.experimental.pallas import tpu_sc as plsc

N = 10000
E = 320000
D = 128
NC = 2
NS = 16
NW = NC * NS
CHUNK = 128
NPAD = 10240
RPT = NPAD // NS
EPAD = 327680
CPW = EPAD // (NW * CHUNK)

_F32 = jnp.float32
_MESH = dict(core_axis_name="c", subcore_axis_name="s")


def _sc_layer(table, src3, dst3, with_deg):
    half = CPW // 2
    out_type = [jax.ShapeDtypeStruct((NPAD, D), _F32)] * 2
    scratch = [
        pltpu.VMEM((half, CHUNK), jnp.int32),
        pltpu.VMEM((half, CHUNK), jnp.int32),
        pltpu.VMEM((CHUNK, D), _F32),
        pltpu.VMEM((CHUNK, D), _F32),
        pltpu.VMEM_SHARED((NPAD, D), _F32),
        pltpu.SemaphoreType.DMA,
        pltpu.SemaphoreType.DMA,
    ]
    if with_deg:
        out_type += [jax.ShapeDtypeStruct((NPAD,), _F32)] * 2
        scratch += [
            pltpu.VMEM((CHUNK,), _F32),
            pltpu.VMEM((RPT,), _F32),
            pltpu.VMEM_SHARED((NPAD,), _F32),
        ]

    def body(table_h, src_h, dst_h, *rest):
        if with_deg:
            out0, out1, dga, dgb = rest[:4]
            (src_v, dst_v, rows0, rows1, acc, sem0, sem1,
             ones_v, dz_v, dacc) = rest[4:]
        else:
            out0, out1 = rest[:2]
            src_v, dst_v, rows0, rows1, acc, sem0, sem1 = rest[2:]
        c = lax.axis_index("c")
        s = lax.axis_index("s")
        wid = c * NS + s

        def _zrow(i, carry):
            for j in range(D // 16):
                rows0[i, pl.ds(j * 16, 16)] = jnp.zeros((16,), _F32)
            return carry
        lax.fori_loop(0, CHUNK, _zrow, 0)
        for k in range(RPT // CHUNK):
            pltpu.sync_copy(rows0, acc.at[pl.ds(s * RPT + k * CHUNK, CHUNK)])
        if with_deg:
            for j in range(CHUNK // 16):
                ones_v[pl.ds(j * 16, 16)] = jnp.ones((16,), _F32)
            for j in range(RPT // 16):
                dz_v[pl.ds(j * 16, 16)] = jnp.zeros((16,), _F32)
            pltpu.sync_copy(dz_v, dacc.at[pl.ds(s * RPT, RPT)])
        plsc.subcore_barrier()

        def _chunk(i, carry):
            j0 = 2 * i
            cp0 = pltpu.async_copy(table_h.at[src_v.at[j0]], rows0, sem0)
            cp1 = pltpu.async_copy(table_h.at[src_v.at[j0 + 1]], rows1, sem1)
            cp0.wait()
            pltpu.sync_copy(rows0, acc.at[dst_v.at[j0]], add=True)
            if with_deg:
                pltpu.sync_copy(ones_v, dacc.at[dst_v.at[j0]], add=True)
            cp1.wait()
            pltpu.sync_copy(rows1, acc.at[dst_v.at[j0 + 1]], add=True)
            if with_deg:
                pltpu.sync_copy(ones_v, dacc.at[dst_v.at[j0 + 1]], add=True)
            return carry

        for h in range(2):
            pltpu.sync_copy(src_h.at[wid, pl.ds(h * half, half)], src_v)
            pltpu.sync_copy(dst_h.at[wid, pl.ds(h * half, half)], dst_v)
            lax.fori_loop(0, half // 2, _chunk, 0)
        plsc.subcore_barrier()

        row0 = s * RPT
        sl = pl.ds(row0, RPT)

        @pl.when(c == 0)
        def _():
            pltpu.sync_copy(acc.at[sl], out0.at[sl])
            if with_deg:
                pltpu.sync_copy(dacc.at[sl], dga.at[sl])

        @pl.when(c == 1)
        def _():
            pltpu.sync_copy(acc.at[sl], out1.at[sl])
            if with_deg:
                pltpu.sync_copy(dacc.at[sl], dgb.at[sl])

    f = pl.kernel(
        body,
        out_type=out_type,
        mesh=plsc.VectorSubcoreMesh(**_MESH),
        scratch_types=scratch,
    )
    return f(table, src3, dst3)


def _tc_combine(p0, p1, d0, d1):
    br = 512

    def body(p0_ref, p1_ref, d0_ref, d1_ref, x_ref, inv_ref):
        deg = d0_ref[...] + d1_ref[...]
        inv = 1.0 / jnp.maximum(deg, 1.0)
        inv_ref[...] = inv
        x_ref[...] = (p0_ref[...] + p1_ref[...]) * inv

    return pl.pallas_call(
        body,
        grid=(NPAD // br,),
        in_specs=[
            pl.BlockSpec((br, D), lambda i: (i, 0)),
            pl.BlockSpec((br, D), lambda i: (i, 0)),
            pl.BlockSpec((br, 1), lambda i: (i, 0)),
            pl.BlockSpec((br, 1), lambda i: (i, 0)),
        ],
        out_specs=[
            pl.BlockSpec((br, D), lambda i: (i, 0)),
            pl.BlockSpec((br, 1), lambda i: (i, 0)),
        ],
        out_shape=[
            jax.ShapeDtypeStruct((NPAD, D), _F32),
            jax.ShapeDtypeStruct((NPAD, 1), _F32),
        ],
    )(p0, p1, d0, d1)


def _tc_final(q0, q1, inv, x):
    br = 400

    def body(q0_ref, q1_ref, inv_ref, x_ref, o_ref):
        x2 = (q0_ref[...] + q1_ref[...]) * inv_ref[...]
        o_ref[...] = 0.5 * (x_ref[...] + x2)

    return pl.pallas_call(
        body,
        grid=(N // br,),
        in_specs=[
            pl.BlockSpec((br, D), lambda i: (i, 0)),
            pl.BlockSpec((br, D), lambda i: (i, 0)),
            pl.BlockSpec((br, 1), lambda i: (i, 0)),
            pl.BlockSpec((br, D), lambda i: (i, 0)),
        ],
        out_specs=pl.BlockSpec((br, D), lambda i: (i, 0)),
        out_shape=jax.ShapeDtypeStruct((N, D), _F32),
    )(q0, q1, inv, x)


def kernel(features, edge_index):
    src = edge_index[0]
    dst = edge_index[1]
    pad = EPAD - E
    srcp = jnp.concatenate([src, jnp.zeros((pad,), jnp.int32)])
    dstp = jnp.concatenate([dst, jnp.full((pad,), NPAD - 1, jnp.int32)])
    src3 = srcp.reshape(NW, CPW, CHUNK)
    dst3 = dstp.reshape(NW, CPW, CHUNK)

    p0, p1, dg0, dg1 = _sc_layer(features, src3, dst3, with_deg=True)
    x, inv = _tc_combine(p0, p1, dg0.reshape(NPAD, 1), dg1.reshape(NPAD, 1))
    q0, q1 = _sc_layer(x, src3, dst3, with_deg=False)
    return _tc_final(q0, q1, inv, x)

# --- scband reference (transcript-rebuilt; emitter-appended) ---
"""Pipeline reference for scband-graph-gcn-13718125543734 (READ-ONLY COPY).

The authoritative reference and input builder live on the scoring server;
editing this copy changes nothing except your own understanding.
"""

import jax, jax.numpy as jnp
import numpy as np

N_NODES = 10000
N_EDGES = 320000
D_FEAT = 128


def _gcn_mean_layer(feat, src, dst):
    # DGL copy_u + mean reduce: h[v] = mean_{(u->v) in E} feat[u]
    msg = jnp.take(feat, src, axis=0)
    summed = jax.ops.segment_sum(msg, dst, num_segments=N_NODES)
    deg = jax.ops.segment_sum(jnp.ones_like(dst, dtype=feat.dtype), dst, num_segments=N_NODES)
    # zero in-degree nodes: summed is 0, so result is 0 (matches DGL mean semantics)
    return summed / jnp.maximum(deg, 1.0)[:, None]


def setup_inputs(seed: int = 0):
    key = jax.random.key(seed)
    k1, k2 = jax.random.split(key)
    features = jax.random.normal(k1, (N_NODES, D_FEAT), dtype=jnp.float32)
    edge_index = jax.random.randint(k2, (2, N_EDGES), 0, N_NODES, dtype=jnp.int32)
    return {"features": features, "edge_index": edge_index}


def reference(features, edge_index):
    src = edge_index[0]
    dst = edge_index[1]
    # GCN layer 1 (no learned weights in this module: pure copy_u/mean)
    x = _gcn_mean_layer(features, src, dst)
    # GCN layer 2
    x2 = _gcn_mean_layer(x, src, dst)
    # final_embedding = mean(stack([x, x2], dim=1), dim=1)
    final_embedding = jnp.mean(jnp.stack([x, x2], axis=1), axis=1)
    return final_embedding

if __name__ == "__main__":
    import jax
    _d = setup_inputs()
    print(jax.jit(kernel)(*tuple(_d.values())))

</pallas_src>

<mosaic_0001>
#map = affine_map<(d0, d1) -> (0, 0)>
#map1 = affine_map<(d0, d1) -> (0, 0, 0)>
#map2 = affine_map<(d0, d1) -> (0)>
module attributes {stable_mosaic.version = 14 : i64} {
  func.func @body(%arg0: i32, %arg1: i32, %arg2: memref<10000x128xf32, #tpu.memory_space<hbm>>, %arg3: memref<32x80x128xi32, #tpu.memory_space<hbm>>, %arg4: memref<32x80x128xi32, #tpu.memory_space<hbm>>, %arg5: memref<10240x128xf32, #tpu.memory_space<hbm>>, %arg6: memref<10240x128xf32, #tpu.memory_space<hbm>>, %arg7: memref<10240xf32, #tpu.memory_space<hbm>>, %arg8: memref<10240xf32, #tpu.memory_space<hbm>>, %arg9: memref<40x128xi32, #tpu.memory_space<vmem>>, %arg10: memref<40x128xi32, #tpu.memory_space<vmem>>, %arg11: memref<128x128xf32, #tpu.memory_space<vmem>>, %arg12: memref<128x128xf32, #tpu.memory_space<vmem>>, %arg13: memref<10240x128xf32, #tpu.memory_space<vmem_shared>>, %arg14: memref<!tpu.dma_semaphore, #tpu.memory_space<semaphore_mem>>, %arg15: memref<!tpu.dma_semaphore, #tpu.memory_space<semaphore_mem>>, %arg16: memref<128xf32, #tpu.memory_space<vmem>>, %arg17: memref<640xf32, #tpu.memory_space<vmem>>, %arg18: memref<10240xf32, #tpu.memory_space<vmem_shared>>) attributes {dimension_semantics = [#tpu.dimension_semantics<core_parallel>, #tpu.dimension_semantics<subcore_parallel>], iteration_bounds = array<i64: 2, 16>, scalar_prefetch = 0 : i64, scratch_operands = 10 : i64, tpu.core_type = #tpu.core_type<sc_vector_subcore>, window_params = [{transform_indices = #map}, {transform_indices = #map1}, {transform_indices = #map1}, {transform_indices = #map}, {transform_indices = #map}, {transform_indices = #map2}, {transform_indices = #map2}]} {
    %mul3A = arith.constant 16 : i32
    %mul3A_0 = arith.muli %arg0, %mul3A : i32
    %add3A = arith.addi %mul3A_0, %arg1 : i32
    %scan3A = arith.constant 0 : i32
    %scan3A_1 = arith.constant 0 : i32
    %scan3A_2 = arith.constant 128 : i32
    %scan3A_3 = arith.addi %scan3A_1, %scan3A_2 : i32
    %scan3A_4 = arith.constant 1 : i32
    scf.for %scan3A_336 = %scan3A_1 to %scan3A_3 step %scan3A_4  : i32 {
      %broadcast_in_dim3A_337 = arith.constant 0.000000e+00 : f32
      %broadcast_in_dim3A_338 = vector.broadcast %broadcast_in_dim3A_337 : f32 to vector<16xf32>
      %swap3A_339 = arith.index_cast %scan3A_336 : i32 to index
      %swap3A_340 = arith.constant 0 : index
      %swap3A_341 = tpu.vector_load %arg11[%swap3A_339, %swap3A_340] {strides = array<i32>} : memref<128x128xf32, #tpu.memory_space<vmem>>, vector<1x16xf32>,
      %swap3A_342 = vector.shape_cast %swap3A_341 : vector<1x16xf32> to vector<16xf32>
      %swap3A_343 = vector.shape_cast %broadcast_in_dim3A_338 : vector<16xf32> to vector<1x16xf32>
      tpu.vector_store %arg11[%swap3A_339, %swap3A_340], %swap3A_343 {strides = array<i32>} : memref<128x128xf32, #tpu.memory_space<vmem>>, vector<1x16xf32>,
      %broadcast_in_dim3A_344 = arith.constant 0.000000e+00 : f32
      %broadcast_in_dim3A_345 = vector.broadcast %broadcast_in_dim3A_344 : f32 to vector<16xf32>
      %swap3A_346 = arith.index_cast %scan3A_336 : i32 to index
      %swap3A_347 = arith.constant 16 : index
      %swap3A_348 = tpu.vector_load %arg11[%swap3A_346, %swap3A_347] {strides = array<i32>} : memref<128x128xf32, #tpu.memory_space<vmem>>, vector<1x16xf32>,
      %swap3A_349 = vector.shape_cast %swap3A_348 : vector<1x16xf32> to vector<16xf32>
      %swap3A_350 = vector.shape_cast %broadcast_in_dim3A_345 : vector<16xf32> to vector<1x16xf32>
      tpu.vector_store %arg11[%swap3A_346, %swap3A_347], %swap3A_350 {strides = array<i32>} : memref<128x128xf32, #tpu.memory_space<vmem>>, vector<1x16xf32>,
      %broadcast_in_dim3A_351 = arith.constant 0.000000e+00 : f32
      %broadcast_in_dim3A_352 = vector.broadcast %broadcast_in_dim3A_351 : f32 to vector<16xf32>
      %swap3A_353 = arith.index_cast %scan3A_336 : i32 to index
      %swap3A_354 = arith.constant 32 : index
      %swap3A_355 = tpu.vector_load %arg11[%swap3A_353, %swap3A_354] {strides = array<i32>} : memref<128x128xf32, #tpu.memory_space<vmem>>, vector<1x16xf32>,
      %swap3A_356 = vector.shape_cast %swap3A_355 : vector<1x16xf32> to vector<16xf32>
      %swap3A_357 = vector.shape_cast %broadcast_in_dim3A_352 : vector<16xf32> to vector<1x16xf32>
      tpu.vector_store %arg11[%swap3A_353, %swap3A_354], %swap3A_357 {strides = array<i32>} : memref<128x128xf32, #tpu.memory_space<vmem>>, vector<1x16xf32>,
      %broadcast_in_dim3A_358 = arith.constant 0.000000e+00 : f32
      %broadcast_in_dim3A_359 = vector.broadcast %broadcast_in_dim3A_358 : f32 to vector<16xf32>
      %swap3A_360 = arith.index_cast %scan3A_336 : i32 to index
      %swap3A_361 = arith.constant 48 : index
      %swap3A_362 = tpu.vector_load %arg11[%swap3A_360, %swap3A_361] {strides = array<i32>} : memref<128x128xf32, #tpu.memory_space<vmem>>, vector<1x16xf32>,
      %swap3A_363 = vector.shape_cast %swap3A_362 : vector<1x16xf32> to vector<16xf32>
      %swap3A_364 = vector.shape_cast %broadcast_in_dim3A_359 : vector<16xf32> to vector<1x16xf32>
      tpu.vector_store %arg11[%swap3A_360, %swap3A_361], %swap3A_364 {strides = array<i32>} : memref<128x128xf32, #tpu.memory_space<vmem>>, vector<1x16xf32>,
      %broadcast_in_dim3A_365 = arith.constant 0.000000e+00 : f32
      %broadcast_in_dim3A_366 = vector.broadcast %broadcast_in_dim3A_365 : f32 to vector<16xf32>
      %swap3A_367 = arith.index_cast %scan3A_336 : i32 to index
      %swap3A_368 = arith.constant 64 : index
      %swap3A_369 = tpu.vector_load %arg11[%swap3A_367, %swap3A_368] {strides = array<i32>} : memref<128x128xf32, #tpu.memory_space<vmem>>, vector<1x16xf32>,
      %swap3A_370 = vector.shape_cast %swap3A_369 : vector<1x16xf32> to vector<16xf32>
      %swap3A_371 = vector.shape_cast %broadcast_in_dim3A_366 : vector<16xf32> to vector<1x16xf32>
      tpu.vector_store %arg11[%swap3A_367, %swap3A_368], %swap3A_371 {strides = array<i32>} : memref<128x128xf32, #tpu.memory_space<vmem>>, vector<1x16xf32>,
      %broadcast_in_dim3A_372 = arith.constant 0.000000e+00 : f32
      %broadcast_in_dim3A_373 = vector.broadcast %broadcast_in_dim3A_372 : f32 to vector<16xf32>
      %swap3A_374 = arith.index_cast %scan3A_336 : i32 to index
      %swap3A_375 = arith.constant 80 : index
      %swap3A_376 = tpu.vector_load %arg11[%swap3A_374, %swap3A_375] {strides = array<i32>} : memref<128x128xf32, #tpu.memory_space<vmem>>, vector<1x16xf32>,
      %swap3A_377 = vector.shape_cast %swap3A_376 : vector<1x16xf32> to vector<16xf32>
      %swap3A_378 = vector.shape_cast %broadcast_in_dim3A_373 : vector<16xf32> to vector<1x16xf32>
      tpu.vector_store %arg11[%swap3A_374, %swap3A_375], %swap3A_378 {strides = array<i32>} : memref<128x128xf32, #tpu.memory_space<vmem>>, vector<1x16xf32>,
      %broadcast_in_dim3A_379 = arith.constant 0.000000e+00 : f32
      %broadcast_in_dim3A_380 = vector.broadcast %broadcast_in_dim3A_379 : f32 to vector<16xf32>
      %swap3A_381 = arith.index_cast %scan3A_336 : i32 to index
      %swap3A_382 = arith.constant 96 : index
      %swap3A_383 = tpu.vector_load %arg11[%swap3A_381, %swap3A_382] {strides = array<i32>} : memref<128x128xf32, #tpu.memory_space<vmem>>, vector<1x16xf32>,
      %swap3A_384 = vector.shape_cast %swap3A_383 : vector<1x16xf32> to vector<16xf32>
      %swap3A_385 = vector.shape_cast %broadcast_in_dim3A_380 : vector<16xf32> to vector<1x16xf32>
      tpu.vector_store %arg11[%swap3A_381, %swap3A_382], %swap3A_385 {strides = array<i32>} : memref<128x128xf32, #tpu.memory_space<vmem>>, vector<1x16xf32>,
      %broadcast_in_dim3A_386 = arith.constant 0.000000e+00 : f32
      %broadcast_in_dim3A_387 = vector.broadcast %broadcast_in_dim3A_386 : f32 to vector<16xf32>
      %swap3A_388 = arith.index_cast %scan3A_336 : i32 to index
      %swap3A_389 = arith.constant 112 : index
      %swap3A_390 = tpu.vector_load %arg11[%swap3A_388, %swap3A_389] {strides = array<i32>} : memref<128x128xf32, #tpu.memory_space<vmem>>, vector<1x16xf32>,
      %swap3A_391 = vector.shape_cast %swap3A_390 : vector<1x16xf32> to vector<16xf32>
      %swap3A_392 = vector.shape_cast %broadcast_in_dim3A_387 : vector<16xf32> to vector<1x16xf32>
      tpu.vector_store %arg11[%swap3A_388, %swap3A_389], %swap3A_392 {strides = array<i32>} : memref<128x128xf32, #tpu.memory_space<vmem>>, vector<1x16xf32>,
    }
    %scan3A_5 = arith.constant 128 : i32
    %mul3A_6 = arith.constant 640 : i32
    %mul3A_7 = arith.muli %arg1, %mul3A_6 : i32
    %add3A_8 = arith.constant 0 : i32
    %add3A_9 = arith.addi %mul3A_7, %add3A_8 : i32
    "tpu.region"() ({
      %run_scoped3A = tpu.sem_alloc : memref<!tpu.dma_semaphore, #tpu.memory_space<semaphore_mem>>
      %dma_start3A = arith.constant 0 : i32
      %dma_start3A_336 = tpu.memref_slice %arg13[%add3A_9, %dma_start3A] : memref<10240x128xf32, #tpu.memory_space<vmem_shared>> -> memref<128x128xf32, #tpu.memory_space<vmem_shared>>
      %dma_start3A_337 = arith.constant 0 : i32
      %dma_start3A_338 = tpu.memref_slice %arg13[%add3A_9, %dma_start3A_337] : memref<10240x128xf32, #tpu.memory_space<vmem_shared>> -> memref<128x128xf32, #tpu.memory_space<vmem_shared>>
      tpu.enqueue_dma source(%arg11 : memref<128x128xf32, #tpu.memory_space<vmem>>) target(%dma_start3A_338 : memref<128x128xf32, #tpu.memory_space<vmem_shared>>) target_semaphore(%run_scoped3A : memref<!tpu.dma_semaphore, #tpu.memory_space<semaphore_mem>>)
      %dma_wait3A = arith.constant 0 : i32
      %dma_wait3A_339 = tpu.memref_slice %arg13[%add3A_9, %dma_wait3A] : memref<10240x128xf32, #tpu.memory_space<vmem_shared>> -> memref<128x128xf32, #tpu.memory_space<vmem_shared>>
      %dma_wait3A_340 = arith.constant 0 : i32
      %dma_wait3A_341 = tpu.memref_slice %arg13[%add3A_9, %dma_wait3A_340] : memref<10240x128xf32, #tpu.memory_space<vmem_shared>> -> memref<128x128xf32, #tpu.memory_space<vmem_shared>>
      tpu.wait_dma2 semaphore(%run_scoped3A : memref<!tpu.dma_semaphore, #tpu.memory_space<semaphore_mem>>) src(%arg11 : memref<128x128xf32, #tpu.memory_space<vmem>>) dst(%dma_wait3A_341 : memref<128x128xf32, #tpu.memory_space<vmem_shared>>)
      tpu.yield
    }) : () -> ()
    %mul3A_10 = arith.constant 640 : i32
    %mul3A_11 = arith.muli %arg1, %mul3A_10 : i32
    %add3A_12 = arith.constant 128 : i32
    %add3A_13 = arith.addi %mul3A_11, %add3A_12 : i32
    "tpu.region"() ({
      %run_scoped3A = tpu.sem_alloc : memref<!tpu.dma_semaphore, #tpu.memory_space<semaphore_mem>>
      %dma_start3A = arith.constant 0 : i32
      %dma_start3A_336 = tpu.memref_slice %arg13[%add3A_13, %dma_start3A] : memref<10240x128xf32, #tpu.memory_space<vmem_shared>> -> memref<128x128xf32, #tpu.memory_space<vmem_shared>>
      %dma_start3A_337 = arith.constant 0 : i32
      %dma_start3A_338 = tpu.memref_slice %arg13[%add3A_13, %dma_start3A_337] : memref<10240x128xf32, #tpu.memory_space<vmem_shared>> -> memref<128x128xf32, #tpu.memory_space<vmem_shared>>
      tpu.enqueue_dma source(%arg11 : memref<128x128xf32, #tpu.memory_space<vmem>>) target(%dma_start3A_338 : memref<128x128xf32, #tpu.memory_space<vmem_shared>>) target_semaphore(%run_scoped3A : memref<!tpu.dma_semaphore, #tpu.memory_space<semaphore_mem>>)
      %dma_wait3A = arith.constant 0 : i32
      %dma_wait3A_339 = tpu.memref_slice %arg13[%add3A_13, %dma_wait3A] : memref<10240x128xf32, #tpu.memory_space<vmem_shared>> -> memref<128x128xf32, #tpu.memory_space<vmem_shared>>
      %dma_wait3A_340 = arith.constant 0 : i32
      %dma_wait3A_341 = tpu.memref_slice %arg13[%add3A_13, %dma_wait3A_340] : memref<10240x128xf32, #tpu.memory_space<vmem_shared>> -> memref<128x128xf32, #tpu.memory_space<vmem_shared>>
      tpu.wait_dma2 semaphore(%run_scoped3A : memref<!tpu.dma_semaphore, #tpu.memory_space<semaphore_mem>>) src(%arg11 : memref<128x128xf32, #tpu.memory_space<vmem>>) dst(%dma_wait3A_341 : memref<128x128xf32, #tpu.memory_space<vmem_shared>>)
      tpu.yield
    }) : () -> ()
    %mul3A_14 = arith.constant 640 : i32
    %mul3A_15 = arith.muli %arg1, %mul3A_14 : i32
    %add3A_16 = arith.constant 256 : i32
    %add3A_17 = arith.addi %mul3A_15, %add3A_16 : i32
    "tpu.region"() ({
      %run_scoped3A = tpu.sem_alloc : memref<!tpu.dma_semaphore, #tpu.memory_space<semaphore_mem>>
      %dma_start3A = arith.constant 0 : i32
      %dma_start3A_336 = tpu.memref_slice %arg13[%add3A_17, %dma_start3A] : memref<10240x128xf32, #tpu.memory_space<vmem_shared>> -> memref<128x128xf32, #tpu.memory_space<vmem_shared>>
      %dma_start3A_337 = arith.constant 0 : i32
      %dma_start3A_338 = tpu.memref_slice %arg13[%add3A_17, %dma_start3A_337] : memref<10240x128xf32, #tpu.memory_space<vmem_shared>> -> memref<128x128xf32, #tpu.memory_space<vmem_shared>>
      tpu.enqueue_dma source(%arg11 : memref<128x128xf32, #tpu.memory_space<vmem>>) target(%dma_start3A_338 : memref<128x128xf32, #tpu.memory_space<vmem_shared>>) target_semaphore(%run_scoped3A : memref<!tpu.dma_semaphore, #tpu.memory_space<semaphore_mem>>)
      %dma_wait3A = arith.constant 0 : i32
      %dma_wait3A_339 = tpu.memref_slice %arg13[%add3A_17, %dma_wait3A] : memref<10240x128xf32, #tpu.memory_space<vmem_shared>> -> memref<128x128xf32, #tpu.memory_space<vmem_shared>>
      %dma_wait3A_340 = arith.constant 0 : i32
      %dma_wait3A_341 = tpu.memref_slice %arg13[%add3A_17, %dma_wait3A_340] : memref<10240x128xf32, #tpu.memory_space<vmem_shared>> -> memref<128x128xf32, #tpu.memory_space<vmem_shared>>
      tpu.wait_dma2 semaphore(%run_scoped3A : memref<!tpu.dma_semaphore, #tpu.memory_space<semaphore_mem>>) src(%arg11 : memref<128x128xf32, #tpu.memory_space<vmem>>) dst(%dma_wait3A_341 : memref<128x128xf32, #tpu.memory_space<vmem_shared>>)
      tpu.yield
    }) : () -> ()
    %mul3A_18 = arith.constant 640 : i32
    %mul3A_19 = arith.muli %arg1, %mul3A_18 : i32
    %add3A_20 = arith.constant 384 : i32
    %add3A_21 = arith.addi %mul3A_19, %add3A_20 : i32
    "tpu.region"() ({
      %run_scoped3A = tpu.sem_alloc : memref<!tpu.dma_semaphore, #tpu.memory_space<semaphore_mem>>
      %dma_start3A = arith.constant 0 : i32
      %dma_start3A_336 = tpu.memref_slice %arg13[%add3A_21, %dma_start3A] : memref<10240x128xf32, #tpu.memory_space<vmem_shared>> -> memref<128x128xf32, #tpu.memory_space<vmem_shared>>
      %dma_start3A_337 = arith.constant 0 : i32
      %dma_start3A_338 = tpu.memref_slice %arg13[%add3A_21, %dma_start3A_337] : memref<10240x128xf32, #tpu.memory_space<vmem_shared>> -> memref<128x128xf32, #tpu.memory_space<vmem_shared>>
      tpu.enqueue_dma source(%arg11 : memref<128x128xf32, #tpu.memory_space<vmem>>) target(%dma_start3A_338 : memref<128x128xf32, #tpu.memory_space<vmem_shared>>) target_semaphore(%run_scoped3A : memref<!tpu.dma_semaphore, #tpu.memory_space<semaphore_mem>>)
      %dma_wait3A = arith.constant 0 : i32
      %dma_wait3A_339 = tpu.memref_slice %arg13[%add3A_21, %dma_wait3A] : memref<10240x128xf32, #tpu.memory_space<vmem_shared>> -> memref<128x128xf32, #tpu.memory_space<vmem_shared>>
      %dma_wait3A_340 = arith.constant 0 : i32
      %dma_wait3A_341 = tpu.memref_slice %arg13[%add3A_21, %dma_wait3A_340] : memref<10240x128xf32, #tpu.memory_space<vmem_shared>> -> memref<128x128xf32, #tpu.memory_space<vmem_shared>>
      tpu.wait_dma2 semaphore(%run_scoped3A : memref<!tpu.dma_semaphore, #tpu.memory_space<semaphore_mem>>) src(%arg11 : memref<128x128xf32, #tpu.memory_space<vmem>>) dst(%dma_wait3A_341 : memref<128x128xf32, #tpu.memory_space<vmem_shared>>)
      tpu.yield
    }) : () -> ()
    %mul3A_22 = arith.constant 640 : i32
    %mul3A_23 = arith.muli %arg1, %mul3A_22 : i32
    %add3A_24 = arith.constant 512 : i32
    %add3A_25 = arith.addi %mul3A_23, %add3A_24 : i32
    "tpu.region"() ({
      %run_scoped3A = tpu.sem_alloc : memref<!tpu.dma_semaphore, #tpu.memory_space<semaphore_mem>>
      %dma_start3A = arith.constant 0 : i32
      %dma_start3A_336 = tpu.memref_slice %arg13[%add3A_25, %dma_start3A] : memref<10240x128xf32, #tpu.memory_space<vmem_shared>> -> memref<128x128xf32, #tpu.memory_space<vmem_shared>>
      %dma_start3A_337 = arith.constant 0 : i32
      %dma_start3A_338 = tpu.memref_slice %arg13[%add3A_25, %dma_start3A_337] : memref<10240x128xf32, #tpu.memory_space<vmem_shared>> -> memref<128x128xf32, #tpu.memory_space<vmem_shared>>
      tpu.enqueue_dma source(%arg11 : memref<128x128xf32, #tpu.memory_space<vmem>>) target(%dma_start3A_338 : memref<128x128xf32, #tpu.memory_space<vmem_shared>>) target_semaphore(%run_scoped3A : memref<!tpu.dma_semaphore, #tpu.memory_space<semaphore_mem>>)
      %dma_wait3A = arith.constant 0 : i32
      %dma_wait3A_339 = tpu.memref_slice %arg13[%add3A_25, %dma_wait3A] : memref<10240x128xf32, #tpu.memory_space<vmem_shared>> -> memref<128x128xf32, #tpu.memory_space<vmem_shared>>
      %dma_wait3A_340 = arith.constant 0 : i32
      %dma_wait3A_341 = tpu.memref_slice %arg13[%add3A_25, %dma_wait3A_340] : memref<10240x128xf32, #tpu.memory_space<vmem_shared>> -> memref<128x128xf32, #tpu.memory_space<vmem_shared>>
      tpu.wait_dma2 semaphore(%run_scoped3A : memref<!tpu.dma_semaphore, #tpu.memory_space<semaphore_mem>>) src(%arg11 : memref<128x128xf32, #tpu.memory_space<vmem>>) dst(%dma_wait3A_341 : memref<128x128xf32, #tpu.memory_space<vmem_shared>>)
      tpu.yield
    }) : () -> ()
    %broadcast_in_dim3A = arith.constant 1.000000e+00 : f32
    %broadcast_in_dim3A_26 = vector.broadcast %broadcast_in_dim3A : f32 to vector<16xf32>
    %swap3A = arith.constant 0 : index
    %swap3A_27 = tpu.vector_load %arg16[%swap3A] {strides = array<i32>} : memref<128xf32, #tpu.memory_space<vmem>>, vector<16xf32>,
    %swap3A_28 = vector.shape_cast %swap3A_27 : vector<16xf32> to vector<16xf32>
    %swap3A_29 = vector.shape_cast %broadcast_in_dim3A_26 : vector<16xf32> to vector<16xf32>
    tpu.vector_store %arg16[%swap3A], %swap3A_29 {strides = array<i32>} : memref<128xf32, #tpu.memory_space<vmem>>, vector<16xf32>,
    %broadcast_in_dim3A_30 = arith.constant 1.000000e+00 : f32
    %broadcast_in_dim3A_31 = vector.broadcast %broadcast_in_dim3A_30 : f32 to vector<16xf32>
    %swap3A_32 = arith.constant 16 : index
    %swap3A_33 = tpu.vector_load %arg16[%swap3A_32] {strides = array<i32>} : memref<128xf32, #tpu.memory_space<vmem>>, vector<16xf32>,
    %swap3A_34 = vector.shape_cast %swap3A_33 : vector<16xf32> to vector<16xf32>
    %swap3A_35 = vector.shape_cast %broadcast_in_dim3A_31 : vector<16xf32> to vector<16xf32>
    tpu.vector_store %arg16[%swap3A_32], %swap3A_35 {strides = array<i32>} : memref<128xf32, #tpu.memory_space<vmem>>, vector<16xf32>,
    %broadcast_in_dim3A_36 = arith.constant 1.000000e+00 : f32
    %broadcast_in_dim3A_37 = vector.broadcast %broadcast_in_dim3A_36 : f32 to vector<16xf32>
    %swap3A_38 = arith.constant 32 : index
    %swap3A_39 = tpu.vector_load %arg16[%swap3A_38] {strides = array<i32>} : memref<128xf32, #tpu.memory_space<vmem>>, vector<16xf32>,
    %swap3A_40 = vector.shape_cast %swap3A_39 : vector<16xf32> to vector<16xf32>
    %swap3A_41 = vector.shape_cast %broadcast_in_dim3A_37 : vector<16xf32> to vector<16xf32>
    tpu.vector_store %arg16[%swap3A_38], %swap3A_41 {strides = array<i32>} : memref<128xf32, #tpu.memory_space<vmem>>, vector<16xf32>,
    %broadcast_in_dim3A_42 = arith.constant 1.000000e+00 : f32
    %broadcast_in_dim3A_43 = vector.broadcast %broadcast_in_dim3A_42 : f32 to vector<16xf32>
    %swap3A_44 = arith.constant 48 : index
    %swap3A_45 = tpu.vector_load %arg16[%swap3A_44] {strides = array<i32>} : memref<128xf32, #tpu.memory_space<vmem>>, vector<16xf32>,
    %swap3A_46 = vector.shape_cast %swap3A_45 : vector<16xf32> to vector<16xf32>
    %swap3A_47 = vector.shape_cast %broadcast_in_dim3A_43 : vector<16xf32> to vector<16xf32>
    tpu.vector_store %arg16[%swap3A_44], %swap3A_47 {strides = array<i32>} : memref<128xf32, #tpu.memory_space<vmem>>, vector<16xf32>,
    %broadcast_in_dim3A_48 = arith.constant 1.000000e+00 : f32
    %broadcast_in_dim3A_49 = vector.broadcast %broadcast_in_dim3A_48 : f32 to vector<16xf32>
    %swap3A_50 = arith.constant 64 : index
    %swap3A_51 = tpu.vector_load %arg16[%swap3A_50] {strides = array<i32>} : memref<128xf32, #tpu.memory_space<vmem>>, vector<16xf32>,
    %swap3A_52 = vector.shape_cast %swap3A_51 : vector<16xf32> to vector<16xf32>
    %swap3A_53 = vector.shape_cast %broadcast_in_dim3A_49 : vector<16xf32> to vector<16xf32>
    tpu.vector_store %arg16[%swap3A_50], %swap3A_53 {strides = array<i32>} : memref<128xf32, #tpu.memory_space<vmem>>, vector<16xf32>,
    %broadcast_in_dim3A_54 = arith.constant 1.000000e+00 : f32
    %broadcast_in_dim3A_55 = vector.broadcast %broadcast_in_dim3A_54 : f32 to vector<16xf32>
    %swap3A_56 = arith.constant 80 : index
    %swap3A_57 = tpu.vector_load %arg16[%swap3A_56] {strides = array<i32>} : memref<128xf32, #tpu.memory_space<vmem>>, vector<16xf32>,
    %swap3A_58 = vector.shape_cast %swap3A_57 : vector<16xf32> to vector<16xf32>
    %swap3A_59 = vector.shape_cast %broadcast_in_dim3A_55 : vector<16xf32> to vector<16xf32>
    tpu.vector_store %arg16[%swap3A_56], %swap3A_59 {strides = array<i32>} : memref<128xf32, #tpu.memory_space<vmem>>, vector<16xf32>,
    %broadcast_in_dim3A_60 = arith.constant 1.000000e+00 : f32
    %broadcast_in_dim3A_61 = vector.broadcast %broadcast_in_dim3A_60 : f32 to vector<16xf32>
    %swap3A_62 = arith.constant 96 : index
    %swap3A_63 = tpu.vector_load %arg16[%swap3A_62] {strides = array<i32>} : memref<128xf32, #tpu.memory_space<vmem>>, vector<16xf32>,
    %swap3A_64 = vector.shape_cast %swap3A_63 : vector<16xf32> to vector<16xf32>
    %swap3A_65 = vector.shape_cast %broadcast_in_dim3A_61 : vector<16xf32> to vector<16xf32>
    tpu.vector_store %arg16[%swap3A_62], %swap3A_65 {strides = array<i32>} : memref<128xf32, #tpu.memory_space<vmem>>, vector<16xf32>,
    %broadcast_in_dim3A_66 = arith.constant 1.000000e+00 : f32
    %broadcast_in_dim3A_67 = vector.broadcast %broadcast_in_dim3A_66 : f32 to vector<16xf32>
    %swap3A_68 = arith.constant 112 : index
    %swap3A_69 = tpu.vector_load %arg16[%swap3A_68] {strides = array<i32>} : memref<128xf32, #tpu.memory_space<vmem>>, vector<16xf32>,
    %swap3A_70 = vector.shape_cast %swap3A_69 : vector<16xf32> to vector<16xf32>
    %swap3A_71 = vector.shape_cast %broadcast_in_dim3A_67 : vector<16xf32> to vector<16xf32>
    tpu.vector_store %arg16[%swap3A_68], %swap3A_71 {strides = array<i32>} : memref<128xf32, #tpu.memory_space<vmem>>, vector<16xf32>,
    %broadcast_in_dim3A_72 = arith.constant 0.000000e+00 : f32
    %broadcast_in_dim3A_73 = vector.broadcast %broadcast_in_dim3A_72 : f32 to vector<16xf32>
    %swap3A_74 = arith.constant 0 : index
    %swap3A_75 = tpu.vector_load %arg17[%swap3A_74] {strides = array<i32>} : memref<640xf32, #tpu.memory_space<vmem>>, vector<16xf32>,
    %swap3A_76 = vector.shape_cast %swap3A_75 : vector<16xf32> to vector<16xf32>
    %swap3A_77 = vector.shape_cast %broadcast_in_dim3A_73 : vector<16xf32> to vector<16xf32>
    tpu.vector_store %arg17[%swap3A_74], %swap3A_77 {strides = array<i32>} : memref<640xf32, #tpu.memory_space<vmem>>, vector<16xf32>,
    %broadcast_in_dim3A_78 = arith.constant 0.000000e+00 : f32
    %broadcast_in_dim3A_79 = vector.broadcast %broadcast_in_dim3A_78 : f32 to vector<16xf32>
    %swap3A_80 = arith.constant 16 : index
    %swap3A_81 = tpu.vector_load %arg17[%swap3A_80] {strides = array<i32>} : memref<640xf32, #tpu.memory_space<vmem>>, vector<16xf32>,
    %swap3A_82 = vector.shape_cast %swap3A_81 : vector<16xf32> to vector<16xf32>
    %swap3A_83 = vector.shape_cast %broadcast_in_dim3A_79 : vector<16xf32> to vector<16xf32>
    tpu.vector_store %arg17[%swap3A_80], %swap3A_83 {strides = array<i32>} : memref<640xf32, #tpu.memory_space<vmem>>, vector<16xf32>,
    %broadcast_in_dim3A_84 = arith.constant 0.000000e+00 : f32
    %broadcast_in_dim3A_85 = vector.broadcast %broadcast_in_dim3A_84 : f32 to vector<16xf32>
    %swap3A_86 = arith.constant 32 : index
    %swap3A_87 = tpu.vector_load %arg17[%swap3A_86] {strides = array<i32>} : memref<640xf32, #tpu.memory_space<vmem>>, vector<16xf32>,
    %swap3A_88 = vector.shape_cast %swap3A_87 : vector<16xf32> to vector<16xf32>
    %swap3A_89 = vector.shape_cast %broadcast_in_dim3A_85 : vector<16xf32> to vector<16xf32>
    tpu.vector_store %arg17[%swap3A_86], %swap3A_89 {strides = array<i32>} : memref<640xf32, #tpu.memory_space<vmem>>, vector<16xf32>,
    %broadcast_in_dim3A_90 = arith.constant 0.000000e+00 : f32
    %broadcast_in_dim3A_91 = vector.broadcast %broadcast_in_dim3A_90 : f32 to vector<16xf32>
    %swap3A_92 = arith.constant 48 : index
    %swap3A_93 = tpu.vector_load %arg17[%swap3A_92] {strides = array<i32>} : memref<640xf32, #tpu.memory_space<vmem>>, vector<16xf32>,
    %swap3A_94 = vector.shape_cast %swap3A_93 : vector<16xf32> to vector<16xf32>
    %swap3A_95 = vector.shape_cast %broadcast_in_dim3A_91 : vector<16xf32> to vector<16xf32>
    tpu.vector_store %arg17[%swap3A_92], %swap3A_95 {strides = array<i32>} : memref<640xf32, #tpu.memory_space<vmem>>, vector<16xf32>,
    %broadcast_in_dim3A_96 = arith.constant 0.000000e+00 : f32
    %broadcast_in_dim3A_97 = vector.broadcast %broadcast_in_dim3A_96 : f32 to vector<16xf32>
    %swap3A_98 = arith.constant 64 : index
    %swap3A_99 = tpu.vector_load %arg17[%swap3A_98] {strides = array<i32>} : memref<640xf32, #tpu.memory_space<vmem>>, vector<16xf32>,
    %swap3A_100 = vector.shape_cast %swap3A_99 : vector<16xf32> to vector<16xf32>
    %swap3A_101 = vector.shape_cast %broadcast_in_dim3A_97 : vector<16xf32> to vector<16xf32>
    tpu.vector_store %arg17[%swap3A_98], %swap3A_101 {strides = array<i32>} : memref<640xf32, #tpu.memory_space<vmem>>, vector<16xf32>,
    %broadcast_in_dim3A_102 = arith.constant 0.000000e+00 : f32
    %broadcast_in_dim3A_103 = vector.broadcast %broadcast_in_dim3A_102 : f32 to vector<16xf32>
    %swap3A_104 = arith.constant 80 : index
    %swap3A_105 = tpu.vector_load %arg17[%swap3A_104] {strides = array<i32>} : memref<640xf32, #tpu.memory_space<vmem>>, vector<16xf32>,
    %swap3A_106 = vector.shape_cast %swap3A_105 : vector<16xf32> to vector<16xf32>
    %swap3A_107 = vector.shape_cast %broadcast_in_dim3A_103 : vector<16xf32> to vector<16xf32>
    tpu.vector_store %arg17[%swap3A_104], %swap3A_107 {strides = array<i32>} : memref<640xf32, #tpu.memory_space<vmem>>, vector<16xf32>,
    %broadcast_in_dim3A_108 = arith.constant 0.000000e+00 : f32
    %broadcast_in_dim3A_109 = vector.broadcast %broadcast_in_dim3A_108 : f32 to vector<16xf32>
    %swap3A_110 = arith.constant 96 : index
    %swap3A_111 = tpu.vector_load %arg17[%swap3A_110] {strides = array<i32>} : memref<640xf32, #tpu.memory_space<vmem>>, vector<16xf32>,
    %swap3A_112 = vector.shape_cast %swap3A_111 : vector<16xf32> to vector<16xf32>
    %swap3A_113 = vector.shape_cast %broadcast_in_dim3A_109 : vector<16xf32> to vector<16xf32>
    tpu.vector_store %arg17[%swap3A_110], %swap3A_113 {strides = array<i32>} : memref<640xf32, #tpu.memory_space<vmem>>, vector<16xf32>,
    %broadcast_in_dim3A_114 = arith.constant 0.000000e+00 : f32
    %broadcast_in_dim3A_115 = vector.broadcast %broadcast_in_dim3A_114 : f32 to vector<16xf32>
    %swap3A_116 = arith.constant 112 : index
    %swap3A_117 = tpu.vector_load %arg17[%swap3A_116] {strides = array<i32>} : memref<640xf32, #tpu.memory_space<vmem>>, vector<16xf32>,
    %swap3A_118 = vector.shape_cast %swap3A_117 : vector<16xf32> to vector<16xf32>
    %swap3A_119 = vector.shape_cast %broadcast_in_dim3A_115 : vector<16xf32> to vector<16xf32>
    tpu.vector_store %arg17[%swap3A_116], %swap3A_119 {strides = array<i32>} : memref<640xf32, #tpu.memory_space<vmem>>, vector<16xf32>,
    %broadcast_in_dim3A_120 = arith.constant 0.000000e+00 : f32
    %broadcast_in_dim3A_121 = vector.broadcast %broadcast_in_dim3A_120 : f32 to vector<16xf32>
    %swap3A_122 = arith.constant 128 : index
    %swap3A_123 = tpu.vector_load %arg17[%swap3A_122] {strides = array<i32>} : memref<640xf32, #tpu.memory_space<vmem>>, vector<16xf32>,
    %swap3A_124 = vector.shape_cast %swap3A_123 : vector<16xf32> to vector<16xf32>
    %swap3A_125 = vector.shape_cast %broadcast_in_dim3A_121 : vector<16xf32> to vector<16xf32>
    tpu.vector_store %arg17[%swap3A_122], %swap3A_125 {strides = array<i32>} : memref<640xf32, #tpu.memory_space<vmem>>, vector<16xf32>,
    %broadcast_in_dim3A_126 = arith.constant 0.000000e+00 : f32
    %broadcast_in_dim3A_127 = vector.broadcast %broadcast_in_dim3A_126 : f32 to vector<16xf32>
    %swap3A_128 = arith.constant 144 : index
    %swap3A_129 = tpu.vector_load %arg17[%swap3A_128] {strides = array<i32>} : memref<640xf32, #tpu.memory_space<vmem>>, vector<16xf32>,
    %swap3A_130 = vector.shape_cast %swap3A_129 : vector<16xf32> to vector<16xf32>
    %swap3A_131 = vector.shape_cast %broadcast_in_dim3A_127 : vector<16xf32> to vector<16xf32>
    tpu.vector_store %arg17[%swap3A_128], %swap3A_131 {strides = array<i32>} : memref<640xf32, #tpu.memory_space<vmem>>, vector<16xf32>,
    %broadcast_in_dim3A_132 = arith.constant 0.000000e+00 : f32
    %broadcast_in_dim3A_133 = vector.broadcast %broadcast_in_dim3A_132 : f32 to vector<16xf32>
    %swap3A_134 = arith.constant 160 : index
    %swap3A_135 = tpu.vector_load %arg17[%swap3A_134] {strides = array<i32>} : memref<640xf32, #tpu.memory_space<vmem>>, vector<16xf32>,
    %swap3A_136 = vector.shape_cast %swap3A_135 : vector<16xf32> to vector<16xf32>
    %swap3A_137 = vector.shape_cast %broadcast_in_dim3A_133 : vector<16xf32> to vector<16xf32>
    tpu.vector_store %arg17[%swap3A_134], %swap3A_137 {strides = array<i32>} : memref<640xf32, #tpu.memory_space<vmem>>, vector<16xf32>,
    %broadcast_in_dim3A_138 = arith.constant 0.000000e+00 : f32
    %broadcast_in_dim3A_139 = vector.broadcast %broadcast_in_dim3A_138 : f32 to vector<16xf32>
    %swap3A_140 = arith.constant 176 : index
    %swap3A_141 = tpu.vector_load %arg17[%swap3A_140] {strides = array<i32>} : memref<640xf32, #tpu.memory_space<vmem>>, vector<16xf32>,
    %swap3A_142 = vector.shape_cast %swap3A_141 : vector<16xf32> to vector<16xf32>
    %swap3A_143 = vector.shape_cast %broadcast_in_dim3A_139 : vector<16xf32> to vector<16xf32>
    tpu.vector_store %arg17[%swap3A_140], %swap3A_143 {strides = array<i32>} : memref<640xf32, #tpu.memory_space<vmem>>, vector<16xf32>,
    %broadcast_in_dim3A_144 = arith.constant 0.000000e+00 : f32
    %broadcast_in_dim3A_145 = vector.broadcast %broadcast_in_dim3A_144 : f32 to vector<16xf32>
    %swap3A_146 = arith.constant 192 : index
    %swap3A_147 = tpu.vector_load %arg17[%swap3A_146] {strides = array<i32>} : memref<640xf32, #tpu.memory_space<vmem>>, vector<16xf32>,
    %swap3A_148 = vector.shape_cast %swap3A_147 : vector<16xf32> to vector<16xf32>
    %swap3A_149 = vector.shape_cast %broadcast_in_dim3A_145 : vector<16xf32> to vector<16xf32>
    tpu.vector_store %arg17[%swap3A_146], %swap3A_149 {strides = array<i32>} : memref<640xf32, #tpu.memory_space<vmem>>, vector<16xf32>,
    %broadcast_in_dim3A_150 = arith.constant 0.000000e+00 : f32
    %broadcast_in_dim3A_151 = vector.broadcast %broadcast_in_dim3A_150 : f32 to vector<16xf32>
    %swap3A_152 = arith.constant 208 : index
    %swap3A_153 = tpu.vector_load %arg17[%swap3A_152] {strides = array<i32>} : memref<640xf32, #tpu.memory_space<vmem>>, vector<16xf32>,
    %swap3A_154 = vector.shape_cast %swap3A_153 : vector<16xf32> to vector<16xf32>
    %swap3A_155 = vector.shape_cast %broadcast_in_dim3A_151 : vector<16xf32> to vector<16xf32>
    tpu.vector_store %arg17[%swap3A_152], %swap3A_155 {strides = array<i32>} : memref<640xf32, #tpu.memory_space<vmem>>, vector<16xf32>,
    %broadcast_in_dim3A_156 = arith.constant 0.000000e+00 : f32
    %broadcast_in_dim3A_157 = vector.broadcast %broadcast_in_dim3A_156 : f32 to vector<16xf32>
    %swap3A_158 = arith.constant 224 : index
    %swap3A_159 = tpu.vector_load %arg17[%swap3A_158] {strides = array<i32>} : memref<640xf32, #tpu.memory_space<vmem>>, vector<16xf32>,
    %swap3A_160 = vector.shape_cast %swap3A_159 : vector<16xf32> to vector<16xf32>
    %swap3A_161 = vector.shape_cast %broadcast_in_dim3A_157 : vector<16xf32> to vector<16xf32>
    tpu.vector_store %arg17[%swap3A_158], %swap3A_161 {strides = array<i32>} : memref<640xf32, #tpu.memory_space<vmem>>, vector<16xf32>,
    %broadcast_in_dim3A_162 = arith.constant 0.000000e+00 : f32
    %broadcast_in_dim3A_163 = vector.broadcast %broadcast_in_dim3A_162 : f32 to vector<16xf32>
    %swap3A_164 = arith.constant 240 : index
    %swap3A_165 = tpu.vector_load %arg17[%swap3A_164] {strides = array<i32>} : memref<640xf32, #tpu.memory_space<vmem>>, vector<16xf32>,
    %swap3A_166 = vector.shape_cast %swap3A_165 : vector<16xf32> to vector<16xf32>
    %swap3A_167 = vector.shape_cast %broadcast_in_dim3A_163 : vector<16xf32> to vector<16xf32>
    tpu.vector_store %arg17[%swap3A_164], %swap3A_167 {strides = array<i32>} : memref<640xf32, #tpu.memory_space<vmem>>, vector<16xf32>,
    %broadcast_in_dim3A_168 = arith.constant 0.000000e+00 : f32
    %broadcast_in_dim3A_169 = vector.broadcast %broadcast_in_dim3A_168 : f32 to vector<16xf32>
    %swap3A_170 = arith.constant 256 : index
    %swap3A_171 = tpu.vector_load %arg17[%swap3A_170] {strides = array<i32>} : memref<640xf32, #tpu.memory_space<vmem>>, vector<16xf32>,
    %swap3A_172 = vector.shape_cast %swap3A_171 : vector<16xf32> to vector<16xf32>
    %swap3A_173 = vector.shape_cast %broadcast_in_dim3A_169 : vector<16xf32> to vector<16xf32>
    tpu.vector_store %arg17[%swap3A_170], %swap3A_173 {strides = array<i32>} : memref<640xf32, #tpu.memory_space<vmem>>, vector<16xf32>,
    %broadcast_in_dim3A_174 = arith.constant 0.000000e+00 : f32
    %broadcast_in_dim3A_175 = vector.broadcast %broadcast_in_dim3A_174 : f32 to vector<16xf32>
    %swap3A_176 = arith.constant 272 : index
    %swap3A_177 = tpu.vector_load %arg17[%swap3A_176] {strides = array<i32>} : memref<640xf32, #tpu.memory_space<vmem>>, vector<16xf32>,
    %swap3A_178 = vector.shape_cast %swap3A_177 : vector<16xf32> to vector<16xf32>
    %swap3A_179 = vector.shape_cast %broadcast_in_dim3A_175 : vector<16xf32> to vector<16xf32>
    tpu.vector_store %arg17[%swap3A_176], %swap3A_179 {strides = array<i32>} : memref<640xf32, #tpu.memory_space<vmem>>, vector<16xf32>,
    %broadcast_in_dim3A_180 = arith.constant 0.000000e+00 : f32
    %broadcast_in_dim3A_181 = vector.broadcast %broadcast_in_dim3A_180 : f32 to vector<16xf32>
    %swap3A_182 = arith.constant 288 : index
    %swap3A_183 = tpu.vector_load %arg17[%swap3A_182] {strides = array<i32>} : memref<640xf32, #tpu.memory_space<vmem>>, vector<16xf32>,
    %swap3A_184 = vector.shape_cast %swap3A_183 : vector<16xf32> to vector<16xf32>
    %swap3A_185 = vector.shape_cast %broadcast_in_dim3A_181 : vector<16xf32> to vector<16xf32>
    tpu.vector_store %arg17[%swap3A_182], %swap3A_185 {strides = array<i32>} : memref<640xf32, #tpu.memory_space<vmem>>, vector<16xf32>,
    %broadcast_in_dim3A_186 = arith.constant 0.000000e+00 : f32
    %broadcast_in_dim3A_187 = vector.broadcast %broadcast_in_dim3A_186 : f32 to vector<16xf32>
    %swap3A_188 = arith.constant 304 : index
    %swap3A_189 = tpu.vector_load %arg17[%swap3A_188] {strides = array<i32>} : memref<640xf32, #tpu.memory_space<vmem>>, vector<16xf32>,
    %swap3A_190 = vector.shape_cast %swap3A_189 : vector<16xf32> to vector<16xf32>
    %swap3A_191 = vector.shape_cast %broadcast_in_dim3A_187 : vector<16xf32> to vector<16xf32>
    tpu.vector_store %arg17[%swap3A_188], %swap3A_191 {strides = array<i32>} : memref<640xf32, #tpu.memory_space<vmem>>, vector<16xf32>,
    %broadcast_in_dim3A_192 = arith.constant 0.000000e+00 : f32
    %broadcast_in_dim3A_193 = vector.broadcast %broadcast_in_dim3A_192 : f32 to vector<16xf32>
    %swap3A_194 = arith.constant 320 : index
    %swap3A_195 = tpu.vector_load %arg17[%swap3A_194] {strides = array<i32>} : memref<640xf32, #tpu.memory_space<vmem>>, vector<16xf32>,
    %swap3A_196 = vector.shape_cast %swap3A_195 : vector<16xf32> to vector<16xf32>
    %swap3A_197 = vector.shape_cast %broadcast_in_dim3A_193 : vector<16xf32> to vector<16xf32>
    tpu.vector_store %arg17[%swap3A_194], %swap3A_197 {strides = array<i32>} : memref<640xf32, #tpu.memory_space<vmem>>, vector<16xf32>,
    %broadcast_in_dim3A_198 = arith.constant 0.000000e+00 : f32
    %broadcast_in_dim3A_199 = vector.broadcast %broadcast_in_dim3A_198 : f32 to vector<16xf32>
    %swap3A_200 = arith.constant 336 : index
    %swap3A_201 = tpu.vector_load %arg17[%swap3A_200] {strides = array<i32>} : memref<640xf32, #tpu.memory_space<vmem>>, vector<16xf32>,
    %swap3A_202 = vector.shape_cast %swap3A_201 : vector<16xf32> to vector<16xf32>
    %swap3A_203 = vector.shape_cast %broadcast_in_dim3A_199 : vector<16xf32> to vector<16xf32>
    tpu.vector_store %arg17[%swap3A_200], %swap3A_203 {strides = array<i32>} : memref<640xf32, #tpu.memory_space<vmem>>, vector<16xf32>,
    %broadcast_in_dim3A_204 = arith.constant 0.000000e+00 : f32
    %broadcast_in_dim3A_205 = vector.broadcast %broadcast_in_dim3A_204 : f32 to vector<16xf32>
    %swap3A_206 = arith.constant 352 : index
    %swap3A_207 = tpu.vector_load %arg17[%swap3A_206] {strides = array<i32>} : memref<640xf32, #tpu.memory_space<vmem>>, vector<16xf32>,
    %swap3A_208 = vector.shape_cast %swap3A_207 : vector<16xf32> to vector<16xf32>
    %swap3A_209 = vector.shape_cast %broadcast_in_dim3A_205 : vector<16xf32> to vector<16xf32>
    tpu.vector_store %arg17[%swap3A_206], %swap3A_209 {strides = array<i32>} : memref<640xf32, #tpu.memory_space<vmem>>, vector<16xf32>,
    %broadcast_in_dim3A_210 = arith.constant 0.000000e+00 : f32
    %broadcast_in_dim3A_211 = vector.broadcast %broadcast_in_dim3A_210 : f32 to vector<16xf32>
    %swap3A_212 = arith.constant 368 : index
    %swap3A_213 = tpu.vector_load %arg17[%swap3A_212] {strides = array<i32>} : memref<640xf32, #tpu.memory_space<vmem>>, vector<16xf32>,
    %swap3A_214 = vector.shape_cast %swap3A_213 : vector<16xf32> to vector<16xf32>
    %swap3A_215 = vector.shape_cast %broadcast_in_dim3A_211 : vector<16xf32> to vector<16xf32>
    tpu.vector_store %arg17[%swap3A_212], %swap3A_215 {strides = array<i32>} : memref<640xf32, #tpu.memory_space<vmem>>, vector<16xf32>,
    %broadcast_in_dim3A_216 = arith.constant 0.000000e+00 : f32
    %broadcast_in_dim3A_217 = vector.broadcast %broadcast_in_dim3A_216 : f32 to vector<16xf32>
    %swap3A_218 = arith.constant 384 : index
    %swap3A_219 = tpu.vector_load %arg17[%swap3A_218] {strides = array<i32>} : memref<640xf32, #tpu.memory_space<vmem>>, vector<16xf32>,
    %swap3A_220 = vector.shape_cast %swap3A_219 : vector<16xf32> to vector<16xf32>
    %swap3A_221 = vector.shape_cast %broadcast_in_dim3A_217 : vector<16xf32> to vector<16xf32>
    tpu.vector_store %arg17[%swap3A_218], %swap3A_221 {strides = array<i32>} : memref<640xf32, #tpu.memory_space<vmem>>, vector<16xf32>,
    %broadcast_in_dim3A_222 = arith.constant 0.000000e+00 : f32
    %broadcast_in_dim3A_223 = vector.broadcast %broadcast_in_dim3A_222 : f32 to vector<16xf32>
    %swap3A_224 = arith.constant 400 : index
    %swap3A_225 = tpu.vector_load %arg17[%swap3A_224] {strides = array<i32>} : memref<640xf32, #tpu.memory_space<vmem>>, vector<16xf32>,
    %swap3A_226 = vector.shape_cast %swap3A_225 : vector<16xf32> to vector<16xf32>
    %swap3A_227 = vector.shape_cast %broadcast_in_dim3A_223 : vector<16xf32> to vector<16xf32>
    tpu.vector_store %arg17[%swap3A_224], %swap3A_227 {strides = array<i32>} : memref<640xf32, #tpu.memory_space<vmem>>, vector<16xf32>,
    %broadcast_in_dim3A_228 = arith.constant 0.000000e+00 : f32
    %broadcast_in_dim3A_229 = vector.broadcast %broadcast_in_dim3A_228 : f32 to vector<16xf32>
    %swap3A_230 = arith.constant 416 : index
    %swap3A_231 = tpu.vector_load %arg17[%swap3A_230] {strides = array<i32>} : memref<640xf32, #tpu.memory_space<vmem>>, vector<16xf32>,
    %swap3A_232 = vector.shape_cast %swap3A_231 : vector<16xf32> to vector<16xf32>
    %swap3A_233 = vector.shape_cast %broadcast_in_dim3A_229 : vector<16xf32> to vector<16xf32>
    tpu.vector_store %arg17[%swap3A_230], %swap3A_233 {strides = array<i32>} : memref<640xf32, #tpu.memory_space<vmem>>, vector<16xf32>,
    %broadcast_in_dim3A_234 = arith.constant 0.000000e+00 : f32
    %broadcast_in_dim3A_235 = vector.broadcast %broadcast_in_dim3A_234 : f32 to vector<16xf32>
    %swap3A_236 = arith.constant 432 : index
    %swap3A_237 = tpu.vector_load %arg17[%swap3A_236] {strides = array<i32>} : memref<640xf32, #tpu.memory_space<vmem>>, vector<16xf32>,
    %swap3A_238 = vector.shape_cast %swap3A_237 : vector<16xf32> to vector<16xf32>
    %swap3A_239 = vector.shape_cast %broadcast_in_dim3A_235 : vector<16xf32> to vector<16xf32>
    tpu.vector_store %arg17[%swap3A_236], %swap3A_239 {strides = array<i32>} : memref<640xf32, #tpu.memory_space<vmem>>, vector<16xf32>,
    %broadcast_in_dim3A_240 = arith.constant 0.000000e+00 : f32
    %broadcast_in_dim3A_241 = vector.broadcast %broadcast_in_dim3A_240 : f32 to vector<16xf32>
    %swap3A_242 = arith.constant 448 : index
    %swap3A_243 = tpu.vector_load %arg17[%swap3A_242] {strides = array<i32>} : memref<640xf32, #tpu.memory_space<vmem>>, vector<16xf32>,
    %swap3A_244 = vector.shape_cast %swap3A_243 : vector<16xf32> to vector<16xf32>
    %swap3A_245 = vector.shape_cast %broadcast_in_dim3A_241 : vector<16xf32> to vector<16xf32>
    tpu.vector_store %arg17[%swap3A_242], %swap3A_245 {strides = array<i32>} : memref<640xf32, #tpu.memory_space<vmem>>, vector<16xf32>,
    %broadcast_in_dim3A_246 = arith.constant 0.000000e+00 : f32
    %broadcast_in_dim3A_247 = vector.broadcast %broadcast_in_dim3A_246 : f32 to vector<16xf32>
    %swap3A_248 = arith.constant 464 : index
    %swap3A_249 = tpu.vector_load %arg17[%swap3A_248] {strides = array<i32>} : memref<640xf32, #tpu.memory_space<vmem>>, vector<16xf32>,
    %swap3A_250 = vector.shape_cast %swap3A_249 : vector<16xf32> to vector<16xf32>
    %swap3A_251 = vector.shape_cast %broadcast_in_dim3A_247 : vector<16xf32> to vector<16xf32>
    tpu.vector_store %arg17[%swap3A_248], %swap3A_251 {strides = array<i32>} : memref<640xf32, #tpu.memory_space<vmem>>, vector<16xf32>,
    %broadcast_in_dim3A_252 = arith.constant 0.000000e+00 : f32
    %broadcast_in_dim3A_253 = vector.broadcast %broadcast_in_dim3A_252 : f32 to vector<16xf32>
    %swap3A_254 = arith.constant 480 : index
    %swap3A_255 = tpu.vector_load %arg17[%swap3A_254] {strides = array<i32>} : memref<640xf32, #tpu.memory_space<vmem>>, vector<16xf32>,
    %swap3A_256 = vector.shape_cast %swap3A_255 : vector<16xf32> to vector<16xf32>
    %swap3A_257 = vector.shape_cast %broadcast_in_dim3A_253 : vector<16xf32> to vector<16xf32>
    tpu.vector_store %arg17[%swap3A_254], %swap3A_257 {strides = array<i32>} : memref<640xf32, #tpu.memory_space<vmem>>, vector<16xf32>,
    %broadcast_in_dim3A_258 = arith.constant 0.000000e+00 : f32
    %broadcast_in_dim3A_259 = vector.broadcast %broadcast_in_dim3A_258 : f32 to vector<16xf32>
    %swap3A_260 = arith.constant 496 : index
    %swap3A_261 = tpu.vector_load %arg17[%swap3A_260] {strides = array<i32>} : memref<640xf32, #tpu.memory_space<vmem>>, vector<16xf32>,
    %swap3A_262 = vector.shape_cast %swap3A_261 : vector<16xf32> to vector<16xf32>
    %swap3A_263 = vector.shape_cast %broadcast_in_dim3A_259 : vector<16xf32> to vector<16xf32>
    tpu.vector_store %arg17[%swap3A_260], %swap3A_263 {strides = array<i32>} : memref<640xf32, #tpu.memory_space<vmem>>, vector<16xf32>,
    %broadcast_in_dim3A_264 = arith.constant 0.000000e+00 : f32
    %broadcast_in_dim3A_265 = vector.broadcast %broadcast_in_dim3A_264 : f32 to vector<16xf32>
    %swap3A_266 = arith.constant 512 : index
    %swap3A_267 = tpu.vector_load %arg17[%swap3A_266] {strides = array<i32>} : memref<640xf32, #tpu.memory_space<vmem>>, vector<16xf32>,
    %swap3A_268 = vector.shape_cast %swap3A_267 : vector<16xf32> to vector<16xf32>
    %swap3A_269 = vector.shape_cast %broadcast_in_dim3A_265 : vector<16xf32> to vector<16xf32>
    tpu.vector_store %arg17[%swap3A_266], %swap3A_269 {strides = array<i32>} : memref<640xf32, #tpu.memory_space<vmem>>, vector<16xf32>,
    %broadcast_in_dim3A_270 = arith.constant 0.000000e+00 : f32
    %broadcast_in_dim3A_271 = vector.broadcast %broadcast_in_dim3A_270 : f32 to vector<16xf32>
    %swap3A_272 = arith.constant 528 : index
    %swap3A_273 = tpu.vector_load %arg17[%swap3A_272] {strides = array<i32>} : memref<640xf32, #tpu.memory_space<vmem>>, vector<16xf32>,
    %swap3A_274 = vector.shape_cast %swap3A_273 : vector<16xf32> to vector<16xf32>
    %swap3A_275 = vector.shape_cast %broadcast_in_dim3A_271 : vector<16xf32> to vector<16xf32>
    tpu.vector_store %arg17[%swap3A_272], %swap3A_275 {strides = array<i32>} : memref<640xf32, #tpu.memory_space<vmem>>, vector<16xf32>,
    %broadcast_in_dim3A_276 = arith.constant 0.000000e+00 : f32
    %broadcast_in_dim3A_277 = vector.broadcast %broadcast_in_dim3A_276 : f32 to vector<16xf32>
    %swap3A_278 = arith.constant 544 : index
    %swap3A_279 = tpu.vector_load %arg17[%swap3A_278] {strides = array<i32>} : memref<640xf32, #tpu.memory_space<vmem>>, vector<16xf32>,
    %swap3A_280 = vector.shape_cast %swap3A_279 : vector<16xf32> to vector<16xf32>
    %swap3A_281 = vector.shape_cast %broadcast_in_dim3A_277 : vector<16xf32> to vector<16xf32>
    tpu.vector_store %arg17[%swap3A_278], %swap3A_281 {strides = array<i32>} : memref<640xf32, #tpu.memory_space<vmem>>, vector<16xf32>,
    %broadcast_in_dim3A_282 = arith.constant 0.000000e+00 : f32
    %broadcast_in_dim3A_283 = vector.broadcast %broadcast_in_dim3A_282 : f32 to vector<16xf32>
    %swap3A_284 = arith.constant 560 : index
    %swap3A_285 = tpu.vector_load %arg17[%swap3A_284] {strides = array<i32>} : memref<640xf32, #tpu.memory_space<vmem>>, vector<16xf32>,
    %swap3A_286 = vector.shape_cast %swap3A_285 : vector<16xf32> to vector<16xf32>
    %swap3A_287 = vector.shape_cast %broadcast_in_dim3A_283 : vector<16xf32> to vector<16xf32>
    tpu.vector_store %arg17[%swap3A_284], %swap3A_287 {strides = array<i32>} : memref<640xf32, #tpu.memory_space<vmem>>, vector<16xf32>,
    %broadcast_in_dim3A_288 = arith.constant 0.000000e+00 : f32
    %broadcast_in_dim3A_289 = vector.broadcast %broadcast_in_dim3A_288 : f32 to vector<16xf32>
    %swap3A_290 = arith.constant 576 : index
    %swap3A_291 = tpu.vector_load %arg17[%swap3A_290] {strides = array<i32>} : memref<640xf32, #tpu.memory_space<vmem>>, vector<16xf32>,
    %swap3A_292 = vector.shape_cast %swap3A_291 : vector<16xf32> to vector<16xf32>
    %swap3A_293 = vector.shape_cast %broadcast_in_dim3A_289 : vector<16xf32> to vector<16xf32>
    tpu.vector_store %arg17[%swap3A_290], %swap3A_293 {strides = array<i32>} : memref<640xf32, #tpu.memory_space<vmem>>, vector<16xf32>,
    %broadcast_in_dim3A_294 = arith.constant 0.000000e+00 : f32
    %broadcast_in_dim3A_295 = vector.broadcast %broadcast_in_dim3A_294 : f32 to vector<16xf32>
    %swap3A_296 = arith.constant 592 : index
    %swap3A_297 = tpu.vector_load %arg17[%swap3A_296] {strides = array<i32>} : memref<640xf32, #tpu.memory_space<vmem>>, vector<16xf32>,
    %swap3A_298 = vector.shape_cast %swap3A_297 : vector<16xf32> to vector<16xf32>
    %swap3A_299 = vector.shape_cast %broadcast_in_dim3A_295 : vector<16xf32> to vector<16xf32>
    tpu.vector_store %arg17[%swap3A_296], %swap3A_299 {strides = array<i32>} : memref<640xf32, #tpu.memory_space<vmem>>, vector<16xf32>,
    %broadcast_in_dim3A_300 = arith.constant 0.000000e+00 : f32
    %broadcast_in_dim3A_301 = vector.broadcast %broadcast_in_dim3A_300 : f32 to vector<16xf32>
    %swap3A_302 = arith.constant 608 : index
    %swap3A_303 = tpu.vector_load %arg17[%swap3A_302] {strides = array<i32>} : memref<640xf32, #tpu.memory_space<vmem>>, vector<16xf32>,
    %swap3A_304 = vector.shape_cast %swap3A_303 : vector<16xf32> to vector<16xf32>
    %swap3A_305 = vector.shape_cast %broadcast_in_dim3A_301 : vector<16xf32> to vector<16xf32>
    tpu.vector_store %arg17[%swap3A_302], %swap3A_305 {strides = array<i32>} : memref<640xf32, #tpu.memory_space<vmem>>, vector<16xf32>,
    %broadcast_in_dim3A_306 = arith.constant 0.000000e+00 : f32
    %broadcast_in_dim3A_307 = vector.broadcast %broadcast_in_dim3A_306 : f32 to vector<16xf32>
    %swap3A_308 = arith.constant 624 : index
    %swap3A_309 = tpu.vector_load %arg17[%swap3A_308] {strides = array<i32>} : memref<640xf32, #tpu.memory_space<vmem>>, vector<16xf32>,
    %swap3A_310 = vector.shape_cast %swap3A_309 : vector<16xf32> to vector<16xf32>
    %swap3A_311 = vector.shape_cast %broadcast_in_dim3A_307 : vector<16xf32> to vector<16xf32>
    tpu.vector_store %arg17[%swap3A_308], %swap3A_311 {strides = array<i32>} : memref<640xf32, #tpu.memory_space<vmem>>, vector<16xf32>,
    %mul3A_312 = arith.constant 640 : i32
    %mul3A_313 = arith.muli %arg1, %mul3A_312 : i32
    "tpu.region"() ({
      %run_scoped3A = tpu.sem_alloc : memref<!tpu.dma_semaphore, #tpu.memory_space<semaphore_mem>>
      %dma_start3A = tpu.memref_slice %arg18[%mul3A_313] : memref<10240xf32, #tpu.memory_space<vmem_shared>> -> memref<640xf32, #tpu.memory_space<vmem_shared>>
      %dma_start3A_336 = tpu.memref_slice %arg18[%mul3A_313] : memref<10240xf32, #tpu.memory_space<vmem_shared>> -> memref<640xf32, #tpu.memory_space<vmem_shared>>
      tpu.enqueue_dma source(%arg17 : memref<640xf32, #tpu.memory_space<vmem>>) target(%dma_start3A_336 : memref<640xf32, #tpu.memory_space<vmem_shared>>) target_semaphore(%run_scoped3A : memref<!tpu.dma_semaphore, #tpu.memory_space<semaphore_mem>>)
      %dma_wait3A = tpu.memref_slice %arg18[%mul3A_313] : memref<10240xf32, #tpu.memory_space<vmem_shared>> -> memref<640xf32, #tpu.memory_space<vmem_shared>>
      %dma_wait3A_337 = tpu.memref_slice %arg18[%mul3A_313] : memref<10240xf32, #tpu.memory_space<vmem_shared>> -> memref<640xf32, #tpu.memory_space<vmem_shared>>
      tpu.wait_dma2 semaphore(%run_scoped3A : memref<!tpu.dma_semaphore, #tpu.memory_space<semaphore_mem>>) src(%arg17 : memref<640xf32, #tpu.memory_space<vmem>>) dst(%dma_wait3A_337 : memref<640xf32, #tpu.memory_space<vmem_shared>>)
      tpu.yield
    }) : () -> ()
    %barrier3A = arith.constant 0 : index
    tpu.barrier barrier_id(%barrier3A)
    "tpu.region"() ({
      %run_scoped3A = tpu.sem_alloc : memref<!tpu.dma_semaphore, #tpu.memory_space<semaphore_mem>>
      %dma_start3A = arith.constant 0 : i32
      %dma_start3A_336 = arith.constant 0 : i32
      %dma_start3A_337 = tpu.memref_slice %arg3[%add3A, %dma_start3A, %dma_start3A_336] : memref<32x80x128xi32, #tpu.memory_space<hbm>> -> memref<1x40x128xi32, #tpu.memory_space<hbm>>
      %dma_start3A_338 = tpu.memref_squeeze %dma_start3A_337 : memref<1x40x128xi32, #tpu.memory_space<hbm>> -> memref<40x128xi32, #tpu.memory_space<hbm>>
      %dma_start3A_339 = arith.constant 0 : i32
      %dma_start3A_340 = arith.constant 0 : i32
      %dma_start3A_341 = tpu.memref_slice %arg3[%add3A, %dma_start3A_339, %dma_start3A_340] : memref<32x80x128xi32, #tpu.memory_space<hbm>> -> memref<1x40x128xi32, #tpu.memory_space<hbm>>
      %dma_start3A_342 = tpu.memref_squeeze %dma_start3A_341 : memref<1x40x128xi32, #tpu.memory_space<hbm>> -> memref<40x128xi32, #tpu.memory_space<hbm>>
      tpu.enqueue_dma source(%dma_start3A_342 : memref<40x128xi32, #tpu.memory_space<hbm>>) target(%arg9 : memref<40x128xi32, #tpu.memory_space<vmem>>) target_semaphore(%run_scoped3A : memref<!tpu.dma_semaphore, #tpu.memory_space<semaphore_mem>>)
      %dma_wait3A = arith.constant 0 : i32
      %dma_wait3A_343 = arith.constant 0 : i32
      %dma_wait3A_344 = tpu.memref_slice %arg3[%add3A, %dma_wait3A, %dma_wait3A_343] : memref<32x80x128xi32, #tpu.memory_space<hbm>> -> memref<1x40x128xi32, #tpu.memory_space<hbm>>
      %dma_wait3A_345 = tpu.memref_squeeze %dma_wait3A_344 : memref<1x40x128xi32, #tpu.memory_space<hbm>> -> memref<40x128xi32, #tpu.memory_space<hbm>>
      %dma_wait3A_346 = arith.constant 0 : i32
      %dma_wait3A_347 = arith.constant 0 : i32
      %dma_wait3A_348 = tpu.memref_slice %arg3[%add3A, %dma_wait3A_346, %dma_wait3A_347] : memref<32x80x128xi32, #tpu.memory_space<hbm>> -> memref<1x40x128xi32, #tpu.memory_space<hbm>>
      %dma_wait3A_349 = tpu.memref_squeeze %dma_wait3A_348 : memref<1x40x128xi32, #tpu.memory_space<hbm>> -> memref<40x128xi32, #tpu.memory_space<hbm>>
      tpu.wait_dma2 semaphore(%run_scoped3A : memref<!tpu.dma_semaphore, #tpu.memory_space<semaphore_mem>>) src(%dma_wait3A_349 : memref<40x128xi32, #tpu.memory_space<hbm>>) dst(%arg9 : memref<40x128xi32, #tpu.memory_space<vmem>>)
      tpu.yield
    }) : () -> ()
    "tpu.region"() ({
      %run_scoped3A = tpu.sem_alloc : memref<!tpu.dma_semaphore, #tpu.memory_space<semaphore_mem>>
      %dma_start3A = arith.constant 0 : i32
      %dma_start3A_336 = arith.constant 0 : i32
      %dma_start3A_337 = tpu.memref_slice %arg4[%add3A, %dma_start3A, %dma_start3A_336] : memref<32x80x128xi32, #tpu.memory_space<hbm>> -> memref<1x40x128xi32, #tpu.memory_space<hbm>>
      %dma_start3A_338 = tpu.memref_squeeze %dma_start3A_337 : memref<1x40x128xi32, #tpu.memory_space<hbm>> -> memref<40x128xi32, #tpu.memory_space<hbm>>
      %dma_start3A_339 = arith.constant 0 : i32
      %dma_start3A_340 = arith.constant 0 : i32
      %dma_start3A_341 = tpu.memref_slice %arg4[%add3A, %dma_start3A_339, %dma_start3A_340] : memref<32x80x128xi32, #tpu.memory_space<hbm>> -> memref<1x40x128xi32, #tpu.memory_space<hbm>>
      %dma_start3A_342 = tpu.memref_squeeze %dma_start3A_341 : memref<1x40x128xi32, #tpu.memory_space<hbm>> -> memref<40x128xi32, #tpu.memory_space<hbm>>
      tpu.enqueue_dma source(%dma_start3A_342 : memref<40x128xi32, #tpu.memory_space<hbm>>) target(%arg10 : memref<40x128xi32, #tpu.memory_space<vmem>>) target_semaphore(%run_scoped3A : memref<!tpu.dma_semaphore, #tpu.memory_space<semaphore_mem>>)
      %dma_wait3A = arith.constant 0 : i32
      %dma_wait3A_343 = arith.constant 0 : i32
      %dma_wait3A_344 = tpu.memref_slice %arg4[%add3A, %dma_wait3A, %dma_wait3A_343] : memref<32x80x128xi32, #tpu.memory_space<hbm>> -> memref<1x40x128xi32, #tpu.memory_space<hbm>>
      %dma_wait3A_345 = tpu.memref_squeeze %dma_wait3A_344 : memref<1x40x128xi32, #tpu.memory_space<hbm>> -> memref<40x128xi32, #tpu.memory_space<hbm>>
      %dma_wait3A_346 = arith.constant 0 : i32
      %dma_wait3A_347 = arith.constant 0 : i32
      %dma_wait3A_348 = tpu.memref_slice %arg4[%add3A, %dma_wait3A_346, %dma_wait3A_347] : memref<32x80x128xi32, #tpu.memory_space<hbm>> -> memref<1x40x128xi32, #tpu.memory_space<hbm>>
      %dma_wait3A_349 = tpu.memref_squeeze %dma_wait3A_348 : memref<1x40x128xi32, #tpu.memory_space<hbm>> -> memref<40x128xi32, #tpu.memory_space<hbm>>
      tpu.wait_dma2 semaphore(%run_scoped3A : memref<!tpu.dma_semaphore, #tpu.memory_space<semaphore_mem>>) src(%dma_wait3A_349 : memref<40x128xi32, #tpu.memory_space<hbm>>) dst(%arg10 : memref<40x128xi32, #tpu.memory_space<vmem>>)
      tpu.yield
    }) : () -> ()
    %scan3A_314 = arith.constant 0 : i32
    %scan3A_315 = arith.constant 0 : i32
    %scan3A_316 = arith.constant 20 : i32
    %scan3A_317 = arith.addi %scan3A_315, %scan3A_316 : i32
    %scan3A_318 = arith.constant 1 : i32
    scf.for %scan3A_336 = %scan3A_315 to %scan3A_317 step %scan3A_318  : i32 {
      %mul3A_337 = arith.constant 2 : i32
      %mul3A_338 = arith.muli %mul3A_337, %scan3A_336 : i32
      %dma_start3A = arith.constant 0 : i32
      %dma_start3A_339 = tpu.memref_slice %arg9[%mul3A_338, %dma_start3A] : memref<40x128xi32, #tpu.memory_space<vmem>> -> memref<1x128xi32, #tpu.memory_space<vmem>>
      %dma_start3A_340 = tpu.memref_squeeze %dma_start3A_339 : memref<1x128xi32, #tpu.memory_space<vmem>> -> memref<128xi32, #tpu.memory_space<vmem>>
      %dma_start3A_341 = arith.constant 0 : i32
      %dma_start3A_342 = arith.constant 0 : i32
      %dma_start3A_343 = tpu.memref_slice %arg2[%dma_start3A_341, %dma_start3A_342] : memref<10000x128xf32, #tpu.memory_space<hbm>> -> memref<10000x128xf32, #tpu.memory_space<hbm>>
      tpu.enqueue_indirect_dma source(%dma_start3A_343 : memref<10000x128xf32, #tpu.memory_space<hbm>>) target(%arg11 : memref<128x128xf32, #tpu.memory_space<vmem>>) offsets(%dma_start3A_340 : memref<128xi32, #tpu.memory_space<vmem>>) semaphore(%arg14 : memref<!tpu.dma_semaphore, #tpu.memory_space<semaphore_mem>>)
      %add3A_344 = arith.constant 1 : i32
      %add3A_345 = arith.addi %mul3A_338, %add3A_344 : i32
      %dma_start3A_346 = arith.constant 0 : i32
      %dma_start3A_347 = tpu.memref_slice %arg9[%add3A_345, %dma_start3A_346] : memref<40x128xi32, #tpu.memory_space<vmem>> -> memref<1x128xi32, #tpu.memory_space<vmem>>
      %dma_start3A_348 = tpu.memref_squeeze %dma_start3A_347 : memref<1x128xi32, #tpu.memory_space<vmem>> -> memref<128xi32, #tpu.memory_space<vmem>>
      %dma_start3A_349 = arith.constant 0 : i32
      %dma_start3A_350 = arith.constant 0 : i32
      %dma_start3A_351 = tpu.memref_slice %arg2[%dma_start3A_349, %dma_start3A_350] : memref<10000x128xf32, #tpu.memory_space<hbm>> -> memref<10000x128xf32, #tpu.memory_space<hbm>>
      tpu.enqueue_indirect_dma source(%dma_start3A_351 : memref<10000x128xf32, #tpu.memory_space<hbm>>) target(%arg12 : memref<128x128xf32, #tpu.memory_space<vmem>>) offsets(%dma_start3A_348 : memref<128xi32, #tpu.memory_space<vmem>>) semaphore(%arg15 : memref<!tpu.dma_semaphore, #tpu.memory_space<semaphore_mem>>)
      %dma_wait3A = arith.constant 0 : i32
      %dma_wait3A_352 = tpu.memref_slice %arg9[%mul3A_338, %dma_wait3A] : memref<40x128xi32, #tpu.memory_space<vmem>> -> memref<1x128xi32, #tpu.memory_space<vmem>>
      %dma_wait3A_353 = tpu.memref_squeeze %dma_wait3A_352 : memref<1x128xi32, #tpu.memory_space<vmem>> -> memref<128xi32, #tpu.memory_space<vmem>>
      %dma_wait3A_354 = arith.constant 0 : i32
      %dma_wait3A_355 = arith.constant 0 : i32
      %dma_wait3A_356 = tpu.memref_slice %arg2[%dma_wait3A_354, %dma_wait3A_355] : memref<10000x128xf32, #tpu.memory_space<hbm>> -> memref<10000x128xf32, #tpu.memory_space<hbm>>
      tpu.wait_indirect_dma semaphore(%arg14 : memref<!tpu.dma_semaphore, #tpu.memory_space<semaphore_mem>>) src(%dma_wait3A_356 : memref<10000x128xf32, #tpu.memory_space<hbm>>) dst(%arg11 : memref<128x128xf32, #tpu.memory_space<vmem>>)
      "tpu.region"() ({
        %run_scoped3A = tpu.sem_alloc : memref<!tpu.dma_semaphore, #tpu.memory_space<semaphore_mem>>
        %dma_start3A_367 = arith.constant 0 : i32
        %dma_start3A_368 = tpu.memref_slice %arg10[%mul3A_338, %dma_start3A_367] : memref<40x128xi32, #tpu.memory_space<vmem>> -> memref<1x128xi32, #tpu.memory_space<vmem>>
        %dma_start3A_369 = tpu.memref_squeeze %dma_start3A_368 : memref<1x128xi32, #tpu.memory_space<vmem>> -> memref<128xi32, #tpu.memory_space<vmem>>
        %dma_start3A_370 = arith.constant 0 : i32
        %dma_start3A_371 = arith.constant 0 : i32
        %dma_start3A_372 = tpu.memref_slice %arg13[%dma_start3A_370, %dma_start3A_371] : memref<10240x128xf32, #tpu.memory_space<vmem_shared>> -> memref<10240x128xf32, #tpu.memory_space<vmem_shared>>
        tpu.enqueue_indirect_dma source(%arg11 : memref<128x128xf32, #tpu.memory_space<vmem>>) target(%dma_start3A_372 : memref<10240x128xf32, #tpu.memory_space<vmem_shared>>) offsets(%dma_start3A_369 : memref<128xi32, #tpu.memory_space<vmem>>) semaphore(%run_scoped3A : memref<!tpu.dma_semaphore, #tpu.memory_space<semaphore_mem>>) {add = true}
        %dma_wait3A_373 = arith.constant 0 : i32
        %dma_wait3A_374 = tpu.memref_slice %arg10[%mul3A_338, %dma_wait3A_373] : memref<40x128xi32, #tpu.memory_space<vmem>> -> memref<1x128xi32, #tpu.memory_space<vmem>>
        %dma_wait3A_375 = tpu.memref_squeeze %dma_wait3A_374 : memref<1x128xi32, #tpu.memory_space<vmem>> -> memref<128xi32, #tpu.memory_space<vmem>>
        %dma_wait3A_376 = arith.constant 0 : i32
        %dma_wait3A_377 = arith.constant 0 : i32
        %dma_wait3A_378 = tpu.memref_slice %arg13[%dma_wait3A_376, %dma_wait3A_377] : memref<10240x128xf32, #tpu.memory_space<vmem_shared>> -> memref<10240x128xf32, #tpu.memory_space<vmem_shared>>
        tpu.wait_indirect_dma semaphore(%run_scoped3A : memref<!tpu.dma_semaphore, #tpu.memory_space<semaphore_mem>>) src(%arg11 : memref<128x128xf32, #tpu.memory_space<vmem>>) dst(%dma_wait3A_378 : memref<10240x128xf32, #tpu.memory_space<vmem_shared>>)
        tpu.yield
      }) : () -> ()
      "tpu.region"() ({
        %run_scoped3A = tpu.sem_alloc : memref<!tpu.dma_semaphore, #tpu.memory_space<semaphore_mem>>
        %dma_start3A_367 = arith.constant 0 : i32
        %dma_start3A_368 = tpu.memref_slice %arg10[%mul3A_338, %dma_start3A_367] : memref<40x128xi32, #tpu.memory_space<vmem>> -> memref<1x128xi32, #tpu.memory_space<vmem>>
        %dma_start3A_369 = tpu.memref_squeeze %dma_start3A_368 : memref<1x128xi32, #tpu.memory_space<vmem>> -> memref<128xi32, #tpu.memory_space<vmem>>
        %dma_start3A_370 = arith.constant 0 : i32
        %dma_start3A_371 = tpu.memref_slice %arg18[%dma_start3A_370] : memref<10240xf32, #tpu.memory_space<vmem_shared>> -> memref<10240xf32, #tpu.memory_space<vmem_shared>>
        tpu.enqueue_indirect_dma source(%arg16 : memref<128xf32, #tpu.memory_space<vmem>>) target(%dma_start3A_371 : memref<10240xf32, #tpu.memory_space<vmem_shared>>) offsets(%dma_start3A_369 : memref<128xi32, #tpu.memory_space<vmem>>) semaphore(%run_scoped3A : memref<!tpu.dma_semaphore, #tpu.memory_space<semaphore_mem>>) {add = true}
        %dma_wait3A_372 = arith.constant 0 : i32
        %dma_wait3A_373 = tpu.memref_slice %arg10[%mul3A_338, %dma_wait3A_372] : memref<40x128xi32, #tpu.memory_space<vmem>> -> memref<1x128xi32, #tpu.memory_space<vmem>>
        %dma_wait3A_374 = tpu.memref_squeeze %dma_wait3A_373 : memref<1x128xi32, #tpu.memory_space<vmem>> -> memref<128xi32, #tpu.memory_space<vmem>>
        %dma_wait3A_375 = arith.constant 0 : i32
        %dma_wait3A_376 = tpu.memref_slice %arg18[%dma_wait3A_375] : memref<10240xf32, #tpu.memory_space<vmem_shared>> -> memref<10240xf32, #tpu.memory_space<vmem_shared>>
        tpu.wait_indirect_dma semaphore(%run_scoped3A : memref<!tpu.dma_semaphore, #tpu.memory_space<semaphore_mem>>) src(%arg16 : memref<128xf32, #tpu.memory_space<vmem>>) dst(%dma_wait3A_376 : memref<10240xf32, #tpu.memory_space<vmem_shared>>)
        tpu.yield
      }) : () -> ()
      %dma_wait3A_357 = arith.constant 0 : i32
      %dma_wait3A_358 = tpu.memref_slice %arg9[%add3A_345, %dma_wait3A_357] : memref<40x128xi32, #tpu.memory_space<vmem>> -> memref<1x128xi32, #tpu.memory_space<vmem>>
      %dma_wait3A_359 = tpu.memref_squeeze %dma_wait3A_358 : memref<1x128xi32, #tpu.memory_space<vmem>> -> memref<128xi32, #tpu.memory_space<vmem>>
      %dma_wait3A_360 = arith.constant 0 : i32
      %dma_wait3A_361 = arith.constant 0 : i32
      %dma_wait3A_362 = tpu.memref_slice %arg2[%dma_wait3A_360, %dma_wait3A_361] : memref<10000x128xf32, #tpu.memory_space<hbm>> -> memref<10000x128xf32, #tpu.memory_space<hbm>>
      tpu.wait_indirect_dma semaphore(%arg15 : memref<!tpu.dma_semaphore, #tpu.memory_space<semaphore_mem>>) src(%dma_wait3A_362 : memref<10000x128xf32, #tpu.memory_space<hbm>>) dst(%arg12 : memref<128x128xf32, #tpu.memory_space<vmem>>)
      %add3A_363 = arith.constant 1 : i32
      %add3A_364 = arith.addi %mul3A_338, %add3A_363 : i32
      "tpu.region"() ({
        %run_scoped3A = tpu.sem_alloc : memref<!tpu.dma_semaphore, #tpu.memory_space<semaphore_mem>>
        %dma_start3A_367 = arith.constant 0 : i32
        %dma_start3A_368 = tpu.memref_slice %arg10[%add3A_364, %dma_start3A_367] : memref<40x128xi32, #tpu.memory_space<vmem>> -> memref<1x128xi32, #tpu.memory_space<vmem>>
        %dma_start3A_369 = tpu.memref_squeeze %dma_start3A_368 : memref<1x128xi32, #tpu.memory_space<vmem>> -> memref<128xi32, #tpu.memory_space<vmem>>
        %dma_start3A_370 = arith.constant 0 : i32
        %dma_start3A_371 = arith.constant 0 : i32
        %dma_start3A_372 = tpu.memref_slice %arg13[%dma_start3A_370, %dma_start3A_371] : memref<10240x128xf32, #tpu.memory_space<vmem_shared>> -> memref<10240x128xf32, #tpu.memory_space<vmem_shared>>
        tpu.enqueue_indirect_dma source(%arg12 : memref<128x128xf32, #tpu.memory_space<vmem>>) target(%dma_start3A_372 : memref<10240x128xf32, #tpu.memory_space<vmem_shared>>) offsets(%dma_start3A_369 : memref<128xi32, #tpu.memory_space<vmem>>) semaphore(%run_scoped3A : memref<!tpu.dma_semaphore, #tpu.memory_space<semaphore_mem>>) {add = true}
        %dma_wait3A_373 = arith.constant 0 : i32
        %dma_wait3A_374 = tpu.memref_slice %arg10[%add3A_364, %dma_wait3A_373] : memref<40x128xi32, #tpu.memory_space<vmem>> -> memref<1x128xi32, #tpu.memory_space<vmem>>
        %dma_wait3A_375 = tpu.memref_squeeze %dma_wait3A_374 : memref<1x128xi32, #tpu.memory_space<vmem>> -> memref<128xi32, #tpu.memory_space<vmem>>
        %dma_wait3A_376 = arith.constant 0 : i32
        %dma_wait3A_377 = arith.constant 0 : i32
        %dma_wait3A_378 = tpu.memref_slice %arg13[%dma_wait3A_376, %dma_wait3A_377] : memref<10240x128xf32, #tpu.memory_space<vmem_shared>> -> memref<10240x128xf32, #tpu.memory_space<vmem_shared>>
        tpu.wait_indirect_dma semaphore(%run_scoped3A : memref<!tpu.dma_semaphore, #tpu.memory_space<semaphore_mem>>) src(%arg12 : memref<128x128xf32, #tpu.memory_space<vmem>>) dst(%dma_wait3A_378 : memref<10240x128xf32, #tpu.memory_space<vmem_shared>>)
        tpu.yield
      }) : () -> ()
      %add3A_365 = arith.constant 1 : i32
      %add3A_366 = arith.addi %mul3A_338, %add3A_365 : i32
      "tpu.region"() ({
        %run_scoped3A = tpu.sem_alloc : memref<!tpu.dma_semaphore, #tpu.memory_space<semaphore_mem>>
        %dma_start3A_367 = arith.constant 0 : i32
        %dma_start3A_368 = tpu.memref_slice %arg10[%add3A_366, %dma_start3A_367] : memref<40x128xi32, #tpu.memory_space<vmem>> -> memref<1x128xi32, #tpu.memory_space<vmem>>
        %dma_start3A_369 = tpu.memref_squeeze %dma_start3A_368 : memref<1x128xi32, #tpu.memory_space<vmem>> -> memref<128xi32, #tpu.memory_space<vmem>>
        %dma_start3A_370 = arith.constant 0 : i32
        %dma_start3A_371 = tpu.memref_slice %arg18[%dma_start3A_370] : memref<10240xf32, #tpu.memory_space<vmem_shared>> -> memref<10240xf32, #tpu.memory_space<vmem_shared>>
        tpu.enqueue_indirect_dma source(%arg16 : memref<128xf32, #tpu.memory_space<vmem>>) target(%dma_start3A_371 : memref<10240xf32, #tpu.memory_space<vmem_shared>>) offsets(%dma_start3A_369 : memref<128xi32, #tpu.memory_space<vmem>>) semaphore(%run_scoped3A : memref<!tpu.dma_semaphore, #tpu.memory_space<semaphore_mem>>) {add = true}
        %dma_wait3A_372 = arith.constant 0 : i32
        %dma_wait3A_373 = tpu.memref_slice %arg10[%add3A_366, %dma_wait3A_372] : memref<40x128xi32, #tpu.memory_space<vmem>> -> memref<1x128xi32, #tpu.memory_space<vmem>>
        %dma_wait3A_374 = tpu.memref_squeeze %dma_wait3A_373 : memref<1x128xi32, #tpu.memory_space<vmem>> -> memref<128xi32, #tpu.memory_space<vmem>>
        %dma_wait3A_375 = arith.constant 0 : i32
        %dma_wait3A_376 = tpu.memref_slice %arg18[%dma_wait3A_375] : memref<10240xf32, #tpu.memory_space<vmem_shared>> -> memref<10240xf32, #tpu.memory_space<vmem_shared>>
        tpu.wait_indirect_dma semaphore(%run_scoped3A : memref<!tpu.dma_semaphore, #tpu.memory_space<semaphore_mem>>) src(%arg16 : memref<128xf32, #tpu.memory_space<vmem>>) dst(%dma_wait3A_376 : memref<10240xf32, #tpu.memory_space<vmem_shared>>)
        tpu.yield
      }) : () -> ()
    }
    %scan3A_319 = arith.constant 20 : i32
    "tpu.region"() ({
      %run_scoped3A = tpu.sem_alloc : memref<!tpu.dma_semaphore, #tpu.memory_space<semaphore_mem>>
      %dma_start3A = arith.constant 40 : i32
      %dma_start3A_336 = arith.constant 0 : i32
      %dma_start3A_337 = tpu.memref_slice %arg3[%add3A, %dma_start3A, %dma_start3A_336] : memref<32x80x128xi32, #tpu.memory_space<hbm>> -> memref<1x40x128xi32, #tpu.memory_space<hbm>>
      %dma_start3A_338 = tpu.memref_squeeze %dma_start3A_337 : memref<1x40x128xi32, #tpu.memory_space<hbm>> -> memref<40x128xi32, #tpu.memory_space<hbm>>
      %dma_start3A_339 = arith.constant 40 : i32
      %dma_start3A_340 = arith.constant 0 : i32
      %dma_start3A_341 = tpu.memref_slice %arg3[%add3A, %dma_start3A_339, %dma_start3A_340] : memref<32x80x128xi32, #tpu.memory_space<hbm>> -> memref<1x40x128xi32, #tpu.memory_space<hbm>>
      %dma_start3A_342 = tpu.memref_squeeze %dma_start3A_341 : memref<1x40x128xi32, #tpu.memory_space<hbm>> -> memref<40x128xi32, #tpu.memory_space<hbm>>
      tpu.enqueue_dma source(%dma_start3A_342 : memref<40x128xi32, #tpu.memory_space<hbm>>) target(%arg9 : memref<40x128xi32, #tpu.memory_space<vmem>>) target_semaphore(%run_scoped3A : memref<!tpu.dma_semaphore, #tpu.memory_space<semaphore_mem>>)
      %dma_wait3A = arith.constant 40 : i32
      %dma_wait3A_343 = arith.constant 0 : i32
      %dma_wait3A_344 = tpu.memref_slice %arg3[%add3A, %dma_wait3A, %dma_wait3A_343] : memref<32x80x128xi32, #tpu.memory_space<hbm>> -> memref<1x40x128xi32, #tpu.memory_space<hbm>>
      %dma_wait3A_345 = tpu.memref_squeeze %dma_wait3A_344 : memref<1x40x128xi32, #tpu.memory_space<hbm>> -> memref<40x128xi32, #tpu.memory_space<hbm>>
      %dma_wait3A_346 = arith.constant 40 : i32
      %dma_wait3A_347 = arith.constant 0 : i32
      %dma_wait3A_348 = tpu.memref_slice %arg3[%add3A, %dma_wait3A_346, %dma_wait3A_347] : memref<32x80x128xi32, #tpu.memory_space<hbm>> -> memref<1x40x128xi32, #tpu.memory_space<hbm>>
      %dma_wait3A_349 = tpu.memref_squeeze %dma_wait3A_348 : memref<1x40x128xi32, #tpu.memory_space<hbm>> -> memref<40x128xi32, #tpu.memory_space<hbm>>
      tpu.wait_dma2 semaphore(%run_scoped3A : memref<!tpu.dma_semaphore, #tpu.memory_space<semaphore_mem>>) src(%dma_wait3A_349 : memref<40x128xi32, #tpu.memory_space<hbm>>) dst(%arg9 : memref<40x128xi32, #tpu.memory_space<vmem>>)
      tpu.yield
    }) : () -> ()
    "tpu.region"() ({
      %run_scoped3A = tpu.sem_alloc : memref<!tpu.dma_semaphore, #tpu.memory_space<semaphore_mem>>
      %dma_start3A = arith.constant 40 : i32
      %dma_start3A_336 = arith.constant 0 : i32
      %dma_start3A_337 = tpu.memref_slice %arg4[%add3A, %dma_start3A, %dma_start3A_336] : memref<32x80x128xi32, #tpu.memory_space<hbm>> -> memref<1x40x128xi32, #tpu.memory_space<hbm>>
      %dma_start3A_338 = tpu.memref_squeeze %dma_start3A_337 : memref<1x40x128xi32, #tpu.memory_space<hbm>> -> memref<40x128xi32, #tpu.memory_space<hbm>>
      %dma_start3A_339 = arith.constant 40 : i32
      %dma_start3A_340 = arith.constant 0 : i32
      %dma_start3A_341 = tpu.memref_slice %arg4[%add3A, %dma_start3A_339, %dma_start3A_340] : memref<32x80x128xi32, #tpu.memory_space<hbm>> -> memref<1x40x128xi32, #tpu.memory_space<hbm>>
      %dma_start3A_342 = tpu.memref_squeeze %dma_start3A_341 : memref<1x40x128xi32, #tpu.memory_space<hbm>> -> memref<40x128xi32, #tpu.memory_space<hbm>>
      tpu.enqueue_dma source(%dma_start3A_342 : memref<40x128xi32, #tpu.memory_space<hbm>>) target(%arg10 : memref<40x128xi32, #tpu.memory_space<vmem>>) target_semaphore(%run_scoped3A : memref<!tpu.dma_semaphore, #tpu.memory_space<semaphore_mem>>)
      %dma_wait3A = arith.constant 40 : i32
      %dma_wait3A_343 = arith.constant 0 : i32
      %dma_wait3A_344 = tpu.memref_slice %arg4[%add3A, %dma_wait3A, %dma_wait3A_343] : memref<32x80x128xi32, #tpu.memory_space<hbm>> -> memref<1x40x128xi32, #tpu.memory_space<hbm>>
      %dma_wait3A_345 = tpu.memref_squeeze %dma_wait3A_344 : memref<1x40x128xi32, #tpu.memory_space<hbm>> -> memref<40x128xi32, #tpu.memory_space<hbm>>
      %dma_wait3A_346 = arith.constant 40 : i32
      %dma_wait3A_347 = arith.constant 0 : i32
      %dma_wait3A_348 = tpu.memref_slice %arg4[%add3A, %dma_wait3A_346, %dma_wait3A_347] : memref<32x80x128xi32, #tpu.memory_space<hbm>> -> memref<1x40x128xi32, #tpu.memory_space<hbm>>
      %dma_wait3A_349 = tpu.memref_squeeze %dma_wait3A_348 : memref<1x40x128xi32, #tpu.memory_space<hbm>> -> memref<40x128xi32, #tpu.memory_space<hbm>>
      tpu.wait_dma2 semaphore(%run_scoped3A : memref<!tpu.dma_semaphore, #tpu.memory_space<semaphore_mem>>) src(%dma_wait3A_349 : memref<40x128xi32, #tpu.memory_space<hbm>>) dst(%arg10 : memref<40x128xi32, #tpu.memory_space<vmem>>)
      tpu.yield
    }) : () -> ()
    %scan3A_320 = arith.constant 0 : i32
    %scan3A_321 = arith.constant 0 : i32
    %scan3A_322 = arith.constant 20 : i32
    %scan3A_323 = arith.addi %scan3A_321, %scan3A_322 : i32
    %scan3A_324 = arith.constant 1 : i32
    scf.for %scan3A_336 = %scan3A_321 to %scan3A_323 step %scan3A_324  : i32 {
      %mul3A_337 = arith.constant 2 : i32
      %mul3A_338 = arith.muli %mul3A_337, %scan3A_336 : i32
      %dma_start3A = arith.constant 0 : i32
      %dma_start3A_339 = tpu.memref_slice %arg9[%mul3A_338, %dma_start3A] : memref<40x128xi32, #tpu.memory_space<vmem>> -> memref<1x128xi32, #tpu.memory_space<vmem>>
      %dma_start3A_340 = tpu.memref_squeeze %dma_start3A_339 : memref<1x128xi32, #tpu.memory_space<vmem>> -> memref<128xi32, #tpu.memory_space<vmem>>
      %dma_start3A_341 = arith.constant 0 : i32
      %dma_start3A_342 = arith.constant 0 : i32
      %dma_start3A_343 = tpu.memref_slice %arg2[%dma_start3A_341, %dma_start3A_342] : memref<10000x128xf32, #tpu.memory_space<hbm>> -> memref<10000x128xf32, #tpu.memory_space<hbm>>
      tpu.enqueue_indirect_dma source(%dma_start3A_343 : memref<10000x128xf32, #tpu.memory_space<hbm>>) target(%arg11 : memref<128x128xf32, #tpu.memory_space<vmem>>) offsets(%dma_start3A_340 : memref<128xi32, #tpu.memory_space<vmem>>) semaphore(%arg14 : memref<!tpu.dma_semaphore, #tpu.memory_space<semaphore_mem>>)
      %add3A_344 = arith.constant 1 : i32
      %add3A_345 = arith.addi %mul3A_338, %add3A_344 : i32
      %dma_start3A_346 = arith.constant 0 : i32
      %dma_start3A_347 = tpu.memref_slice %arg9[%add3A_345, %dma_start3A_346] : memref<40x128xi32, #tpu.memory_space<vmem>> -> memref<1x128xi32, #tpu.memory_space<vmem>>
      %dma_start3A_348 = tpu.memref_squeeze %dma_start3A_347 : memref<1x128xi32, #tpu.memory_space<vmem>> -> memref<128xi32, #tpu.memory_space<vmem>>
      %dma_start3A_349 = arith.constant 0 : i32
      %dma_start3A_350 = arith.constant 0 : i32
      %dma_start3A_351 = tpu.memref_slice %arg2[%dma_start3A_349, %dma_start3A_350] : memref<10000x128xf32, #tpu.memory_space<hbm>> -> memref<10000x128xf32, #tpu.memory_space<hbm>>
      tpu.enqueue_indirect_dma source(%dma_start3A_351 : memref<10000x128xf32, #tpu.memory_space<hbm>>) target(%arg12 : memref<128x128xf32, #tpu.memory_space<vmem>>) offsets(%dma_start3A_348 : memref<128xi32, #tpu.memory_space<vmem>>) semaphore(%arg15 : memref<!tpu.dma_semaphore, #tpu.memory_space<semaphore_mem>>)
      %dma_wait3A = arith.constant 0 : i32
      %dma_wait3A_352 = tpu.memref_slice %arg9[%mul3A_338, %dma_wait3A] : memref<40x128xi32, #tpu.memory_space<vmem>> -> memref<1x128xi32, #tpu.memory_space<vmem>>
      %dma_wait3A_353 = tpu.memref_squeeze %dma_wait3A_352 : memref<1x128xi32, #tpu.memory_space<vmem>> -> memref<128xi32, #tpu.memory_space<vmem>>
      %dma_wait3A_354 = arith.constant 0 : i32
      %dma_wait3A_355 = arith.constant 0 : i32
      %dma_wait3A_356 = tpu.memref_slice %arg2[%dma_wait3A_354, %dma_wait3A_355] : memref<10000x128xf32, #tpu.memory_space<hbm>> -> memref<10000x128xf32, #tpu.memory_space<hbm>>
      tpu.wait_indirect_dma semaphore(%arg14 : memref<!tpu.dma_semaphore, #tpu.memory_space<semaphore_mem>>) src(%dma_wait3A_356 : memref<10000x128xf32, #tpu.memory_space<hbm>>) dst(%arg11 : memref<128x128xf32, #tpu.memory_space<vmem>>)
      "tpu.region"() ({
        %run_scoped3A = tpu.sem_alloc : memref<!tpu.dma_semaphore, #tpu.memory_space<semaphore_mem>>
        %dma_start3A_367 = arith.constant 0 : i32
        %dma_start3A_368 = tpu.memref_slice %arg10[%mul3A_338, %dma_start3A_367] : memref<40x128xi32, #tpu.memory_space<vmem>> -> memref<1x128xi32, #tpu.memory_space<vmem>>
        %dma_start3A_369 = tpu.memref_squeeze %dma_start3A_368 : memref<1x128xi32, #tpu.memory_space<vmem>> -> memref<128xi32, #tpu.memory_space<vmem>>
        %dma_start3A_370 = arith.constant 0 : i32
        %dma_start3A_371 = arith.constant 0 : i32
        %dma_start3A_372 = tpu.memref_slice %arg13[%dma_start3A_370, %dma_start3A_371] : memref<10240x128xf32, #tpu.memory_space<vmem_shared>> -> memref<10240x128xf32, #tpu.memory_space<vmem_shared>>
        tpu.enqueue_indirect_dma source(%arg11 : memref<128x128xf32, #tpu.memory_space<vmem>>) target(%dma_start3A_372 : memref<10240x128xf32, #tpu.memory_space<vmem_shared>>) offsets(%dma_start3A_369 : memref<128xi32, #tpu.memory_space<vmem>>) semaphore(%run_scoped3A : memref<!tpu.dma_semaphore, #tpu.memory_space<semaphore_mem>>) {add = true}
        %dma_wait3A_373 = arith.constant 0 : i32
        %dma_wait3A_374 = tpu.memref_slice %arg10[%mul3A_338, %dma_wait3A_373] : memref<40x128xi32, #tpu.memory_space<vmem>> -> memref<1x128xi32, #tpu.memory_space<vmem>>
        %dma_wait3A_375 = tpu.memref_squeeze %dma_wait3A_374 : memref<1x128xi32, #tpu.memory_space<vmem>> -> memref<128xi32, #tpu.memory_space<vmem>>
        %dma_wait3A_376 = arith.constant 0 : i32
        %dma_wait3A_377 = arith.constant 0 : i32
        %dma_wait3A_378 = tpu.memref_slice %arg13[%dma_wait3A_376, %dma_wait3A_377] : memref<10240x128xf32, #tpu.memory_space<vmem_shared>> -> memref<10240x128xf32, #tpu.memory_space<vmem_shared>>
        tpu.wait_indirect_dma semaphore(%run_scoped3A : memref<!tpu.dma_semaphore, #tpu.memory_space<semaphore_mem>>) src(%arg11 : memref<128x128xf32, #tpu.memory_space<vmem>>) dst(%dma_wait3A_378 : memref<10240x128xf32, #tpu.memory_space<vmem_shared>>)
        tpu.yield
      }) : () -> ()
      "tpu.region"() ({
        %run_scoped3A = tpu.sem_alloc : memref<!tpu.dma_semaphore, #tpu.memory_space<semaphore_mem>>
        %dma_start3A_367 = arith.constant 0 : i32
        %dma_start3A_368 = tpu.memref_slice %arg10[%mul3A_338, %dma_start3A_367] : memref<40x128xi32, #tpu.memory_space<vmem>> -> memref<1x128xi32, #tpu.memory_space<vmem>>
        %dma_start3A_369 = tpu.memref_squeeze %dma_start3A_368 : memref<1x128xi32, #tpu.memory_space<vmem>> -> memref<128xi32, #tpu.memory_space<vmem>>
        %dma_start3A_370 = arith.constant 0 : i32
        %dma_start3A_371 = tpu.memref_slice %arg18[%dma_start3A_370] : memref<10240xf32, #tpu.memory_space<vmem_shared>> -> memref<10240xf32, #tpu.memory_space<vmem_shared>>
        tpu.enqueue_indirect_dma source(%arg16 : memref<128xf32, #tpu.memory_space<vmem>>) target(%dma_start3A_371 : memref<10240xf32, #tpu.memory_space<vmem_shared>>) offsets(%dma_start3A_369 : memref<128xi32, #tpu.memory_space<vmem>>) semaphore(%run_scoped3A : memref<!tpu.dma_semaphore, #tpu.memory_space<semaphore_mem>>) {add = true}
        %dma_wait3A_372 = arith.constant 0 : i32
        %dma_wait3A_373 = tpu.memref_slice %arg10[%mul3A_338, %dma_wait3A_372] : memref<40x128xi32, #tpu.memory_space<vmem>> -> memref<1x128xi32, #tpu.memory_space<vmem>>
        %dma_wait3A_374 = tpu.memref_squeeze %dma_wait3A_373 : memref<1x128xi32, #tpu.memory_space<vmem>> -> memref<128xi32, #tpu.memory_space<vmem>>
        %dma_wait3A_375 = arith.constant 0 : i32
        %dma_wait3A_376 = tpu.memref_slice %arg18[%dma_wait3A_375] : memref<10240xf32, #tpu.memory_space<vmem_shared>> -> memref<10240xf32, #tpu.memory_space<vmem_shared>>
        tpu.wait_indirect_dma semaphore(%run_scoped3A : memref<!tpu.dma_semaphore, #tpu.memory_space<semaphore_mem>>) src(%arg16 : memref<128xf32, #tpu.memory_space<vmem>>) dst(%dma_wait3A_376 : memref<10240xf32, #tpu.memory_space<vmem_shared>>)
        tpu.yield
      }) : () -> ()
      %dma_wait3A_357 = arith.constant 0 : i32
      %dma_wait3A_358 = tpu.memref_slice %arg9[%add3A_345, %dma_wait3A_357] : memref<40x128xi32, #tpu.memory_space<vmem>> -> memref<1x128xi32, #tpu.memory_space<vmem>>
      %dma_wait3A_359 = tpu.memref_squeeze %dma_wait3A_358 : memref<1x128xi32, #tpu.memory_space<vmem>> -> memref<128xi32, #tpu.memory_space<vmem>>
      %dma_wait3A_360 = arith.constant 0 : i32
      %dma_wait3A_361 = arith.constant 0 : i32
      %dma_wait3A_362 = tpu.memref_slice %arg2[%dma_wait3A_360, %dma_wait3A_361] : memref<10000x128xf32, #tpu.memory_space<hbm>> -> memref<10000x128xf32, #tpu.memory_space<hbm>>
      tpu.wait_indirect_dma semaphore(%arg15 : memref<!tpu.dma_semaphore, #tpu.memory_space<semaphore_mem>>) src(%dma_wait3A_362 : memref<10000x128xf32, #tpu.memory_space<hbm>>) dst(%arg12 : memref<128x128xf32, #tpu.memory_space<vmem>>)
      %add3A_363 = arith.constant 1 : i32
      %add3A_364 = arith.addi %mul3A_338, %add3A_363 : i32
      "tpu.region"() ({
        %run_scoped3A = tpu.sem_alloc : memref<!tpu.dma_semaphore, #tpu.memory_space<semaphore_mem>>
        %dma_start3A_367 = arith.constant 0 : i32
        %dma_start3A_368 = tpu.memref_slice %arg10[%add3A_364, %dma_start3A_367] : memref<40x128xi32, #tpu.memory_space<vmem>> -> memref<1x128xi32, #tpu.memory_space<vmem>>
        %dma_start3A_369 = tpu.memref_squeeze %dma_start3A_368 : memref<1x128xi32, #tpu.memory_space<vmem>> -> memref<128xi32, #tpu.memory_space<vmem>>
        %dma_start3A_370 = arith.constant 0 : i32
        %dma_start3A_371 = arith.constant 0 : i32
        %dma_start3A_372 = tpu.memref_slice %arg13[%dma_start3A_370, %dma_start3A_371] : memref<10240x128xf32, #tpu.memory_space<vmem_shared>> -> memref<10240x128xf32, #tpu.memory_space<vmem_shared>>
        tpu.enqueue_indirect_dma source(%arg12 : memref<128x128xf32, #tpu.memory_space<vmem>>) target(%dma_start3A_372 : memref<10240x128xf32, #tpu.memory_space<vmem_shared>>) offsets(%dma_start3A_369 : memref<128xi32, #tpu.memory_space<vmem>>) semaphore(%run_scoped3A : memref<!tpu.dma_semaphore, #tpu.memory_space<semaphore_mem>>) {add = true}
        %dma_wait3A_373 = arith.constant 0 : i32
        %dma_wait3A_374 = tpu.memref_slice %arg10[%add3A_364, %dma_wait3A_373] : memref<40x128xi32, #tpu.memory_space<vmem>> -> memref<1x128xi32, #tpu.memory_space<vmem>>
        %dma_wait3A_375 = tpu.memref_squeeze %dma_wait3A_374 : memref<1x128xi32, #tpu.memory_space<vmem>> -> memref<128xi32, #tpu.memory_space<vmem>>
        %dma_wait3A_376 = arith.constant 0 : i32
        %dma_wait3A_377 = arith.constant 0 : i32
        %dma_wait3A_378 = tpu.memref_slice %arg13[%dma_wait3A_376, %dma_wait3A_377] : memref<10240x128xf32, #tpu.memory_space<vmem_shared>> -> memref<10240x128xf32, #tpu.memory_space<vmem_shared>>
        tpu.wait_indirect_dma semaphore(%run_scoped3A : memref<!tpu.dma_semaphore, #tpu.memory_space<semaphore_mem>>) src(%arg12 : memref<128x128xf32, #tpu.memory_space<vmem>>) dst(%dma_wait3A_378 : memref<10240x128xf32, #tpu.memory_space<vmem_shared>>)
        tpu.yield
      }) : () -> ()
      %add3A_365 = arith.constant 1 : i32
      %add3A_366 = arith.addi %mul3A_338, %add3A_365 : i32
      "tpu.region"() ({
        %run_scoped3A = tpu.sem_alloc : memref<!tpu.dma_semaphore, #tpu.memory_space<semaphore_mem>>
        %dma_start3A_367 = arith.constant 0 : i32
        %dma_start3A_368 = tpu.memref_slice %arg10[%add3A_366, %dma_start3A_367] : memref<40x128xi32, #tpu.memory_space<vmem>> -> memref<1x128xi32, #tpu.memory_space<vmem>>
        %dma_start3A_369 = tpu.memref_squeeze %dma_start3A_368 : memref<1x128xi32, #tpu.memory_space<vmem>> -> memref<128xi32, #tpu.memory_space<vmem>>
        %dma_start3A_370 = arith.constant 0 : i32
        %dma_start3A_371 = tpu.memref_slice %arg18[%dma_start3A_370] : memref<10240xf32, #tpu.memory_space<vmem_shared>> -> memref<10240xf32, #tpu.memory_space<vmem_shared>>
        tpu.enqueue_indirect_dma source(%arg16 : memref<128xf32, #tpu.memory_space<vmem>>) target(%dma_start3A_371 : memref<10240xf32, #tpu.memory_space<vmem_shared>>) offsets(%dma_start3A_369 : memref<128xi32, #tpu.memory_space<vmem>>) semaphore(%run_scoped3A : memref<!tpu.dma_semaphore, #tpu.memory_space<semaphore_mem>>) {add = true}
        %dma_wait3A_372 = arith.constant 0 : i32
        %dma_wait3A_373 = tpu.memref_slice %arg10[%add3A_366, %dma_wait3A_372] : memref<40x128xi32, #tpu.memory_space<vmem>> -> memref<1x128xi32, #tpu.memory_space<vmem>>
        %dma_wait3A_374 = tpu.memref_squeeze %dma_wait3A_373 : memref<1x128xi32, #tpu.memory_space<vmem>> -> memref<128xi32, #tpu.memory_space<vmem>>
        %dma_wait3A_375 = arith.constant 0 : i32
        %dma_wait3A_376 = tpu.memref_slice %arg18[%dma_wait3A_375] : memref<10240xf32, #tpu.memory_space<vmem_shared>> -> memref<10240xf32, #tpu.memory_space<vmem_shared>>
        tpu.wait_indirect_dma semaphore(%run_scoped3A : memref<!tpu.dma_semaphore, #tpu.memory_space<semaphore_mem>>) src(%arg16 : memref<128xf32, #tpu.memory_space<vmem>>) dst(%dma_wait3A_376 : memref<10240xf32, #tpu.memory_space<vmem_shared>>)
        tpu.yield
      }) : () -> ()
    }
    %scan3A_325 = arith.constant 20 : i32
    %barrier3A_326 = arith.constant 0 : index
    tpu.barrier barrier_id(%barrier3A_326)
    %mul3A_327 = arith.constant 640 : i32
    %mul3A_328 = arith.muli %arg1, %mul3A_327 : i32
    %eq3A = arith.constant 0 : i32
    %eq3A_329 = arith.cmpi eq, %arg0, %eq3A : i32
    %convert_element_type3A = arith.extui %eq3A_329 : i1 to i32
    %cond3A = arith.constant 0 : i32
    %cond3A_330 = arith.cmpi ne, %convert_element_type3A, %cond3A : i32
    scf.if %cond3A_330 {
      "tpu.region"() ({
        %run_scoped3A = tpu.sem_alloc : memref<!tpu.dma_semaphore, #tpu.memory_space<semaphore_mem>>
        %dma_start3A = arith.constant 0 : i32
        %dma_start3A_336 = tpu.memref_slice %arg5[%mul3A_328, %dma_start3A] : memref<10240x128xf32, #tpu.memory_space<hbm>> -> memref<640x128xf32, #tpu.memory_space<hbm>>
        %dma_start3A_337 = arith.constant 0 : i32
        %dma_start3A_338 = tpu.memref_slice %arg13[%mul3A_328, %dma_start3A_337] : memref<10240x128xf32, #tpu.memory_space<vmem_shared>> -> memref<640x128xf32, #tpu.memory_space<vmem_shared>>
        tpu.enqueue_dma source(%dma_start3A_338 : memref<640x128xf32, #tpu.memory_space<vmem_shared>>) target(%dma_start3A_336 : memref<640x128xf32, #tpu.memory_space<hbm>>) target_semaphore(%run_scoped3A : memref<!tpu.dma_semaphore, #tpu.memory_space<semaphore_mem>>)
        %dma_wait3A = arith.constant 0 : i32
        %dma_wait3A_339 = tpu.memref_slice %arg5[%mul3A_328, %dma_wait3A] : memref<10240x128xf32, #tpu.memory_space<hbm>> -> memref<640x128xf32, #tpu.memory_space<hbm>>
        %dma_wait3A_340 = arith.constant 0 : i32
        %dma_wait3A_341 = tpu.memref_slice %arg13[%mul3A_328, %dma_wait3A_340] : memref<10240x128xf32, #tpu.memory_space<vmem_shared>> -> memref<640x128xf32, #tpu.memory_space<vmem_shared>>
        tpu.wait_dma2 semaphore(%run_scoped3A : memref<!tpu.dma_semaphore, #tpu.memory_space<semaphore_mem>>) src(%dma_wait3A_341 : memref<640x128xf32, #tpu.memory_space<vmem_shared>>) dst(%dma_wait3A_339 : memref<640x128xf32, #tpu.memory_space<hbm>>)
        tpu.yield
      }) : () -> ()
      "tpu.region"() ({
        %run_scoped3A = tpu.sem_alloc : memref<!tpu.dma_semaphore, #tpu.memory_space<semaphore_mem>>
        %dma_start3A = tpu.memref_slice %arg7[%mul3A_328] : memref<10240xf32, #tpu.memory_space<hbm>> -> memref<640xf32, #tpu.memory_space<hbm>>
        %dma_start3A_336 = tpu.memref_slice %arg18[%mul3A_328] : memref<10240xf32, #tpu.memory_space<vmem_shared>> -> memref<640xf32, #tpu.memory_space<vmem_shared>>
        tpu.enqueue_dma source(%dma_start3A_336 : memref<640xf32, #tpu.memory_space<vmem_shared>>) target(%dma_start3A : memref<640xf32, #tpu.memory_space<hbm>>) target_semaphore(%run_scoped3A : memref<!tpu.dma_semaphore, #tpu.memory_space<semaphore_mem>>)
        %dma_wait3A = tpu.memref_slice %arg7[%mul3A_328] : memref<10240xf32, #tpu.memory_space<hbm>> -> memref<640xf32, #tpu.memory_space<hbm>>
        %dma_wait3A_337 = tpu.memref_slice %arg18[%mul3A_328] : memref<10240xf32, #tpu.memory_space<vmem_shared>> -> memref<640xf32, #tpu.memory_space<vmem_shared>>
        tpu.wait_dma2 semaphore(%run_scoped3A : memref<!tpu.dma_semaphore, #tpu.memory_space<semaphore_mem>>) src(%dma_wait3A_337 : memref<640xf32, #tpu.memory_space<vmem_shared>>) dst(%dma_wait3A : memref<640xf32, #tpu.memory_space<hbm>>)
        tpu.yield
      }) : () -> ()
    } else {
    }
    %eq3A_331 = arith.constant 1 : i32
    %eq3A_332 = arith.cmpi eq, %arg0, %eq3A_331 : i32
    %convert_element_type3A_333 = arith.extui %eq3A_332 : i1 to i32
    %cond3A_334 = arith.constant 0 : i32
    %cond3A_335 = arith.cmpi ne, %convert_element_type3A_333, %cond3A_334 : i32
    scf.if %cond3A_335 {
      "tpu.region"() ({
        %run_scoped3A = tpu.sem_alloc : memref<!tpu.dma_semaphore, #tpu.memory_space<semaphore_mem>>
        %dma_start3A = arith.constant 0 : i32
        %dma_start3A_336 = tpu.memref_slice %arg6[%mul3A_328, %dma_start3A] : memref<10240x128xf32, #tpu.memory_space<hbm>> -> memref<640x128xf32, #tpu.memory_space<hbm>>
        %dma_start3A_337 = arith.constant 0 : i32
        %dma_start3A_338 = tpu.memref_slice %arg13[%mul3A_328, %dma_start3A_337] : memref<10240x128xf32, #tpu.memory_space<vmem_shared>> -> memref<640x128xf32, #tpu.memory_space<vmem_shared>>
        tpu.enqueue_dma source(%dma_start3A_338 : memref<640x128xf32, #tpu.memory_space<vmem_shared>>) target(%dma_start3A_336 : memref<640x128xf32, #tpu.memory_space<hbm>>) target_semaphore(%run_scoped3A : memref<!tpu.dma_semaphore, #tpu.memory_space<semaphore_mem>>)
        %dma_wait3A = arith.constant 0 : i32
        %dma_wait3A_339 = tpu.memref_slice %arg6[%mul3A_328, %dma_wait3A] : memref<10240x128xf32, #tpu.memory_space<hbm>> -> memref<640x128xf32, #tpu.memory_space<hbm>>
        %dma_wait3A_340 = arith.constant 0 : i32
        %dma_wait3A_341 = tpu.memref_slice %arg13[%mul3A_328, %dma_wait3A_340] : memref<10240x128xf32, #tpu.memory_space<vmem_shared>> -> memref<640x128xf32, #tpu.memory_space<vmem_shared>>
        tpu.wait_dma2 semaphore(%run_scoped3A : memref<!tpu.dma_semaphore, #tpu.memory_space<semaphore_mem>>) src(%dma_wait3A_341 : memref<640x128xf32, #tpu.memory_space<vmem_shared>>) dst(%dma_wait3A_339 : memref<640x128xf32, #tpu.memory_space<hbm>>)
        tpu.yield
      }) : () -> ()
      "tpu.region"() ({
        %run_scoped3A = tpu.sem_alloc : memref<!tpu.dma_semaphore, #tpu.memory_space<semaphore_mem>>
        %dma_start3A = tpu.memref_slice %arg8[%mul3A_328] : memref<10240xf32, #tpu.memory_space<hbm>> -> memref<640xf32, #tpu.memory_space<hbm>>
        %dma_start3A_336 = tpu.memref_slice %arg18[%mul3A_328] : memref<10240xf32, #tpu.memory_space<vmem_shared>> -> memref<640xf32, #tpu.memory_space<vmem_shared>>
        tpu.enqueue_dma source(%dma_start3A_336 : memref<640xf32, #tpu.memory_space<vmem_shared>>) target(%dma_start3A : memref<640xf32, #tpu.memory_space<hbm>>) target_semaphore(%run_scoped3A : memref<!tpu.dma_semaphore, #tpu.memory_space<semaphore_mem>>)
        %dma_wait3A = tpu.memref_slice %arg8[%mul3A_328] : memref<10240xf32, #tpu.memory_space<hbm>> -> memref<640xf32, #tpu.memory_space<hbm>>
        %dma_wait3A_337 = tpu.memref_slice %arg18[%mul3A_328] : memref<10240xf32, #tpu.memory_space<vmem_shared>> -> memref<640xf32, #tpu.memory_space<vmem_shared>>
        tpu.wait_dma2 semaphore(%run_scoped3A : memref<!tpu.dma_semaphore, #tpu.memory_space<semaphore_mem>>) src(%dma_wait3A_337 : memref<640xf32, #tpu.memory_space<vmem_shared>>) dst(%dma_wait3A : memref<640xf32, #tpu.memory_space<hbm>>)
        tpu.yield
      }) : () -> ()
    } else {
    }
    return
  }
}

#map = affine_map<(d0, d1) -> (0, 0)>
#map1 = affine_map<(d0, d1) -> (0, 0, 0)>
module attributes {stable_mosaic.version = 14 : i64} {
  func.func @body(%arg0: i32, %arg1: i32, %arg2: memref<10240x128xf32, #tpu.memory_space<hbm>>, %arg3: memref<32x80x128xi32, #tpu.memory_space<hbm>>, %arg4: memref<32x80x128xi32, #tpu.memory_space<hbm>>, %arg5: memref<10240x128xf32, #tpu.memory_space<hbm>>, %arg6: memref<10240x128xf32, #tpu.memory_space<hbm>>, %arg7: memref<40x128xi32, #tpu.memory_space<vmem>>, %arg8: memref<40x128xi32, #tpu.memory_space<vmem>>, %arg9: memref<128x128xf32, #tpu.memory_space<vmem>>, %arg10: memref<128x128xf32, #tpu.memory_space<vmem>>, %arg11: memref<10240x128xf32, #tpu.memory_space<vmem_shared>>, %arg12: memref<!tpu.dma_semaphore, #tpu.memory_space<semaphore_mem>>, %arg13: memref<!tpu.dma_semaphore, #tpu.memory_space<semaphore_mem>>) attributes {dimension_semantics = [#tpu.dimension_semantics<core_parallel>, #tpu.dimension_semantics<subcore_parallel>], iteration_bounds = array<i64: 2, 16>, scalar_prefetch = 0 : i64, scratch_operands = 7 : i64, tpu.core_type = #tpu.core_type<sc_vector_subcore>, window_params = [{transform_indices = #map}, {transform_indices = #map1}, {transform_indices = #map1}, {transform_indices = #map}, {transform_indices = #map}]} {
    %mul3A = arith.constant 16 : i32
    %mul3A_0 = arith.muli %arg0, %mul3A : i32
    %add3A = arith.addi %mul3A_0, %arg1 : i32
    %scan3A = arith.constant 0 : i32
    %scan3A_1 = arith.constant 0 : i32
    %scan3A_2 = arith.constant 128 : i32
    %scan3A_3 = arith.addi %scan3A_1, %scan3A_2 : i32
    %scan3A_4 = arith.constant 1 : i32
    scf.for %scan3A_48 = %scan3A_1 to %scan3A_3 step %scan3A_4  : i32 {
      %broadcast_in_dim3A = arith.constant 0.000000e+00 : f32
      %broadcast_in_dim3A_49 = vector.broadcast %broadcast_in_dim3A : f32 to vector<16xf32>
      %swap3A = arith.index_cast %scan3A_48 : i32 to index
      %swap3A_50 = arith.constant 0 : index
      %swap3A_51 = tpu.vector_load %arg9[%swap3A, %swap3A_50] {strides = array<i32>} : memref<128x128xf32, #tpu.memory_space<vmem>>, vector<1x16xf32>,
      %swap3A_52 = vector.shape_cast %swap3A_51 : vector<1x16xf32> to vector<16xf32>
      %swap3A_53 = vector.shape_cast %broadcast_in_dim3A_49 : vector<16xf32> to vector<1x16xf32>
      tpu.vector_store %arg9[%swap3A, %swap3A_50], %swap3A_53 {strides = array<i32>} : memref<128x128xf32, #tpu.memory_space<vmem>>, vector<1x16xf32>,
      %broadcast_in_dim3A_54 = arith.constant 0.000000e+00 : f32
      %broadcast_in_dim3A_55 = vector.broadcast %broadcast_in_dim3A_54 : f32 to vector<16xf32>
      %swap3A_56 = arith.index_cast %scan3A_48 : i32 to index
      %swap3A_57 = arith.constant 16 : index
      %swap3A_58 = tpu.vector_load %arg9[%swap3A_56, %swap3A_57] {strides = array<i32>} : memref<128x128xf32, #tpu.memory_space<vmem>>, vector<1x16xf32>,
      %swap3A_59 = vector.shape_cast %swap3A_58 : vector<1x16xf32> to vector<16xf32>
      %swap3A_60 = vector.shape_cast %broadcast_in_dim3A_55 : vector<16xf32> to vector<1x16xf32>
      tpu.vector_store %arg9[%swap3A_56, %swap3A_57], %swap3A_60 {strides = array<i32>} : memref<128x128xf32, #tpu.memory_space<vmem>>, vector<1x16xf32>,
      %broadcast_in_dim3A_61 = arith.constant 0.000000e+00 : f32
      %broadcast_in_dim3A_62 = vector.broadcast %broadcast_in_dim3A_61 : f32 to vector<16xf32>
      %swap3A_63 = arith.index_cast %scan3A_48 : i32 to index
      %swap3A_64 = arith.constant 32 : index
      %swap3A_65 = tpu.vector_load %arg9[%swap3A_63, %swap3A_64] {strides = array<i32>} : memref<128x128xf32, #tpu.memory_space<vmem>>, vector<1x16xf32>,
      %swap3A_66 = vector.shape_cast %swap3A_65 : vector<1x16xf32> to vector<16xf32>
      %swap3A_67 = vector.shape_cast %broadcast_in_dim3A_62 : vector<16xf32> to vector<1x16xf32>
      tpu.vector_store %arg9[%swap3A_63, %swap3A_64], %swap3A_67 {strides = array<i32>} : memref<128x128xf32, #tpu.memory_space<vmem>>, vector<1x16xf32>,
      %broadcast_in_dim3A_68 = arith.constant 0.000000e+00 : f32
      %broadcast_in_dim3A_69 = vector.broadcast %broadcast_in_dim3A_68 : f32 to vector<16xf32>
      %swap3A_70 = arith.index_cast %scan3A_48 : i32 to index
      %swap3A_71 = arith.constant 48 : index
      %swap3A_72 = tpu.vector_load %arg9[%swap3A_70, %swap3A_71] {strides = array<i32>} : memref<128x128xf32, #tpu.memory_space<vmem>>, vector<1x16xf32>,
      %swap3A_73 = vector.shape_cast %swap3A_72 : vector<1x16xf32> to vector<16xf32>
      %swap3A_74 = vector.shape_cast %broadcast_in_dim3A_69 : vector<16xf32> to vector<1x16xf32>
      tpu.vector_store %arg9[%swap3A_70, %swap3A_71], %swap3A_74 {strides = array<i32>} : memref<128x128xf32, #tpu.memory_space<vmem>>, vector<1x16xf32>,
      %broadcast_in_dim3A_75 = arith.constant 0.000000e+00 : f32
      %broadcast_in_dim3A_76 = vector.broadcast %broadcast_in_dim3A_75 : f32 to vector<16xf32>
      %swap3A_77 = arith.index_cast %scan3A_48 : i32 to index
      %swap3A_78 = arith.constant 64 : index
      %swap3A_79 = tpu.vector_load %arg9[%swap3A_77, %swap3A_78] {strides = array<i32>} : memref<128x128xf32, #tpu.memory_space<vmem>>, vector<1x16xf32>,
      %swap3A_80 = vector.shape_cast %swap3A_79 : vector<1x16xf32> to vector<16xf32>
      %swap3A_81 = vector.shape_cast %broadcast_in_dim3A_76 : vector<16xf32> to vector<1x16xf32>
      tpu.vector_store %arg9[%swap3A_77, %swap3A_78], %swap3A_81 {strides = array<i32>} : memref<128x128xf32, #tpu.memory_space<vmem>>, vector<1x16xf32>,
      %broadcast_in_dim3A_82 = arith.constant 0.000000e+00 : f32
      %broadcast_in_dim3A_83 = vector.broadcast %broadcast_in_dim3A_82 : f32 to vector<16xf32>
      %swap3A_84 = arith.index_cast %scan3A_48 : i32 to index
      %swap3A_85 = arith.constant 80 : index
      %swap3A_86 = tpu.vector_load %arg9[%swap3A_84, %swap3A_85] {strides = array<i32>} : memref<128x128xf32, #tpu.memory_space<vmem>>, vector<1x16xf32>,
      %swap3A_87 = vector.shape_cast %swap3A_86 : vector<1x16xf32> to vector<16xf32>
      %swap3A_88 = vector.shape_cast %broadcast_in_dim3A_83 : vector<16xf32> to vector<1x16xf32>
      tpu.vector_store %arg9[%swap3A_84, %swap3A_85], %swap3A_88 {strides = array<i32>} : memref<128x128xf32, #tpu.memory_space<vmem>>, vector<1x16xf32>,
      %broadcast_in_dim3A_89 = arith.constant 0.000000e+00 : f32
      %broadcast_in_dim3A_90 = vector.broadcast %broadcast_in_dim3A_89 : f32 to vector<16xf32>
      %swap3A_91 = arith.index_cast %scan3A_48 : i32 to index
      %swap3A_92 = arith.constant 96 : index
      %swap3A_93 = tpu.vector_load %arg9[%swap3A_91, %swap3A_92] {strides = array<i32>} : memref<128x128xf32, #tpu.memory_space<vmem>>, vector<1x16xf32>,
      %swap3A_94 = vector.shape_cast %swap3A_93 : vector<1x16xf32> to vector<16xf32>
      %swap3A_95 = vector.shape_cast %broadcast_in_dim3A_90 : vector<16xf32> to vector<1x16xf32>
      tpu.vector_store %arg9[%swap3A_91, %swap3A_92], %swap3A_95 {strides = array<i32>} : memref<128x128xf32, #tpu.memory_space<vmem>>, vector<1x16xf32>,
      %broadcast_in_dim3A_96 = arith.constant 0.000000e+00 : f32
      %broadcast_in_dim3A_97 = vector.broadcast %broadcast_in_dim3A_96 : f32 to vector<16xf32>
      %swap3A_98 = arith.index_cast %scan3A_48 : i32 to index
      %swap3A_99 = arith.constant 112 : index
      %swap3A_100 = tpu.vector_load %arg9[%swap3A_98, %swap3A_99] {strides = array<i32>} : memref<128x128xf32, #tpu.memory_space<vmem>>, vector<1x16xf32>,
      %swap3A_101 = vector.shape_cast %swap3A_100 : vector<1x16xf32> to vector<16xf32>
      %swap3A_102 = vector.shape_cast %broadcast_in_dim3A_97 : vector<16xf32> to vector<1x16xf32>
      tpu.vector_store %arg9[%swap3A_98, %swap3A_99], %swap3A_102 {strides = array<i32>} : memref<128x128xf32, #tpu.memory_space<vmem>>, vector<1x16xf32>,
    }
    %scan3A_5 = arith.constant 128 : i32
    %mul3A_6 = arith.constant 640 : i32
    %mul3A_7 = arith.muli %arg1, %mul3A_6 : i32
    %add3A_8 = arith.constant 0 : i32
    %add3A_9 = arith.addi %mul3A_7, %add3A_8 : i32
    "tpu.region"() ({
      %run_scoped3A = tpu.sem_alloc : memref<!tpu.dma_semaphore, #tpu.memory_space<semaphore_mem>>
      %dma_start3A = arith.constant 0 : i32
      %dma_start3A_48 = tpu.memref_slice %arg11[%add3A_9, %dma_start3A] : memref<10240x128xf32, #tpu.memory_space<vmem_shared>> -> memref<128x128xf32, #tpu.memory_space<vmem_shared>>
      %dma_start3A_49 = arith.constant 0 : i32
      %dma_start3A_50 = tpu.memref_slice %arg11[%add3A_9, %dma_start3A_49] : memref<10240x128xf32, #tpu.memory_space<vmem_shared>> -> memref<128x128xf32, #tpu.memory_space<vmem_shared>>
      tpu.enqueue_dma source(%arg9 : memref<128x128xf32, #tpu.memory_space<vmem>>) target(%dma_start3A_50 : memref<128x128xf32, #tpu.memory_space<vmem_shared>>) target_semaphore(%run_scoped3A : memref<!tpu.dma_semaphore, #tpu.memory_space<semaphore_mem>>)
      %dma_wait3A = arith.constant 0 : i32
      %dma_wait3A_51 = tpu.memref_slice %arg11[%add3A_9, %dma_wait3A] : memref<10240x128xf32, #tpu.memory_space<vmem_shared>> -> memref<128x128xf32, #tpu.memory_space<vmem_shared>>
      %dma_wait3A_52 = arith.constant 0 : i32
      %dma_wait3A_53 = tpu.memref_slice %arg11[%add3A_9, %dma_wait3A_52] : memref<10240x128xf32, #tpu.memory_space<vmem_shared>> -> memref<128x128xf32, #tpu.memory_space<vmem_shared>>
      tpu.wait_dma2 semaphore(%run_scoped3A : memref<!tpu.dma_semaphore, #tpu.memory_space<semaphore_mem>>) src(%arg9 : memref<128x128xf32, #tpu.memory_space<vmem>>) dst(%dma_wait3A_53 : memref<128x128xf32, #tpu.memory_space<vmem_shared>>)
      tpu.yield
    }) : () -> ()
    %mul3A_10 = arith.constant 640 : i32
    %mul3A_11 = arith.muli %arg1, %mul3A_10 : i32
    %add3A_12 = arith.constant 128 : i32
    %add3A_13 = arith.addi %mul3A_11, %add3A_12 : i32
    "tpu.region"() ({
      %run_scoped3A = tpu.sem_alloc : memref<!tpu.dma_semaphore, #tpu.memory_space<semaphore_mem>>
      %dma_start3A = arith.constant 0 : i32
      %dma_start3A_48 = tpu.memref_slice %arg11[%add3A_13, %dma_start3A] : memref<10240x128xf32, #tpu.memory_space<vmem_shared>> -> memref<128x128xf32, #tpu.memory_space<vmem_shared>>
      %dma_start3A_49 = arith.constant 0 : i32
      %dma_start3A_50 = tpu.memref_slice %arg11[%add3A_13, %dma_start3A_49] : memref<10240x128xf32, #tpu.memory_space<vmem_shared>> -> memref<128x128xf32, #tpu.memory_space<vmem_shared>>
      tpu.enqueue_dma source(%arg9 : memref<128x128xf32, #tpu.memory_space<vmem>>) target(%dma_start3A_50 : memref<128x128xf32, #tpu.memory_space<vmem_shared>>) target_semaphore(%run_scoped3A : memref<!tpu.dma_semaphore, #tpu.memory_space<semaphore_mem>>)
      %dma_wait3A = arith.constant 0 : i32
      %dma_wait3A_51 = tpu.memref_slice %arg11[%add3A_13, %dma_wait3A] : memref<10240x128xf32, #tpu.memory_space<vmem_shared>> -> memref<128x128xf32, #tpu.memory_space<vmem_shared>>
      %dma_wait3A_52 = arith.constant 0 : i32
      %dma_wait3A_53 = tpu.memref_slice %arg11[%add3A_13, %dma_wait3A_52] : memref<10240x128xf32, #tpu.memory_space<vmem_shared>> -> memref<128x128xf32, #tpu.memory_space<vmem_shared>>
      tpu.wait_dma2 semaphore(%run_scoped3A : memref<!tpu.dma_semaphore, #tpu.memory_space<semaphore_mem>>) src(%arg9 : memref<128x128xf32, #tpu.memory_space<vmem>>) dst(%dma_wait3A_53 : memref<128x128xf32, #tpu.memory_space<vmem_shared>>)
      tpu.yield
    }) : () -> ()
    %mul3A_14 = arith.constant 640 : i32
    %mul3A_15 = arith.muli %arg1, %mul3A_14 : i32
    %add3A_16 = arith.constant 256 : i32
    %add3A_17 = arith.addi %mul3A_15, %add3A_16 : i32
    "tpu.region"() ({
      %run_scoped3A = tpu.sem_alloc : memref<!tpu.dma_semaphore, #tpu.memory_space<semaphore_mem>>
      %dma_start3A = arith.constant 0 : i32
      %dma_start3A_48 = tpu.memref_slice %arg11[%add3A_17, %dma_start3A] : memref<10240x128xf32, #tpu.memory_space<vmem_shared>> -> memref<128x128xf32, #tpu.memory_space<vmem_shared>>
      %dma_start3A_49 = arith.constant 0 : i32
      %dma_start3A_50 = tpu.memref_slice %arg11[%add3A_17, %dma_start3A_49] : memref<10240x128xf32, #tpu.memory_space<vmem_shared>> -> memref<128x128xf32, #tpu.memory_space<vmem_shared>>
      tpu.enqueue_dma source(%arg9 : memref<128x128xf32, #tpu.memory_space<vmem>>) target(%dma_start3A_50 : memref<128x128xf32, #tpu.memory_space<vmem_shared>>) target_semaphore(%run_scoped3A : memref<!tpu.dma_semaphore, #tpu.memory_space<semaphore_mem>>)
      %dma_wait3A = arith.constant 0 : i32
      %dma_wait3A_51 = tpu.memref_slice %arg11[%add3A_17, %dma_wait3A] : memref<10240x128xf32, #tpu.memory_space<vmem_shared>> -> memref<128x128xf32, #tpu.memory_space<vmem_shared>>
      %dma_wait3A_52 = arith.constant 0 : i32
      %dma_wait3A_53 = tpu.memref_slice %arg11[%add3A_17, %dma_wait3A_52] : memref<10240x128xf32, #tpu.memory_space<vmem_shared>> -> memref<128x128xf32, #tpu.memory_space<vmem_shared>>
      tpu.wait_dma2 semaphore(%run_scoped3A : memref<!tpu.dma_semaphore, #tpu.memory_space<semaphore_mem>>) src(%arg9 : memref<128x128xf32, #tpu.memory_space<vmem>>) dst(%dma_wait3A_53 : memref<128x128xf32, #tpu.memory_space<vmem_shared>>)
      tpu.yield
    }) : () -> ()
    %mul3A_18 = arith.constant 640 : i32
    %mul3A_19 = arith.muli %arg1, %mul3A_18 : i32
    %add3A_20 = arith.constant 384 : i32
    %add3A_21 = arith.addi %mul3A_19, %add3A_20 : i32
    "tpu.region"() ({
      %run_scoped3A = tpu.sem_alloc : memref<!tpu.dma_semaphore, #tpu.memory_space<semaphore_mem>>
      %dma_start3A = arith.constant 0 : i32
      %dma_start3A_48 = tpu.memref_slice %arg11[%add3A_21, %dma_start3A] : memref<10240x128xf32, #tpu.memory_space<vmem_shared>> -> memref<128x128xf32, #tpu.memory_space<vmem_shared>>
      %dma_start3A_49 = arith.constant 0 : i32
      %dma_start3A_50 = tpu.memref_slice %arg11[%add3A_21, %dma_start3A_49] : memref<10240x128xf32, #tpu.memory_space<vmem_shared>> -> memref<128x128xf32, #tpu.memory_space<vmem_shared>>
      tpu.enqueue_dma source(%arg9 : memref<128x128xf32, #tpu.memory_space<vmem>>) target(%dma_start3A_50 : memref<128x128xf32, #tpu.memory_space<vmem_shared>>) target_semaphore(%run_scoped3A : memref<!tpu.dma_semaphore, #tpu.memory_space<semaphore_mem>>)
      %dma_wait3A = arith.constant 0 : i32
      %dma_wait3A_51 = tpu.memref_slice %arg11[%add3A_21, %dma_wait3A] : memref<10240x128xf32, #tpu.memory_space<vmem_shared>> -> memref<128x128xf32, #tpu.memory_space<vmem_shared>>
      %dma_wait3A_52 = arith.constant 0 : i32
      %dma_wait3A_53 = tpu.memref_slice %arg11[%add3A_21, %dma_wait3A_52] : memref<10240x128xf32, #tpu.memory_space<vmem_shared>> -> memref<128x128xf32, #tpu.memory_space<vmem_shared>>
      tpu.wait_dma2 semaphore(%run_scoped3A : memref<!tpu.dma_semaphore, #tpu.memory_space<semaphore_mem>>) src(%arg9 : memref<128x128xf32, #tpu.memory_space<vmem>>) dst(%dma_wait3A_53 : memref<128x128xf32, #tpu.memory_space<vmem_shared>>)
      tpu.yield
    }) : () -> ()
    %mul3A_22 = arith.constant 640 : i32
    %mul3A_23 = arith.muli %arg1, %mul3A_22 : i32
    %add3A_24 = arith.constant 512 : i32
    %add3A_25 = arith.addi %mul3A_23, %add3A_24 : i32
    "tpu.region"() ({
      %run_scoped3A = tpu.sem_alloc : memref<!tpu.dma_semaphore, #tpu.memory_space<semaphore_mem>>
      %dma_start3A = arith.constant 0 : i32
      %dma_start3A_48 = tpu.memref_slice %arg11[%add3A_25, %dma_start3A] : memref<10240x128xf32, #tpu.memory_space<vmem_shared>> -> memref<128x128xf32, #tpu.memory_space<vmem_shared>>
      %dma_start3A_49 = arith.constant 0 : i32
      %dma_start3A_50 = tpu.memref_slice %arg11[%add3A_25, %dma_start3A_49] : memref<10240x128xf32, #tpu.memory_space<vmem_shared>> -> memref<128x128xf32, #tpu.memory_space<vmem_shared>>
      tpu.enqueue_dma source(%arg9 : memref<128x128xf32, #tpu.memory_space<vmem>>) target(%dma_start3A_50 : memref<128x128xf32, #tpu.memory_space<vmem_shared>>) target_semaphore(%run_scoped3A : memref<!tpu.dma_semaphore, #tpu.memory_space<semaphore_mem>>)
      %dma_wait3A = arith.constant 0 : i32
      %dma_wait3A_51 = tpu.memref_slice %arg11[%add3A_25, %dma_wait3A] : memref<10240x128xf32, #tpu.memory_space<vmem_shared>> -> memref<128x128xf32, #tpu.memory_space<vmem_shared>>
      %dma_wait3A_52 = arith.constant 0 : i32
      %dma_wait3A_53 = tpu.memref_slice %arg11[%add3A_25, %dma_wait3A_52] : memref<10240x128xf32, #tpu.memory_space<vmem_shared>> -> memref<128x128xf32, #tpu.memory_space<vmem_shared>>
      tpu.wait_dma2 semaphore(%run_scoped3A : memref<!tpu.dma_semaphore, #tpu.memory_space<semaphore_mem>>) src(%arg9 : memref<128x128xf32, #tpu.memory_space<vmem>>) dst(%dma_wait3A_53 : memref<128x128xf32, #tpu.memory_space<vmem_shared>>)
      tpu.yield
    }) : () -> ()
    %barrier3A = arith.constant 0 : index
    tpu.barrier barrier_id(%barrier3A)
    "tpu.region"() ({
      %run_scoped3A = tpu.sem_alloc : memref<!tpu.dma_semaphore, #tpu.memory_space<semaphore_mem>>
      %dma_start3A = arith.constant 0 : i32
      %dma_start3A_48 = arith.constant 0 : i32
      %dma_start3A_49 = tpu.memref_slice %arg3[%add3A, %dma_start3A, %dma_start3A_48] : memref<32x80x128xi32, #tpu.memory_space<hbm>> -> memref<1x40x128xi32, #tpu.memory_space<hbm>>
      %dma_start3A_50 = tpu.memref_squeeze %dma_start3A_49 : memref<1x40x128xi32, #tpu.memory_space<hbm>> -> memref<40x128xi32, #tpu.memory_space<hbm>>
      %dma_start3A_51 = arith.constant 0 : i32
      %dma_start3A_52 = arith.constant 0 : i32
      %dma_start3A_53 = tpu.memref_slice %arg3[%add3A, %dma_start3A_51, %dma_start3A_52] : memref<32x80x128xi32, #tpu.memory_space<hbm>> -> memref<1x40x128xi32, #tpu.memory_space<hbm>>
      %dma_start3A_54 = tpu.memref_squeeze %dma_start3A_53 : memref<1x40x128xi32, #tpu.memory_space<hbm>> -> memref<40x128xi32, #tpu.memory_space<hbm>>
      tpu.enqueue_dma source(%dma_start3A_54 : memref<40x128xi32, #tpu.memory_space<hbm>>) target(%arg7 : memref<40x128xi32, #tpu.memory_space<vmem>>) target_semaphore(%run_scoped3A : memref<!tpu.dma_semaphore, #tpu.memory_space<semaphore_mem>>)
      %dma_wait3A = arith.constant 0 : i32
      %dma_wait3A_55 = arith.constant 0 : i32
      %dma_wait3A_56 = tpu.memref_slice %arg3[%add3A, %dma_wait3A, %dma_wait3A_55] : memref<32x80x128xi32, #tpu.memory_space<hbm>> -> memref<1x40x128xi32, #tpu.memory_space<hbm>>
      %dma_wait3A_57 = tpu.memref_squeeze %dma_wait3A_56 : memref<1x40x128xi32, #tpu.memory_space<hbm>> -> memref<40x128xi32, #tpu.memory_space<hbm>>
      %dma_wait3A_58 = arith.constant 0 : i32
      %dma_wait3A_59 = arith.constant 0 : i32
      %dma_wait3A_60 = tpu.memref_slice %arg3[%add3A, %dma_wait3A_58, %dma_wait3A_59] : memref<32x80x128xi32, #tpu.memory_space<hbm>> -> memref<1x40x128xi32, #tpu.memory_space<hbm>>
      %dma_wait3A_61 = tpu.memref_squeeze %dma_wait3A_60 : memref<1x40x128xi32, #tpu.memory_space<hbm>> -> memref<40x128xi32, #tpu.memory_space<hbm>>
      tpu.wait_dma2 semaphore(%run_scoped3A : memref<!tpu.dma_semaphore, #tpu.memory_space<semaphore_mem>>) src(%dma_wait3A_61 : memref<40x128xi32, #tpu.memory_space<hbm>>) dst(%arg7 : memref<40x128xi32, #tpu.memory_space<vmem>>)
      tpu.yield
    }) : () -> ()
    "tpu.region"() ({
      %run_scoped3A = tpu.sem_alloc : memref<!tpu.dma_semaphore, #tpu.memory_space<semaphore_mem>>
      %dma_start3A = arith.constant 0 : i32
      %dma_start3A_48 = arith.constant 0 : i32
      %dma_start3A_49 = tpu.memref_slice %arg4[%add3A, %dma_start3A, %dma_start3A_48] : memref<32x80x128xi32, #tpu.memory_space<hbm>> -> memref<1x40x128xi32, #tpu.memory_space<hbm>>
      %dma_start3A_50 = tpu.memref_squeeze %dma_start3A_49 : memref<1x40x128xi32, #tpu.memory_space<hbm>> -> memref<40x128xi32, #tpu.memory_space<hbm>>
      %dma_start3A_51 = arith.constant 0 : i32
      %dma_start3A_52 = arith.constant 0 : i32
      %dma_start3A_53 = tpu.memref_slice %arg4[%add3A, %dma_start3A_51, %dma_start3A_52] : memref<32x80x128xi32, #tpu.memory_space<hbm>> -> memref<1x40x128xi32, #tpu.memory_space<hbm>>
      %dma_start3A_54 = tpu.memref_squeeze %dma_start3A_53 : memref<1x40x128xi32, #tpu.memory_space<hbm>> -> memref<40x128xi32, #tpu.memory_space<hbm>>
      tpu.enqueue_dma source(%dma_start3A_54 : memref<40x128xi32, #tpu.memory_space<hbm>>) target(%arg8 : memref<40x128xi32, #tpu.memory_space<vmem>>) target_semaphore(%run_scoped3A : memref<!tpu.dma_semaphore, #tpu.memory_space<semaphore_mem>>)
      %dma_wait3A = arith.constant 0 : i32
      %dma_wait3A_55 = arith.constant 0 : i32
      %dma_wait3A_56 = tpu.memref_slice %arg4[%add3A, %dma_wait3A, %dma_wait3A_55] : memref<32x80x128xi32, #tpu.memory_space<hbm>> -> memref<1x40x128xi32, #tpu.memory_space<hbm>>
      %dma_wait3A_57 = tpu.memref_squeeze %dma_wait3A_56 : memref<1x40x128xi32, #tpu.memory_space<hbm>> -> memref<40x128xi32, #tpu.memory_space<hbm>>
      %dma_wait3A_58 = arith.constant 0 : i32
      %dma_wait3A_59 = arith.constant 0 : i32
      %dma_wait3A_60 = tpu.memref_slice %arg4[%add3A, %dma_wait3A_58, %dma_wait3A_59] : memref<32x80x128xi32, #tpu.memory_space<hbm>> -> memref<1x40x128xi32, #tpu.memory_space<hbm>>
      %dma_wait3A_61 = tpu.memref_squeeze %dma_wait3A_60 : memref<1x40x128xi32, #tpu.memory_space<hbm>> -> memref<40x128xi32, #tpu.memory_space<hbm>>
      tpu.wait_dma2 semaphore(%run_scoped3A : memref<!tpu.dma_semaphore, #tpu.memory_space<semaphore_mem>>) src(%dma_wait3A_61 : memref<40x128xi32, #tpu.memory_space<hbm>>) dst(%arg8 : memref<40x128xi32, #tpu.memory_space<vmem>>)
      tpu.yield
    }) : () -> ()
    %scan3A_26 = arith.constant 0 : i32
    %scan3A_27 = arith.constant 0 : i32
    %scan3A_28 = arith.constant 20 : i32
    %scan3A_29 = arith.addi %scan3A_27, %scan3A_28 : i32
    %scan3A_30 = arith.constant 1 : i32
    scf.for %scan3A_48 = %scan3A_27 to %scan3A_29 step %scan3A_30  : i32 {
      %mul3A_49 = arith.constant 2 : i32
      %mul3A_50 = arith.muli %mul3A_49, %scan3A_48 : i32
      %dma_start3A = arith.constant 0 : i32
      %dma_start3A_51 = tpu.memref_slice %arg7[%mul3A_50, %dma_start3A] : memref<40x128xi32, #tpu.memory_space<vmem>> -> memref<1x128xi32, #tpu.memory_space<vmem>>
      %dma_start3A_52 = tpu.memref_squeeze %dma_start3A_51 : memref<1x128xi32, #tpu.memory_space<vmem>> -> memref<128xi32, #tpu.memory_space<vmem>>
      %dma_start3A_53 = arith.constant 0 : i32
      %dma_start3A_54 = arith.constant 0 : i32
      %dma_start3A_55 = tpu.memref_slice %arg2[%dma_start3A_53, %dma_start3A_54] : memref<10240x128xf32, #tpu.memory_space<hbm>> -> memref<10240x128xf32, #tpu.memory_space<hbm>>
      tpu.enqueue_indirect_dma source(%dma_start3A_55 : memref<10240x128xf32, #tpu.memory_space<hbm>>) target(%arg9 : memref<128x128xf32, #tpu.memory_space<vmem>>) offsets(%dma_start3A_52 : memref<128xi32, #tpu.memory_space<vmem>>) semaphore(%arg12 : memref<!tpu.dma_semaphore, #tpu.memory_space<semaphore_mem>>)
      %add3A_56 = arith.constant 1 : i32
      %add3A_57 = arith.addi %mul3A_50, %add3A_56 : i32
      %dma_start3A_58 = arith.constant 0 : i32
      %dma_start3A_59 = tpu.memref_slice %arg7[%add3A_57, %dma_start3A_58] : memref<40x128xi32, #tpu.memory_space<vmem>> -> memref<1x128xi32, #tpu.memory_space<vmem>>
      %dma_start3A_60 = tpu.memref_squeeze %dma_start3A_59 : memref<1x128xi32, #tpu.memory_space<vmem>> -> memref<128xi32, #tpu.memory_space<vmem>>
      %dma_start3A_61 = arith.constant 0 : i32
      %dma_start3A_62 = arith.constant 0 : i32
      %dma_start3A_63 = tpu.memref_slice %arg2[%dma_start3A_61, %dma_start3A_62] : memref<10240x128xf32, #tpu.memory_space<hbm>> -> memref<10240x128xf32, #tpu.memory_space<hbm>>
      tpu.enqueue_indirect_dma source(%dma_start3A_63 : memref<10240x128xf32, #tpu.memory_space<hbm>>) target(%arg10 : memref<128x128xf32, #tpu.memory_space<vmem>>) offsets(%dma_start3A_60 : memref<128xi32, #tpu.memory_space<vmem>>) semaphore(%arg13 : memref<!tpu.dma_semaphore, #tpu.memory_space<semaphore_mem>>)
      %dma_wait3A = arith.constant 0 : i32
      %dma_wait3A_64 = tpu.memref_slice %arg7[%mul3A_50, %dma_wait3A] : memref<40x128xi32, #tpu.memory_space<vmem>> -> memref<1x128xi32, #tpu.memory_space<vmem>>
      %dma_wait3A_65 = tpu.memref_squeeze %dma_wait3A_64 : memref<1x128xi32, #tpu.memory_space<vmem>> -> memref<128xi32, #tpu.memory_space<vmem>>
      %dma_wait3A_66 = arith.constant 0 : i32
      %dma_wait3A_67 = arith.constant 0 : i32
      %dma_wait3A_68 = tpu.memref_slice %arg2[%dma_wait3A_66, %dma_wait3A_67] : memref<10240x128xf32, #tpu.memory_space<hbm>> -> memref<10240x128xf32, #tpu.memory_space<hbm>>
      tpu.wait_indirect_dma semaphore(%arg12 : memref<!tpu.dma_semaphore, #tpu.memory_space<semaphore_mem>>) src(%dma_wait3A_68 : memref<10240x128xf32, #tpu.memory_space<hbm>>) dst(%arg9 : memref<128x128xf32, #tpu.memory_space<vmem>>)
      "tpu.region"() ({
        %run_scoped3A = tpu.sem_alloc : memref<!tpu.dma_semaphore, #tpu.memory_space<semaphore_mem>>
        %dma_start3A_77 = arith.constant 0 : i32
        %dma_start3A_78 = tpu.memref_slice %arg8[%mul3A_50, %dma_start3A_77] : memref<40x128xi32, #tpu.memory_space<vmem>> -> memref<1x128xi32, #tpu.memory_space<vmem>>
        %dma_start3A_79 = tpu.memref_squeeze %dma_start3A_78 : memref<1x128xi32, #tpu.memory_space<vmem>> -> memref<128xi32, #tpu.memory_space<vmem>>
        %dma_start3A_80 = arith.constant 0 : i32
        %dma_start3A_81 = arith.constant 0 : i32
        %dma_start3A_82 = tpu.memref_slice %arg11[%dma_start3A_80, %dma_start3A_81] : memref<10240x128xf32, #tpu.memory_space<vmem_shared>> -> memref<10240x128xf32, #tpu.memory_space<vmem_shared>>
        tpu.enqueue_indirect_dma source(%arg9 : memref<128x128xf32, #tpu.memory_space<vmem>>) target(%dma_start3A_82 : memref<10240x128xf32, #tpu.memory_space<vmem_shared>>) offsets(%dma_start3A_79 : memref<128xi32, #tpu.memory_space<vmem>>) semaphore(%run_scoped3A : memref<!tpu.dma_semaphore, #tpu.memory_space<semaphore_mem>>) {add = true}
        %dma_wait3A_83 = arith.constant 0 : i32
        %dma_wait3A_84 = tpu.memref_slice %arg8[%mul3A_50, %dma_wait3A_83] : memref<40x128xi32, #tpu.memory_space<vmem>> -> memref<1x128xi32, #tpu.memory_space<vmem>>
        %dma_wait3A_85 = tpu.memref_squeeze %dma_wait3A_84 : memref<1x128xi32, #tpu.memory_space<vmem>> -> memref<128xi32, #tpu.memory_space<vmem>>
        %dma_wait3A_86 = arith.constant 0 : i32
        %dma_wait3A_87 = arith.constant 0 : i32
        %dma_wait3A_88 = tpu.memref_slice %arg11[%dma_wait3A_86, %dma_wait3A_87] : memref<10240x128xf32, #tpu.memory_space<vmem_shared>> -> memref<10240x128xf32, #tpu.memory_space<vmem_shared>>
        tpu.wait_indirect_dma semaphore(%run_scoped3A : memref<!tpu.dma_semaphore, #tpu.memory_space<semaphore_mem>>) src(%arg9 : memref<128x128xf32, #tpu.memory_space<vmem>>) dst(%dma_wait3A_88 : memref<10240x128xf32, #tpu.memory_space<vmem_shared>>)
        tpu.yield
      }) : () -> ()
      %dma_wait3A_69 = arith.constant 0 : i32
      %dma_wait3A_70 = tpu.memref_slice %arg7[%add3A_57, %dma_wait3A_69] : memref<40x128xi32, #tpu.memory_space<vmem>> -> memref<1x128xi32, #tpu.memory_space<vmem>>
      %dma_wait3A_71 = tpu.memref_squeeze %dma_wait3A_70 : memref<1x128xi32, #tpu.memory_space<vmem>> -> memref<128xi32, #tpu.memory_space<vmem>>
      %dma_wait3A_72 = arith.constant 0 : i32
      %dma_wait3A_73 = arith.constant 0 : i32
      %dma_wait3A_74 = tpu.memref_slice %arg2[%dma_wait3A_72, %dma_wait3A_73] : memref<10240x128xf32, #tpu.memory_space<hbm>> -> memref<10240x128xf32, #tpu.memory_space<hbm>>
      tpu.wait_indirect_dma semaphore(%arg13 : memref<!tpu.dma_semaphore, #tpu.memory_space<semaphore_mem>>) src(%dma_wait3A_74 : memref<10240x128xf32, #tpu.memory_space<hbm>>) dst(%arg10 : memref<128x128xf32, #tpu.memory_space<vmem>>)
      %add3A_75 = arith.constant 1 : i32
      %add3A_76 = arith.addi %mul3A_50, %add3A_75 : i32
      "tpu.region"() ({
        %run_scoped3A = tpu.sem_alloc : memref<!tpu.dma_semaphore, #tpu.memory_space<semaphore_mem>>
        %dma_start3A_77 = arith.constant 0 : i32
        %dma_start3A_78 = tpu.memref_slice %arg8[%add3A_76, %dma_start3A_77] : memref<40x128xi32, #tpu.memory_space<vmem>> -> memref<1x128xi32, #tpu.memory_space<vmem>>
        %dma_start3A_79 = tpu.memref_squeeze %dma_start3A_78 : memref<1x128xi32, #tpu.memory_space<vmem>> -> memref<128xi32, #tpu.memory_space<vmem>>
        %dma_start3A_80 = arith.constant 0 : i32
        %dma_start3A_81 = arith.constant 0 : i32
        %dma_start3A_82 = tpu.memref_slice %arg11[%dma_start3A_80, %dma_start3A_81] : memref<10240x128xf32, #tpu.memory_space<vmem_shared>> -> memref<10240x128xf32, #tpu.memory_space<vmem_shared>>
        tpu.enqueue_indirect_dma source(%arg10 : memref<128x128xf32, #tpu.memory_space<vmem>>) target(%dma_start3A_82 : memref<10240x128xf32, #tpu.memory_space<vmem_shared>>) offsets(%dma_start3A_79 : memref<128xi32, #tpu.memory_space<vmem>>) semaphore(%run_scoped3A : memref<!tpu.dma_semaphore, #tpu.memory_space<semaphore_mem>>) {add = true}
        %dma_wait3A_83 = arith.constant 0 : i32
        %dma_wait3A_84 = tpu.memref_slice %arg8[%add3A_76, %dma_wait3A_83] : memref<40x128xi32, #tpu.memory_space<vmem>> -> memref<1x128xi32, #tpu.memory_space<vmem>>
        %dma_wait3A_85 = tpu.memref_squeeze %dma_wait3A_84 : memref<1x128xi32, #tpu.memory_space<vmem>> -> memref<128xi32, #tpu.memory_space<vmem>>
        %dma_wait3A_86 = arith.constant 0 : i32
        %dma_wait3A_87 = arith.constant 0 : i32
        %dma_wait3A_88 = tpu.memref_slice %arg11[%dma_wait3A_86, %dma_wait3A_87] : memref<10240x128xf32, #tpu.memory_space<vmem_shared>> -> memref<10240x128xf32, #tpu.memory_space<vmem_shared>>
        tpu.wait_indirect_dma semaphore(%run_scoped3A : memref<!tpu.dma_semaphore, #tpu.memory_space<semaphore_mem>>) src(%arg10 : memref<128x128xf32, #tpu.memory_space<vmem>>) dst(%dma_wait3A_88 : memref<10240x128xf32, #tpu.memory_space<vmem_shared>>)
        tpu.yield
      }) : () -> ()
    }
    %scan3A_31 = arith.constant 20 : i32
    "tpu.region"() ({
      %run_scoped3A = tpu.sem_alloc : memref<!tpu.dma_semaphore, #tpu.memory_space<semaphore_mem>>
      %dma_start3A = arith.constant 40 : i32
      %dma_start3A_48 = arith.constant 0 : i32
      %dma_start3A_49 = tpu.memref_slice %arg3[%add3A, %dma_start3A, %dma_start3A_48] : memref<32x80x128xi32, #tpu.memory_space<hbm>> -> memref<1x40x128xi32, #tpu.memory_space<hbm>>
      %dma_start3A_50 = tpu.memref_squeeze %dma_start3A_49 : memref<1x40x128xi32, #tpu.memory_space<hbm>> -> memref<40x128xi32, #tpu.memory_space<hbm>>
      %dma_start3A_51 = arith.constant 40 : i32
      %dma_start3A_52 = arith.constant 0 : i32
      %dma_start3A_53 = tpu.memref_slice %arg3[%add3A, %dma_start3A_51, %dma_start3A_52] : memref<32x80x128xi32, #tpu.memory_space<hbm>> -> memref<1x40x128xi32, #tpu.memory_space<hbm>>
      %dma_start3A_54 = tpu.memref_squeeze %dma_start3A_53 : memref<1x40x128xi32, #tpu.memory_space<hbm>> -> memref<40x128xi32, #tpu.memory_space<hbm>>
      tpu.enqueue_dma source(%dma_start3A_54 : memref<40x128xi32, #tpu.memory_space<hbm>>) target(%arg7 : memref<40x128xi32, #tpu.memory_space<vmem>>) target_semaphore(%run_scoped3A : memref<!tpu.dma_semaphore, #tpu.memory_space<semaphore_mem>>)
      %dma_wait3A = arith.constant 40 : i32
      %dma_wait3A_55 = arith.constant 0 : i32
      %dma_wait3A_56 = tpu.memref_slice %arg3[%add3A, %dma_wait3A, %dma_wait3A_55] : memref<32x80x128xi32, #tpu.memory_space<hbm>> -> memref<1x40x128xi32, #tpu.memory_space<hbm>>
      %dma_wait3A_57 = tpu.memref_squeeze %dma_wait3A_56 : memref<1x40x128xi32, #tpu.memory_space<hbm>> -> memref<40x128xi32, #tpu.memory_space<hbm>>
      %dma_wait3A_58 = arith.constant 40 : i32
      %dma_wait3A_59 = arith.constant 0 : i32
      %dma_wait3A_60 = tpu.memref_slice %arg3[%add3A, %dma_wait3A_58, %dma_wait3A_59] : memref<32x80x128xi32, #tpu.memory_space<hbm>> -> memref<1x40x128xi32, #tpu.memory_space<hbm>>
      %dma_wait3A_61 = tpu.memref_squeeze %dma_wait3A_60 : memref<1x40x128xi32, #tpu.memory_space<hbm>> -> memref<40x128xi32, #tpu.memory_space<hbm>>
      tpu.wait_dma2 semaphore(%run_scoped3A : memref<!tpu.dma_semaphore, #tpu.memory_space<semaphore_mem>>) src(%dma_wait3A_61 : memref<40x128xi32, #tpu.memory_space<hbm>>) dst(%arg7 : memref<40x128xi32, #tpu.memory_space<vmem>>)
      tpu.yield
    }) : () -> ()
    "tpu.region"() ({
      %run_scoped3A = tpu.sem_alloc : memref<!tpu.dma_semaphore, #tpu.memory_space<semaphore_mem>>
      %dma_start3A = arith.constant 40 : i32
      %dma_start3A_48 = arith.constant 0 : i32
      %dma_start3A_49 = tpu.memref_slice %arg4[%add3A, %dma_start3A, %dma_start3A_48] : memref<32x80x128xi32, #tpu.memory_space<hbm>> -> memref<1x40x128xi32, #tpu.memory_space<hbm>>
      %dma_start3A_50 = tpu.memref_squeeze %dma_start3A_49 : memref<1x40x128xi32, #tpu.memory_space<hbm>> -> memref<40x128xi32, #tpu.memory_space<hbm>>
      %dma_start3A_51 = arith.constant 40 : i32
      %dma_start3A_52 = arith.constant 0 : i32
      %dma_start3A_53 = tpu.memref_slice %arg4[%add3A, %dma_start3A_51, %dma_start3A_52] : memref<32x80x128xi32, #tpu.memory_space<hbm>> -> memref<1x40x128xi32, #tpu.memory_space<hbm>>
      %dma_start3A_54 = tpu.memref_squeeze %dma_start3A_53 : memref<1x40x128xi32, #tpu.memory_space<hbm>> -> memref<40x128xi32, #tpu.memory_space<hbm>>
      tpu.enqueue_dma source(%dma_start3A_54 : memref<40x128xi32, #tpu.memory_space<hbm>>) target(%arg8 : memref<40x128xi32, #tpu.memory_space<vmem>>) target_semaphore(%run_scoped3A : memref<!tpu.dma_semaphore, #tpu.memory_space<semaphore_mem>>)
      %dma_wait3A = arith.constant 40 : i32
      %dma_wait3A_55 = arith.constant 0 : i32
      %dma_wait3A_56 = tpu.memref_slice %arg4[%add3A, %dma_wait3A, %dma_wait3A_55] : memref<32x80x128xi32, #tpu.memory_space<hbm>> -> memref<1x40x128xi32, #tpu.memory_space<hbm>>
      %dma_wait3A_57 = tpu.memref_squeeze %dma_wait3A_56 : memref<1x40x128xi32, #tpu.memory_space<hbm>> -> memref<40x128xi32, #tpu.memory_space<hbm>>
      %dma_wait3A_58 = arith.constant 40 : i32
      %dma_wait3A_59 = arith.constant 0 : i32
      %dma_wait3A_60 = tpu.memref_slice %arg4[%add3A, %dma_wait3A_58, %dma_wait3A_59] : memref<32x80x128xi32, #tpu.memory_space<hbm>> -> memref<1x40x128xi32, #tpu.memory_space<hbm>>
      %dma_wait3A_61 = tpu.memref_squeeze %dma_wait3A_60 : memref<1x40x128xi32, #tpu.memory_space<hbm>> -> memref<40x128xi32, #tpu.memory_space<hbm>>
      tpu.wait_dma2 semaphore(%run_scoped3A : memref<!tpu.dma_semaphore, #tpu.memory_space<semaphore_mem>>) src(%dma_wait3A_61 : memref<40x128xi32, #tpu.memory_space<hbm>>) dst(%arg8 : memref<40x128xi32, #tpu.memory_space<vmem>>)
      tpu.yield
    }) : () -> ()
    %scan3A_32 = arith.constant 0 : i32
    %scan3A_33 = arith.constant 0 : i32
    %scan3A_34 = arith.constant 20 : i32
    %scan3A_35 = arith.addi %scan3A_33, %scan3A_34 : i32
    %scan3A_36 = arith.constant 1 : i32
    scf.for %scan3A_48 = %scan3A_33 to %scan3A_35 step %scan3A_36  : i32 {
      %mul3A_49 = arith.constant 2 : i32
      %mul3A_50 = arith.muli %mul3A_49, %scan3A_48 : i32
      %dma_start3A = arith.constant 0 : i32
      %dma_start3A_51 = tpu.memref_slice %arg7[%mul3A_50, %dma_start3A] : memref<40x128xi32, #tpu.memory_space<vmem>> -> memref<1x128xi32, #tpu.memory_space<vmem>>
      %dma_start3A_52 = tpu.memref_squeeze %dma_start3A_51 : memref<1x128xi32, #tpu.memory_space<vmem>> -> memref<128xi32, #tpu.memory_space<vmem>>
      %dma_start3A_53 = arith.constant 0 : i32
      %dma_start3A_54 = arith.constant 0 : i32
      %dma_start3A_55 = tpu.memref_slice %arg2[%dma_start3A_53, %dma_start3A_54] : memref<10240x128xf32, #tpu.memory_space<hbm>> -> memref<10240x128xf32, #tpu.memory_space<hbm>>
      tpu.enqueue_indirect_dma source(%dma_start3A_55 : memref<10240x128xf32, #tpu.memory_space<hbm>>) target(%arg9 : memref<128x128xf32, #tpu.memory_space<vmem>>) offsets(%dma_start3A_52 : memref<128xi32, #tpu.memory_space<vmem>>) semaphore(%arg12 : memref<!tpu.dma_semaphore, #tpu.memory_space<semaphore_mem>>)
      %add3A_56 = arith.constant 1 : i32
      %add3A_57 = arith.addi %mul3A_50, %add3A_56 : i32
      %dma_start3A_58 = arith.constant 0 : i32
      %dma_start3A_59 = tpu.memref_slice %arg7[%add3A_57, %dma_start3A_58] : memref<40x128xi32, #tpu.memory_space<vmem>> -> memref<1x128xi32, #tpu.memory_space<vmem>>
      %dma_start3A_60 = tpu.memref_squeeze %dma_start3A_59 : memref<1x128xi32, #tpu.memory_space<vmem>> -> memref<128xi32, #tpu.memory_space<vmem>>
      %dma_start3A_61 = arith.constant 0 : i32
      %dma_start3A_62 = arith.constant 0 : i32
      %dma_start3A_63 = tpu.memref_slice %arg2[%dma_start3A_61, %dma_start3A_62] : memref<10240x128xf32, #tpu.memory_space<hbm>> -> memref<10240x128xf32, #tpu.memory_space<hbm>>
      tpu.enqueue_indirect_dma source(%dma_start3A_63 : memref<10240x128xf32, #tpu.memory_space<hbm>>) target(%arg10 : memref<128x128xf32, #tpu.memory_space<vmem>>) offsets(%dma_start3A_60 : memref<128xi32, #tpu.memory_space<vmem>>) semaphore(%arg13 : memref<!tpu.dma_semaphore, #tpu.memory_space<semaphore_mem>>)
      %dma_wait3A = arith.constant 0 : i32
      %dma_wait3A_64 = tpu.memref_slice %arg7[%mul3A_50, %dma_wait3A] : memref<40x128xi32, #tpu.memory_space<vmem>> -> memref<1x128xi32, #tpu.memory_space<vmem>>
      %dma_wait3A_65 = tpu.memref_squeeze %dma_wait3A_64 : memref<1x128xi32, #tpu.memory_space<vmem>> -> memref<128xi32, #tpu.memory_space<vmem>>
      %dma_wait3A_66 = arith.constant 0 : i32
      %dma_wait3A_67 = arith.constant 0 : i32
      %dma_wait3A_68 = tpu.memref_slice %arg2[%dma_wait3A_66, %dma_wait3A_67] : memref<10240x128xf32, #tpu.memory_space<hbm>> -> memref<10240x128xf32, #tpu.memory_space<hbm>>
      tpu.wait_indirect_dma semaphore(%arg12 : memref<!tpu.dma_semaphore, #tpu.memory_space<semaphore_mem>>) src(%dma_wait3A_68 : memref<10240x128xf32, #tpu.memory_space<hbm>>) dst(%arg9 : memref<128x128xf32, #tpu.memory_space<vmem>>)
      "tpu.region"() ({
        %run_scoped3A = tpu.sem_alloc : memref<!tpu.dma_semaphore, #tpu.memory_space<semaphore_mem>>
        %dma_start3A_77 = arith.constant 0 : i32
        %dma_start3A_78 = tpu.memref_slice %arg8[%mul3A_50, %dma_start3A_77] : memref<40x128xi32, #tpu.memory_space<vmem>> -> memref<1x128xi32, #tpu.memory_space<vmem>>
        %dma_start3A_79 = tpu.memref_squeeze %dma_start3A_78 : memref<1x128xi32, #tpu.memory_space<vmem>> -> memref<128xi32, #tpu.memory_space<vmem>>
        %dma_start3A_80 = arith.constant 0 : i32
        %dma_start3A_81 = arith.constant 0 : i32
        %dma_start3A_82 = tpu.memref_slice %arg11[%dma_start3A_80, %dma_start3A_81] : memref<10240x128xf32, #tpu.memory_space<vmem_shared>> -> memref<10240x128xf32, #tpu.memory_space<vmem_shared>>
        tpu.enqueue_indirect_dma source(%arg9 : memref<128x128xf32, #tpu.memory_space<vmem>>) target(%dma_start3A_82 : memref<10240x128xf32, #tpu.memory_space<vmem_shared>>) offsets(%dma_start3A_79 : memref<128xi32, #tpu.memory_space<vmem>>) semaphore(%run_scoped3A : memref<!tpu.dma_semaphore, #tpu.memory_space<semaphore_mem>>) {add = true}
        %dma_wait3A_83 = arith.constant 0 : i32
        %dma_wait3A_84 = tpu.memref_slice %arg8[%mul3A_50, %dma_wait3A_83] : memref<40x128xi32, #tpu.memory_space<vmem>> -> memref<1x128xi32, #tpu.memory_space<vmem>>
        %dma_wait3A_85 = tpu.memref_squeeze %dma_wait3A_84 : memref<1x128xi32, #tpu.memory_space<vmem>> -> memref<128xi32, #tpu.memory_space<vmem>>
        %dma_wait3A_86 = arith.constant 0 : i32
        %dma_wait3A_87 = arith.constant 0 : i32
        %dma_wait3A_88 = tpu.memref_slice %arg11[%dma_wait3A_86, %dma_wait3A_87] : memref<10240x128xf32, #tpu.memory_space<vmem_shared>> -> memref<10240x128xf32, #tpu.memory_space<vmem_shared>>
        tpu.wait_indirect_dma semaphore(%run_scoped3A : memref<!tpu.dma_semaphore, #tpu.memory_space<semaphore_mem>>) src(%arg9 : memref<128x128xf32, #tpu.memory_space<vmem>>) dst(%dma_wait3A_88 : memref<10240x128xf32, #tpu.memory_space<vmem_shared>>)
        tpu.yield
      }) : () -> ()
      %dma_wait3A_69 = arith.constant 0 : i32
      %dma_wait3A_70 = tpu.memref_slice %arg7[%add3A_57, %dma_wait3A_69] : memref<40x128xi32, #tpu.memory_space<vmem>> -> memref<1x128xi32, #tpu.memory_space<vmem>>
      %dma_wait3A_71 = tpu.memref_squeeze %dma_wait3A_70 : memref<1x128xi32, #tpu.memory_space<vmem>> -> memref<128xi32, #tpu.memory_space<vmem>>
      %dma_wait3A_72 = arith.constant 0 : i32
      %dma_wait3A_73 = arith.constant 0 : i32
      %dma_wait3A_74 = tpu.memref_slice %arg2[%dma_wait3A_72, %dma_wait3A_73] : memref<10240x128xf32, #tpu.memory_space<hbm>> -> memref<10240x128xf32, #tpu.memory_space<hbm>>
      tpu.wait_indirect_dma semaphore(%arg13 : memref<!tpu.dma_semaphore, #tpu.memory_space<semaphore_mem>>) src(%dma_wait3A_74 : memref<10240x128xf32, #tpu.memory_space<hbm>>) dst(%arg10 : memref<128x128xf32, #tpu.memory_space<vmem>>)
      %add3A_75 = arith.constant 1 : i32
      %add3A_76 = arith.addi %mul3A_50, %add3A_75 : i32
      "tpu.region"() ({
        %run_scoped3A = tpu.sem_alloc : memref<!tpu.dma_semaphore, #tpu.memory_space<semaphore_mem>>
        %dma_start3A_77 = arith.constant 0 : i32
        %dma_start3A_78 = tpu.memref_slice %arg8[%add3A_76, %dma_start3A_77] : memref<40x128xi32, #tpu.memory_space<vmem>> -> memref<1x128xi32, #tpu.memory_space<vmem>>
        %dma_start3A_79 = tpu.memref_squeeze %dma_start3A_78 : memref<1x128xi32, #tpu.memory_space<vmem>> -> memref<128xi32, #tpu.memory_space<vmem>>
        %dma_start3A_80 = arith.constant 0 : i32
        %dma_start3A_81 = arith.constant 0 : i32
        %dma_start3A_82 = tpu.memref_slice %arg11[%dma_start3A_80, %dma_start3A_81] : memref<10240x128xf32, #tpu.memory_space<vmem_shared>> -> memref<10240x128xf32, #tpu.memory_space<vmem_shared>>
        tpu.enqueue_indirect_dma source(%arg10 : memref<128x128xf32, #tpu.memory_space<vmem>>) target(%dma_start3A_82 : memref<10240x128xf32, #tpu.memory_space<vmem_shared>>) offsets(%dma_start3A_79 : memref<128xi32, #tpu.memory_space<vmem>>) semaphore(%run_scoped3A : memref<!tpu.dma_semaphore, #tpu.memory_space<semaphore_mem>>) {add = true}
        %dma_wait3A_83 = arith.constant 0 : i32
        %dma_wait3A_84 = tpu.memref_slice %arg8[%add3A_76, %dma_wait3A_83] : memref<40x128xi32, #tpu.memory_space<vmem>> -> memref<1x128xi32, #tpu.memory_space<vmem>>
        %dma_wait3A_85 = tpu.memref_squeeze %dma_wait3A_84 : memref<1x128xi32, #tpu.memory_space<vmem>> -> memref<128xi32, #tpu.memory_space<vmem>>
        %dma_wait3A_86 = arith.constant 0 : i32
        %dma_wait3A_87 = arith.constant 0 : i32
        %dma_wait3A_88 = tpu.memref_slice %arg11[%dma_wait3A_86, %dma_wait3A_87] : memref<10240x128xf32, #tpu.memory_space<vmem_shared>> -> memref<10240x128xf32, #tpu.memory_space<vmem_shared>>
        tpu.wait_indirect_dma semaphore(%run_scoped3A : memref<!tpu.dma_semaphore, #tpu.memory_space<semaphore_mem>>) src(%arg10 : memref<128x128xf32, #tpu.memory_space<vmem>>) dst(%dma_wait3A_88 : memref<10240x128xf32, #tpu.memory_space<vmem_shared>>)
        tpu.yield
      }) : () -> ()
    }
    %scan3A_37 = arith.constant 20 : i32
    %barrier3A_38 = arith.constant 0 : index
    tpu.barrier barrier_id(%barrier3A_38)
    %mul3A_39 = arith.constant 640 : i32
    %mul3A_40 = arith.muli %arg1, %mul3A_39 : i32
    %eq3A = arith.constant 0 : i32
    %eq3A_41 = arith.cmpi eq, %arg0, %eq3A : i32
    %convert_element_type3A = arith.extui %eq3A_41 : i1 to i32
    %cond3A = arith.constant 0 : i32
    %cond3A_42 = arith.cmpi ne, %convert_element_type3A, %cond3A : i32
    scf.if %cond3A_42 {
      "tpu.region"() ({
        %run_scoped3A = tpu.sem_alloc : memref<!tpu.dma_semaphore, #tpu.memory_space<semaphore_mem>>
        %dma_start3A = arith.constant 0 : i32
        %dma_start3A_48 = tpu.memref_slice %arg5[%mul3A_40, %dma_start3A] : memref<10240x128xf32, #tpu.memory_space<hbm>> -> memref<640x128xf32, #tpu.memory_space<hbm>>
        %dma_start3A_49 = arith.constant 0 : i32
        %dma_start3A_50 = tpu.memref_slice %arg11[%mul3A_40, %dma_start3A_49] : memref<10240x128xf32, #tpu.memory_space<vmem_shared>> -> memref<640x128xf32, #tpu.memory_space<vmem_shared>>
        tpu.enqueue_dma source(%dma_start3A_50 : memref<640x128xf32, #tpu.memory_space<vmem_shared>>) target(%dma_start3A_48 : memref<640x128xf32, #tpu.memory_space<hbm>>) target_semaphore(%run_scoped3A : memref<!tpu.dma_semaphore, #tpu.memory_space<semaphore_mem>>)
        %dma_wait3A = arith.constant 0 : i32
        %dma_wait3A_51 = tpu.memref_slice %arg5[%mul3A_40, %dma_wait3A] : memref<10240x128xf32, #tpu.memory_space<hbm>> -> memref<640x128xf32, #tpu.memory_space<hbm>>
        %dma_wait3A_52 = arith.constant 0 : i32
        %dma_wait3A_53 = tpu.memref_slice %arg11[%mul3A_40, %dma_wait3A_52] : memref<10240x128xf32, #tpu.memory_space<vmem_shared>> -> memref<640x128xf32, #tpu.memory_space<vmem_shared>>
        tpu.wait_dma2 semaphore(%run_scoped3A : memref<!tpu.dma_semaphore, #tpu.memory_space<semaphore_mem>>) src(%dma_wait3A_53 : memref<640x128xf32, #tpu.memory_space<vmem_shared>>) dst(%dma_wait3A_51 : memref<640x128xf32, #tpu.memory_space<hbm>>)
        tpu.yield
      }) : () -> ()
    } else {
    }
    %eq3A_43 = arith.constant 1 : i32
    %eq3A_44 = arith.cmpi eq, %arg0, %eq3A_43 : i32
    %convert_element_type3A_45 = arith.extui %eq3A_44 : i1 to i32
    %cond3A_46 = arith.constant 0 : i32
    %cond3A_47 = arith.cmpi ne, %convert_element_type3A_45, %cond3A_46 : i32
    scf.if %cond3A_47 {
      "tpu.region"() ({
        %run_scoped3A = tpu.sem_alloc : memref<!tpu.dma_semaphore, #tpu.memory_space<semaphore_mem>>
        %dma_start3A = arith.constant 0 : i32
        %dma_start3A_48 = tpu.memref_slice %arg6[%mul3A_40, %dma_start3A] : memref<10240x128xf32, #tpu.memory_space<hbm>> -> memref<640x128xf32, #tpu.memory_space<hbm>>
        %dma_start3A_49 = arith.constant 0 : i32
        %dma_start3A_50 = tpu.memref_slice %arg11[%mul3A_40, %dma_start3A_49] : memref<10240x128xf32, #tpu.memory_space<vmem_shared>> -> memref<640x128xf32, #tpu.memory_space<vmem_shared>>
        tpu.enqueue_dma source(%dma_start3A_50 : memref<640x128xf32, #tpu.memory_space<vmem_shared>>) target(%dma_start3A_48 : memref<640x128xf32, #tpu.memory_space<hbm>>) target_semaphore(%run_scoped3A : memref<!tpu.dma_semaphore, #tpu.memory_space<semaphore_mem>>)
        %dma_wait3A = arith.constant 0 : i32
        %dma_wait3A_51 = tpu.memref_slice %arg6[%mul3A_40, %dma_wait3A] : memref<10240x128xf32, #tpu.memory_space<hbm>> -> memref<640x128xf32, #tpu.memory_space<hbm>>
        %dma_wait3A_52 = arith.constant 0 : i32
        %dma_wait3A_53 = tpu.memref_slice %arg11[%mul3A_40, %dma_wait3A_52] : memref<10240x128xf32, #tpu.memory_space<vmem_shared>> -> memref<640x128xf32, #tpu.memory_space<vmem_shared>>
        tpu.wait_dma2 semaphore(%run_scoped3A : memref<!tpu.dma_semaphore, #tpu.memory_space<semaphore_mem>>) src(%dma_wait3A_53 : memref<640x128xf32, #tpu.memory_space<vmem_shared>>) dst(%dma_wait3A_51 : memref<640x128xf32, #tpu.memory_space<hbm>>)
        tpu.yield
      }) : () -> ()
    } else {
    }
    return
  }
}

module attributes {stable_mosaic.version = 14 : i64} {
  func.func @body(%arg0: i32, %arg1: memref<512x128xf32, #tpu.memory_space<vmem>>, %arg2: memref<512x128xf32, #tpu.memory_space<vmem>>, %arg3: memref<512x1xf32, #tpu.memory_space<vmem>>, %arg4: memref<512x1xf32, #tpu.memory_space<vmem>>, %arg5: memref<512x128xf32, #tpu.memory_space<vmem>>, %arg6: memref<512x1xf32, #tpu.memory_space<vmem>>) attributes {dimension_semantics = [#tpu.dimension_semantics<arbitrary>], iteration_bounds = array<i64: 20>, scalar_prefetch = 0 : i64, scratch_operands = 0 : i64, tpu.core_type = #tpu.core_type<tc>, window_params = [{transform_indices = @transform_0, window_bounds = array<i64: 512, 128>}, {transform_indices = @transform_1, window_bounds = array<i64: 512, 128>}, {transform_indices = @transform_2, window_bounds = array<i64: 512, 1>}, {transform_indices = @transform_3, window_bounds = array<i64: 512, 1>}, {transform_indices = @transform_4, window_bounds = array<i64: 512, 128>}, {transform_indices = @transform_5, window_bounds = array<i64: 512, 1>}]} {
    %get3A = arith.constant 0 : index
    %get3A_0 = arith.constant 0 : index
    %get3A_1 = vector.load %arg3[%get3A, %get3A_0] : memref<512x1xf32, #tpu.memory_space<vmem>>, vector<512x1xf32>
    %get3A_2 = arith.constant 0 : index
    %get3A_3 = arith.constant 0 : index
    %get3A_4 = vector.load %arg4[%get3A_2, %get3A_3] : memref<512x1xf32, #tpu.memory_space<vmem>>, vector<512x1xf32>
    %add3A = arith.addf %get3A_1, %get3A_4 : vector<512x1xf32>
    %max3A = arith.constant 1.000000e+00 : f32
    %max3A_5 = vector.broadcast %max3A : f32 to vector<512x1xf32>
    %max3A_6 = arith.maximumf %add3A, %max3A_5 : vector<512x1xf32>
    %div3A = arith.constant 1.000000e+00 : f32
    %div3A_7 = vector.broadcast %div3A : f32 to vector<512x1xf32>
    %div3A_8 = arith.divf %div3A_7, %max3A_6 : vector<512x1xf32>
    %swap3A = arith.constant 0 : index
    %swap3A_9 = arith.constant 0 : index
    %swap3A_10 = vector.load %arg6[%swap3A, %swap3A_9] : memref<512x1xf32, #tpu.memory_space<vmem>>, vector<512x1xf32>
    tpu.vector_store %arg6[%swap3A, %swap3A_9], %div3A_8 {strides = array<i32>} : memref<512x1xf32, #tpu.memory_space<vmem>>, vector<512x1xf32>,
    %get3A_11 = arith.constant 0 : index
    %get3A_12 = arith.constant 0 : index
    %get3A_13 = vector.load %arg1[%get3A_11, %get3A_12] : memref<512x128xf32, #tpu.memory_space<vmem>>, vector<512x128xf32>
    %get3A_14 = arith.constant 0 : index
    %get3A_15 = arith.constant 0 : index
    %get3A_16 = vector.load %arg2[%get3A_14, %get3A_15] : memref<512x128xf32, #tpu.memory_space<vmem>>, vector<512x128xf32>
    %add3A_17 = arith.addf %get3A_13, %get3A_16 : vector<512x128xf32>
    %mul3A = vector.broadcast %div3A_8 : vector<512x1xf32> to vector<512x128xf32>
    %mul3A_18 = arith.mulf %add3A_17, %mul3A : vector<512x128xf32>
    %swap3A_19 = arith.constant 0 : index
    %swap3A_20 = arith.constant 0 : index
    %swap3A_21 = vector.load %arg5[%swap3A_19, %swap3A_20] : memref<512x128xf32, #tpu.memory_space<vmem>>, vector<512x128xf32>
    tpu.vector_store %arg5[%swap3A_19, %swap3A_20], %mul3A_18 {strides = array<i32>} : memref<512x128xf32, #tpu.memory_space<vmem>>, vector<512x128xf32>,
    return
  }
  func.func @transform_0(%arg0: i32) -> (i32, i32) {
    %c0_i32 = arith.constant 0 : i32
    %c0_i32_0 = arith.constant 0 : i32
    return %arg0, %c0_i32 : i32, i32
  }
  func.func @transform_1(%arg0: i32) -> (i32, i32) {
    %c0_i32 = arith.constant 0 : i32
    %c0_i32_0 = arith.constant 0 : i32
    return %arg0, %c0_i32 : i32, i32
  }
  func.func @transform_2(%arg0: i32) -> (i32, i32) {
    %c0_i32 = arith.constant 0 : i32
    %c0_i32_0 = arith.constant 0 : i32
    return %arg0, %c0_i32 : i32, i32
  }
  func.func @transform_3(%arg0: i32) -> (i32, i32) {
    %c0_i32 = arith.constant 0 : i32
    %c0_i32_0 = arith.constant 0 : i32
    return %arg0, %c0_i32 : i32, i32
  }
  func.func @transform_4(%arg0: i32) -> (i32, i32) {
    %c0_i32 = arith.constant 0 : i32
    %c0_i32_0 = arith.constant 0 : i32
    return %arg0, %c0_i32 : i32, i32
  }
  func.func @transform_5(%arg0: i32) -> (i32, i32) {
    %c0_i32 = arith.constant 0 : i32
    %c0_i32_0 = arith.constant 0 : i32
    return %arg0, %c0_i32 : i32, i32
  }
}

module attributes {stable_mosaic.version = 14 : i64} {
  func.func @body(%arg0: i32, %arg1: memref<400x128xf32, #tpu.memory_space<vmem>>, %arg2: memref<400x128xf32, #tpu.memory_space<vmem>>, %arg3: memref<400x1xf32, #tpu.memory_space<vmem>>, %arg4: memref<400x128xf32, #tpu.memory_space<vmem>>, %arg5: memref<400x128xf32, #tpu.memory_space<vmem>>) attributes {dimension_semantics = [#tpu.dimension_semantics<arbitrary>], iteration_bounds = array<i64: 25>, scalar_prefetch = 0 : i64, scratch_operands = 0 : i64, tpu.core_type = #tpu.core_type<tc>, window_params = [{transform_indices = @transform_0, window_bounds = array<i64: 400, 128>}, {transform_indices = @transform_1, window_bounds = array<i64: 400, 128>}, {transform_indices = @transform_2, window_bounds = array<i64: 400, 1>}, {transform_indices = @transform_3, window_bounds = array<i64: 400, 128>}, {transform_indices = @transform_4, window_bounds = array<i64: 400, 128>}]} {
    %get3A = arith.constant 0 : index
    %get3A_0 = arith.constant 0 : index
    %get3A_1 = vector.load %arg1[%get3A, %get3A_0] : memref<400x128xf32, #tpu.memory_space<vmem>>, vector<400x128xf32>
    %get3A_2 = arith.constant 0 : index
    %get3A_3 = arith.constant 0 : index
    %get3A_4 = vector.load %arg2[%get3A_2, %get3A_3] : memref<400x128xf32, #tpu.memory_space<vmem>>, vector<400x128xf32>
    %add3A = arith.addf %get3A_1, %get3A_4 : vector<400x128xf32>
    %get3A_5 = arith.constant 0 : index
    %get3A_6 = arith.constant 0 : index
    %get3A_7 = vector.load %arg3[%get3A_5, %get3A_6] : memref<400x1xf32, #tpu.memory_space<vmem>>, vector<400x1xf32>
    %mul3A = vector.broadcast %get3A_7 : vector<400x1xf32> to vector<400x128xf32>
    %mul3A_8 = arith.mulf %add3A, %mul3A : vector<400x128xf32>
    %get3A_9 = arith.constant 0 : index
    %get3A_10 = arith.constant 0 : index
    %get3A_11 = vector.load %arg4[%get3A_9, %get3A_10] : memref<400x128xf32, #tpu.memory_space<vmem>>, vector<400x128xf32>
    %add3A_12 = arith.addf %get3A_11, %mul3A_8 : vector<400x128xf32>
    %mul3A_13 = arith.constant 5.000000e-01 : f32
    %mul3A_14 = vector.broadcast %mul3A_13 : f32 to vector<400x128xf32>
    %mul3A_15 = arith.mulf %mul3A_14, %add3A_12 : vector<400x128xf32>
    %swap3A = arith.constant 0 : index
    %swap3A_16 = arith.constant 0 : index
    %swap3A_17 = vector.load %arg5[%swap3A, %swap3A_16] : memref<400x128xf32, #tpu.memory_space<vmem>>, vector<400x128xf32>
    tpu.vector_store %arg5[%swap3A, %swap3A_16], %mul3A_15 {strides = array<i32>} : memref<400x128xf32, #tpu.memory_space<vmem>>, vector<400x128xf32>,
    return
  }
  func.func @transform_0(%arg0: i32) -> (i32, i32) {
    %c0_i32 = arith.constant 0 : i32
    %c0_i32_0 = arith.constant 0 : i32
    return %arg0, %c0_i32 : i32, i32
  }
  func.func @transform_1(%arg0: i32) -> (i32, i32) {
    %c0_i32 = arith.constant 0 : i32
    %c0_i32_0 = arith.constant 0 : i32
    return %arg0, %c0_i32 : i32, i32
  }
  func.func @transform_2(%arg0: i32) -> (i32, i32) {
    %c0_i32 = arith.constant 0 : i32
    %c0_i32_0 = arith.constant 0 : i32
    return %arg0, %c0_i32 : i32, i32
  }
  func.func @transform_3(%arg0: i32) -> (i32, i32) {
    %c0_i32 = arith.constant 0 : i32
    %c0_i32_0 = arith.constant 0 : i32
    return %arg0, %c0_i32 : i32, i32
  }
  func.func @transform_4(%arg0: i32) -> (i32, i32) {
    %c0_i32 = arith.constant 0 : i32
    %c0_i32_0 = arith.constant 0 : i32
    return %arg0, %c0_i32 : i32, i32
  }
}

</mosaic_0001>

<sc_bundles>
// kernel: kernel.6.cloned.1.call-start
scs
__scs_entry_jumppad:
0x0: {  	(pc) =	sbr.rel $0x88, $3  }
0x1: {  	(tag) =	ssettag $0x0;
	lr =	simm.s32 $0x1  }
0x2: {  	[smem:$0x3F9F] =	sst lr;
	_ =	strace $0xD0000000  }
0x3: {  	_ = 	snop  }
0x4: {  	_ = 	snop  }
0x5: {  	_ = 	snop  }
0x6: {  	_ = 	snop  }
0x7: {  	_ = 	snop  }
__scs_overlays_trampoline_lowered:
0x8: {  	[smem:$0x3FAE] =	sst s0  }
0x9: {  	[smem:$0x3FAF] =	sst s1  }
0xa: {  	[smem:$0x3FB0] =	sst s2  }
0xb: {  	[smem:$0x3FB1] =	sst s3  }
0xc: {  	[smem:$0x3FB2] =	sst s4  }
0xd: {  	[smem:$0x3FB3] =	sst s5  }
0xe: {  	[smem:$0x3FB4] =	sst s6  }
0xf: {  	[smem:$0x3FB5] =	sst s7  }
0x10: {  	[smem:$0x3FB6] =	sst s8  }
0x11: {  	[smem:$0x3FB7] =	sst s9;
	s0 =	simm.s32 @!p0 $0x0  }
0x12: {  	s1 =	sld [smem:$0x3F9D];
	s0 =	simm.s32 @p0 $0x1  }
0x13: {  	[smem:$0x3FB8] =	sst s0;
	s0 =	simm.s32 @!p1 $0x0  }
0x14: {  	s2 =	sld [smem:$0x3F9C];
	s0 =	simm.s32 @p1 $0x1  }
0x15: {  	[smem:$0x3FB9] =	sst s0;
	s0 =	simm.s32 @!p2 $0x0  }
0x16: {  	s3 =	sld [smem:$0x3FDB];
	s0 =	simm.s32 @p2 $0x1  }
0x17: {  	s4 =	simm.s32 $0x1BF5;
	[smem:$0x3FBB] =	sst s0  }
0x18: {  	s0 =	sld [smem:$0x3F9E];
	_ =	swait.ge [sflag:s4], $0x0  }
0x19: {  	s7 =	sld [smem:$0x3F9F]  }
0x1a: {  	s8 =	sadd.s32 $0xFFFFE003, lr  }
0x1b: {  	s9 =	sadd.s32 $0xFFFFFEF7, lr;
	s5 =	simm.s32 $0xFFFFFFFF;
	p2 =	slt.u32 s8, $0xFFFFF086  }
0x1c: {  	p1 =	slt.u32 s9, $0xF7A;
	s5 =	simm.s32 @!p2 $0x0  }
0x1d: {  	s5 =	simm.s32 @p1 $0x1;
	p0 =	seq.s32 s7, s2  }
0x1e: {  	s7 =	smul.u32 @!p0 $0xF7A, s2;
	p2 =	seq.s32 @!p0 s5, $0x0  }
0x1f: {  	s9 =	smul.u32 $0xF7A, s1;
	s8 =	simm.s32 @!p0 $0x1BF5;
	p2 =	por !p2, p0  }
0x20: {  	[sflag:s8] =	ssyncset.s32 @!p0 $0xFFFFF086;
	s6 =	sadd.s32 @!p0 s3, s7;
	s7 =	simm.s32 @!p0 $0x108  }
0x21: {  	s3 =	sadd.s32 s3, s9;
	s6 =	sadd.s32 @!p0 $0x88, s6;
	s7 =	simm.s32 @p2 $0x1082  }
0x22: {  	[simem:s7], [sflag:s8] =	dma.local @!p0 [hbm:s6], $0xF7A  }
0x23: {  	s9 =	sor.u32 $0xD0000000, s2;
	s6 =	simm.s32 $0x108;
	_ =	swait.ge @!p0 [sflag:s8], $0x0  }
0x24: {  	s3 =	sadd.s32 $0x88, s3;
	s6 =	simm.s32 @!p1 $0x1082;
	[sflag:s4] =	ssyncset.s32 $0xFFFFF086  }
0x25: {  	[simem:s6], [sflag:s4] =	dma.local [hbm:s3], $0xF7A  }
0x26: {  	[smem:$0x3F9F] =	sst s1;
	(tag) =	ssettag s2;
	_ =	strace s9  }
0x27: {  	s1 =	sld [smem:$0x3FAF]  }
0x28: {  	s2 =	sld [smem:$0x3FB0]  }
0x29: {  	s4 =	sld [smem:$0x3FB2]  }
0x2a: {  	p0 =	seq.s32 s5, $0x0;
	s5 =	sld [smem:$0x3FB3]  }
0x2b: {  	s6 =	sld [smem:$0x3FB4]  }
0x2c: {  	s7 =	sld [smem:$0x3FB5]  }
0x2d: {  	s3 =	simm.s32 $0x108;
	s8 =	sld [smem:$0x3FB6]  }
0x2e: {  	s3 =	simm.s32 @!p0 $0x1082;
	s9 =	sld [smem:$0x3FB7]  }
0x2f: {  	lr =	sadd.s32 s0, s3;
	s0 =	sld [smem:$0x3FAE]  }
0x30: {  	s3 =	sld [smem:$0x3FB1]  }
0x31: {  	[smem:$0x3FBA] =	sst s10  }
0x32: {  	s10 =	sld [smem:$0x3FB8];
	_ =	sdelay $0x3  }
0x33: {  	p0 =	seq.s32 s10, $0x1;
	s10 =	sld [smem:$0x3FBA];
	_ =	sdelay $0x3  }
0x34: {  	[smem:$0x3FBA] =	sst s10  }
0x35: {  	s10 =	sld [smem:$0x3FB9];
	_ =	sdelay $0x3  }
0x36: {  	p1 =	seq.s32 s10, $0x1;
	s10 =	sld [smem:$0x3FBA];
	_ =	sdelay $0x3  }
0x37: {  	[smem:$0x3FBA] =	sst s10  }
0x38: {  	s10 =	sld [smem:$0x3FBB]  }
0x39: {  	_ = 	snop;
	(pc) =	sbr.ind lr, $3  }
0x3a: {  	_ = 	snop  }
0x3b: {  	_ = 	snop  }
0x3c: {  	p2 =	seq.s32 s10, $0x1;
	s10 =	sld [smem:$0x3FBA]  }
0x3d: {  	_ =	shalt  }
0x3e: {  	_ =	shalt  }
0x3f: {  	_ =	shalt  }
0x40: {  	_ =	shalt  }
0x41: {  	_ =	shalt  }
0x42: {  	_ =	shalt  }
0x43: {  	_ =	shalt  }
0x44: {  	_ =	shalt  }
0x45: {  	_ =	shalt  }
0x46: {  	_ =	shalt  }
0x47: {  	_ =	shalt  }
0x48: {  	_ =	shalt  }
0x49: {  	_ =	shalt  }
0x4a: {  	_ =	shalt  }
0x4b: {  	_ =	shalt  }
0x4c: {  	_ =	shalt  }
0x4d: {  	_ =	shalt  }
0x4e: {  	_ =	shalt  }
0x4f: {  	_ =	shalt  }
0x50: {  	_ =	shalt  }
0x51: {  	_ =	shalt  }
0x52: {  	_ =	shalt  }
0x53: {  	_ =	shalt  }
0x54: {  	_ =	shalt  }
0x55: {  	_ =	shalt  }
0x56: {  	_ =	shalt  }
0x57: {  	_ =	shalt  }
0x58: {  	_ =	shalt  }
0x59: {  	_ =	shalt  }
0x5a: {  	_ =	shalt  }
0x5b: {  	_ =	shalt  }
0x5c: {  	_ =	shalt  }
0x5d: {  	_ =	shalt  }
0x5e: {  	_ =	shalt  }
0x5f: {  	_ =	shalt  }
0x60: {  	_ =	shalt  }
0x61: {  	_ =	shalt  }
0x62: {  	_ =	shalt  }
0x63: {  	_ =	shalt  }
0x64: {  	_ =	shalt  }
0x65: {  	_ =	shalt  }
0x66: {  	_ =	shalt  }
0x67: {  	_ =	shalt  }
0x68: {  	_ =	shalt  }
0x69: {  	_ =	shalt  }
0x6a: {  	_ =	shalt  }
0x6b: {  	_ =	shalt  }
0x6c: {  	_ =	shalt  }
0x6d: {  	_ =	shalt  }
0x6e: {  	_ =	shalt  }
0x6f: {  	_ =	shalt  }
0x70: {  	_ =	shalt  }
0x71: {  	_ =	shalt  }
0x72: {  	_ =	shalt  }
0x73: {  	_ =	shalt  }
0x74: {  	_ =	shalt  }
0x75: {  	_ =	shalt  }
0x76: {  	_ =	shalt  }
0x77: {  	_ =	shalt  }
0x78: {  	_ =	shalt  }
0x79: {  	_ =	shalt  }
0x7a: {  	_ =	shalt  }
0x7b: {  	_ =	shalt  }
0x7c: {  	_ =	shalt  }
0x7d: {  	_ =	shalt  }
0x7e: {  	_ =	shalt  }
0x7f: {  	_ =	shalt  }
0x80: {  	_ =	shalt  }
0x81: {  	_ =	shalt  }
0x82: {  	_ =	shalt  }
0x83: {  	_ =	shalt  }
0x84: {  	_ =	shalt  }
0x85: {  	_ =	shalt  }
0x86: {  	_ =	shalt  }
0x87: {  	_ =	shalt  }
.Lfunc_end0:
.L_simem_size_0:
called_computation_lowered:
.L_overlay_start_0:
0x88: {  	s2 =	sld [smem:$0x3FD9]  }
0x89: {  	s3 =	sld [smem:$0x3FFE];
	_ =	sdelay $0x1  }
0x8a: {  	s1 =	srdreg.scid  }
0x8b: {  	s0 =	sand.u32 $0x1, s1  }
0x8c: {  	s17 =	sshll.u32 s0, $0xA;
	s2 =	sadd.s32 s3, s2  }
0x8d: {  	s2 =	sadd.s32 s2, s17  }
0x8e: {  	[smem:$0x3FC6] =	sst s2  }
0x8f: {  	_ = 	snop  }
0x90: {  	s2 =	sld [smem:$0x3FC9]  }
0x91: {  	s18 =	sld [smem:$0x3FD0];
	(tm) =	ssettm $0x1  }
0x92: {  	s4 =	sld [smem:$0x3FFB];
	_ =	sdelay $0x3  }
0x93: {  	_ =	strace s4  }
0x94: {  	s4 =	sld [smem:$0x3FFC];
	_ =	sdelay $0x3  }
0x95: {  	_ =	strace s4  }
0x96: {  	s4 =	sld [smem:$0x3FFD];
	_ =	sdelay $0x3  }
0x97: {  	_ =	strace s4  }
0x98: {  	_ =	strace $0x8FFFFFFF  }
0x99: {  	s19 =	sld [smem:$0x3FDB];
	_ =	sdelay $0x1  }
0x9a: {  	s5 =	simm.s32 $_scs_section_size  }
0x9b: {  	s6 =	simm.s32 $_size__tile_overlayer_lowered;
	s7 =	simm.s32 $_tile_overlayer_lowered  }
0x9c: {  	s22 =	simm.s32 $0x1BFF;
	s21 =	sshll.u32 s7, $0x1;
	s4 =	sadd.s32 s5, s19  }
0x9d: {  	s8 =	simm.s32 $0x0;
	s20 =	sshll.u32 s6, $0x1;
	s6 =	sadd.s32 s21, s4  }
0x9e: {  	[timem:s8], [sflag:s22] =	dma.local [hbm:s6], s20  }
0x9f: {  	_ =	swait.ge [sflag:s22], s20  }
0xa0: {  	s5 =	ssub.s32 $0x0, s20;
	[sflag:s22] =	ssyncset.done $0x0  }
0xa1: {  	[sflag:s22] =	ssyncadd.s32 s5;
	_ =	sdelay $0x1  }
0xa2: {  	s23 =	simm.s32 $0x1B8B  }
0xa3: {  	_ =	swait.ge [sflag:s23], $0x1  }
0xa4: {  	[sflag:s23] =	ssyncset.done $0x0  }
0xa5: {  	s25 =	simm.s32 $0x1B8E;
	s24 =	sld [smem:$0x3FFE];
	[sflag:s23] =	ssyncadd.s32 $0xFFFFFFFF  }
0xa6: {  	s26 =	simm.s32 $execute0_lowered;
	[smem:$0x3FD2] =	sst s25  }
0xa7: {  	s6 =	sshll.u32 s26, $0x1;
	_ =	strace $0x80000046;
	[dreg:$0x1] =	wrdreg $0xFFFFFFFF  }
0xa8: {  	s28 =	simm.s32 $_size_execute0_lowered;
	s4 =	sadd.s32 s4, s6;
	[dreg:$0x0] =	wrdreg $0x0  }
0xa9: {  	s6 =	sshll.u32 s28, $0x1;
	[dreg:$0x2] =	wrdreg s4  }
0xaa: {  	[dreg:$0x3] =	wrdreg s6  }
0xab: {  	[dreg:$0x4] =	wrdreg $0xC0  }
0xac: {  	_ =	task [dreg:s8], $0x5FFFF  }
0xad: {  	[dreg:$0x1] =	wrdreg $0xFFFFFFFF  }
0xae: {  	[dreg:$0x0] =	wrdreg $0x60  }
0xaf: {  	[dreg:$0x2] =	wrdreg s2  }
0xb0: {  	[dreg:$0x3] =	wrdreg s18  }
0xb1: {  	[dreg:$0x4] =	wrdreg s24  }
0xb2: {  	[dreg:$0x5] =	wrdreg $0xA8000  }
0xb3: {  	[dreg:$0x6] =	wrdreg $0x1EB000  }
0xb4: {  	[dreg:$0x7] =	wrdreg $0x9  }
0xb5: {  	_ =	task.clear_ibuf [dreg:s8], $0x8FFFF;
	_ =	strace $0x90000046  }
0xb6: {  	s29 =	simm.s32 $0x9;
	_ =	strace $0x80000048  }
0xb7: {  	_ =	swait.ge [sflag:s29], $0x1  }
0xb8: {  	[sflag:s29] =	ssyncadd.s32 $0xFFFFFFFF  }
0xb9: {  	_ =	strace $0x90000048  }
0xba: {  	_ =	sfence  }
0xbb: {  	s30 =	sld [smem:$0x0];
	_ =	sdelay $0x2  }
0xbc: {  	s31 =	sshll.u32 s1, $0xD;
	s1 =	sshrl.u32 s1, $0x2  }
0xbd: {  	s3 =	sand.u32 $0x4000, s31;
	s1 =	sadd.s32 s1, s30  }
0xbe: {  	s0 =	sor.u32 s3, s0;
	s1 =	sshll.u32 s1, $0x11  }
0xbf: {  	s0 =	sor.u32 s1, s0  }
0xc0: {  	s0 =	sadd.s32 $0x8F2B, s0  }
0xc1: {  	[sflag:s0] =	ssyncadd.remote.s32 $0x1  }
0xc2: {  	_ =	sfence.sel $0xFFFF  }
0xc3: {  	[dreg:$0x0] =	wrdreg $0xFFFFFFFF;
	(pc) =	sbr.abs _section_cstart, $3  }
0xc4: {  	[dreg:$0x1] =	wrdreg $0xFFFFFFFF  }
0xc5: {  	_ =	task.clear_ibuf [dreg:s8], $0x2FFFF;
	_ =	strace $0x9FFFFFFF  }
0xc6: {  	(tm) =	ssettm $0x7FFFFFFF  }
0xc7: {  	_ =	shalt  }
tec
execute0_lowered:
.L_overlay_start_1:
0x0: {  	(tag) =	ssettag $0x1  }
0x1: {  	s1 =	rddreg [dreg:$0x0]  }
0x2: {  	s14 =	rddreg [dreg:$0x1]  }
0x3: {  	s6 =	rddreg [dreg:$0x2]  }
0x4: {  	s2 =	rddreg [dreg:$0x3]  }
0x5: {  	s3 =	rddreg [dreg:$0x4];
	s4 =	simm.s32 $0x0  }
0x6: {  	s7 =	srdreg.scid;
	s5 =	stileid.u32;
	s24 =	simm.s32 $0x6800  }
0x7: {  	s28 =	simm.s32 $0x2;
	[smem:$0x7FF] =	sst s4;
	s15 =	sadd.s32 $0x1800, s6  }
0x8: {  	s17 =	sadd.s32 $0xC400, s6;
	s16 =	sadd.s32 $0x34400, s6;
	s25 =	smul.u32 $0x50000, s5  }
0x9: {  	s18 =	sand.u32 $0x1, s7;
	s19 =	sadd.s32 $0xB800, s6;
	s22 =	smul.u32 $0x280, s5  }
0xa: {  	s20 =	sadd.s32 $0xBE00, s6;
	s31 =	smul.u32 $0x2800, s5;
	_ =	strace $0x80000047  }
0xb: {  	s26 =	sshll.u32 s18, $0x4;
	s8 =	ssub.s32 $0x2, s18;
	p0 =	seq.s32 s18, $0x1  }
0xc: {  	s9 =	sor.u32 s5, s26;
	s29 =	sshrl.u32 s25, $0x2;
	s30 =	sshrl.u32 s8, $0x1  }
0xd: {  	s11 =	sadd.s32 s22, s3;
	s22 =	sshrl.u32 s22, $0x3;
	s17 =	smov.u32 @p0 s16  }
0xe: {  	s19 =	smov.u32 @p0 s20;
	s20 =	simm.s32 $0x3;
	s25 =	simm.s32 $0x1  }
0xf: {  	s26 =	simm.s32 $0x1E800;
	s6 =	sadd.s32 s29, s2;
	s10 =	smul.u32 $0x2800, s9  }
0x10: {  	s21 =	ssub.s32 s8, s30;
	s17 =	sadd.s32 s17, s31;
	s18 =	sadd.s32 s19, s22  }
0x11: {  	s19 =	simm.s32 $0x2800;
	s22 =	simm.s32 $0x1400;
	s7 =	sadd.s32 $0x4000, s6  }
0x12: {  	s8 =	sadd.s32 $0x8000, s6;
	s9 =	sadd.s32 $0xC000, s6;
	s16 =	smax.u32 s21, $0x1  }
0x13: {  	s21 =	simm.s32 $0x1E880;
	s13 =	sshrl.u32 s10, $0x3;
	s10 =	sadd.s32 $0x10000, s6  }
0x14: {  	s23 =	sadd.s32 $0x280, s13;
	s12 =	sadd.s32 s14, s13;
	s13 =	sadd.s32 s15, s13  }
0x15: {  	v0 =	vimm.f32 $0.0e+00;
	v1 =	vimm.f32 $1.000000000e+00;
	s14 =	sadd.s32 s14, s23;
	s15 =	sadd.s32 s15, s23;
	s23 =	simm.s32 $0x80  }
.LBB2_1:
0x16: {  	s29 =	simm.s32 $0x0;
	s30 =	simm.s32 $0x200  }
.LBB2_2:
0x17: {  	p0 =	sne.s32 s30, $0xFE00;
	[tilespmem:s29+$0x2870] =	vst v0  }
0x18: {  	[tilespmem:s29+$0x2800] =	vst v0  }
0x19: {  	[tilespmem:s29+$0x2810] =	vst v0  }
.Ltmp0:
0x1a: {  	[tilespmem:s29+$0x2820] =	vst v0;
	(pc) =	sbr.rel @p0 .LBB2_2-.Ltmp0, $4  }
0x1b: {  	[tilespmem:s29+$0x2830] =	vst v0  }
0x1c: {  	[tilespmem:s29+$0x2840] =	vst v0  }
0x1d: {  	[tilespmem:s29+$0x2850] =	vst v0  }
0x1e: {  	[tilespmem:s29+$0x2860] =	vst v0;
	s29 =	sshra.s32 s30, $0x2;
	s30 =	sadd.s32 $0x200, s30  }
0x1f: {  	[tilespmem:s29+$0x2870] =	vst v0  }
0x20: {  	[tilespmem:s29+$0x2800] =	vst v0  }
0x21: {  	[tilespmem:s29+$0x2810] =	vst v0  }
0x22: {  	[tilespmem:s29+$0x2820] =	vst v0  }
0x23: {  	[tilespmem:s29+$0x2830] =	vst v0  }
0x24: {  	[tilespmem:s29+$0x2840] =	vst v0  }
0x25: {  	[tilespmem:s29+$0x2850] =	vst v0  }
0x26: {  	[tilespmem:s29+$0x2860] =	vst v0  }
0x27: {  	[spmem:s6] =	stream.linear.scatter [tilespmem:s19], [sflag:$0x3], $0x4000, $0x38;
	[tilespmem:$0x1ED80] =	vst v63  }
0x28: {  	_ =	swait.ge [sflag:s20], $0x4000  }
0x29: {  	[sflag:s20] =	ssyncset.done $0x0  }
0x2a: {  	[sflag:s20] =	ssyncadd.s32 $0xFFFFC000  }
0x2b: {  	[spmem:s7] =	stream.linear.scatter [tilespmem:s19], [sflag:$0x3], $0x4000, $0x38;
	[tilespmem:$0x1ED80] =	vst v63  }
0x2c: {  	_ =	swait.ge [sflag:s20], $0x4000  }
0x2d: {  	[sflag:s20] =	ssyncset.done $0x0  }
0x2e: {  	[sflag:s20] =	ssyncadd.s32 $0xFFFFC000  }
0x2f: {  	[spmem:s8] =	stream.linear.scatter [tilespmem:s19], [sflag:$0x3], $0x4000, $0x38;
	[tilespmem:$0x1ED80] =	vst v63  }
0x30: {  	_ =	swait.ge [sflag:s20], $0x4000  }
0x31: {  	[sflag:s20] =	ssyncset.done $0x0  }
0x32: {  	[sflag:s20] =	ssyncadd.s32 $0xFFFFC000  }
0x33: {  	[spmem:s9] =	stream.linear.scatter [tilespmem:s19], [sflag:$0x3], $0x4000, $0x38;
	[tilespmem:$0x1ED80] =	vst v63  }
0x34: {  	_ =	swait.ge [sflag:s20], $0x4000  }
0x35: {  	[sflag:s20] =	ssyncset.done $0x0  }
0x36: {  	[sflag:s20] =	ssyncadd.s32 $0xFFFFC000  }
0x37: {  	[spmem:s10] =	stream.linear.scatter [tilespmem:s19], [sflag:$0x3], $0x4000, $0x38;
	[tilespmem:$0x1ED80] =	vst v63  }
0x38: {  	_ =	swait.ge [sflag:s20], $0x4000  }
0x39: {  	[sflag:s20] =	ssyncset.done $0x0  }
0x3a: {  	[sflag:s20] =	ssyncadd.s32 $0xFFFFC000  }
0x3b: {  	[tilespmem:$0x1E800] =	vst v1  }
0x3c: {  	[tilespmem:$0x1E810] =	vst v1  }
0x3d: {  	[tilespmem:$0x1E820] =	vst v1  }
0x3e: {  	[tilespmem:$0x1E830] =	vst v1  }
0x3f: {  	[tilespmem:$0x1E840] =	vst v1  }
0x40: {  	[tilespmem:$0x1E850] =	vst v1  }
0x41: {  	[tilespmem:$0x1E860] =	vst v1  }
0x42: {  	[tilespmem:$0x1E870] =	vst v1  }
0x43: {  	[tilespmem:$0x1E880] =	vst v0  }
0x44: {  	[tilespmem:$0x1E890] =	vst v0  }
0x45: {  	[tilespmem:$0x1E8A0] =	vst v0  }
0x46: {  	[tilespmem:$0x1E8B0] =	vst v0  }
0x47: {  	[tilespmem:$0x1E8C0] =	vst v0  }
0x48: {  	[tilespmem:$0x1E8D0] =	vst v0  }
0x49: {  	[tilespmem:$0x1E8E0] =	vst v0  }
0x4a: {  	[tilespmem:$0x1E8F0] =	vst v0  }
0x4b: {  	[tilespmem:$0x1E900] =	vst v0  }
0x4c: {  	[tilespmem:$0x1E910] =	vst v0  }
0x4d: {  	[tilespmem:$0x1E920] =	vst v0  }
0x4e: {  	[tilespmem:$0x1E930] =	vst v0  }
0x4f: {  	[tilespmem:$0x1E940] =	vst v0  }
0x50: {  	[tilespmem:$0x1E950] =	vst v0  }
0x51: {  	[tilespmem:$0x1E960] =	vst v0  }
0x52: {  	[tilespmem:$0x1E970] =	vst v0  }
0x53: {  	[tilespmem:$0x1E980] =	vst v0  }
0x54: {  	[tilespmem:$0x1E990] =	vst v0  }
0x55: {  	[tilespmem:$0x1E9A0] =	vst v0  }
0x56: {  	[tilespmem:$0x1E9B0] =	vst v0  }
0x57: {  	[tilespmem:$0x1E9C0] =	vst v0  }
0x58: {  	[tilespmem:$0x1E9D0] =	vst v0  }
0x59: {  	[tilespmem:$0x1E9E0] =	vst v0  }
0x5a: {  	[tilespmem:$0x1E9F0] =	vst v0  }
0x5b: {  	[tilespmem:$0x1EA00] =	vst v0  }
0x5c: {  	[tilespmem:$0x1EA10] =	vst v0  }
0x5d: {  	[tilespmem:$0x1EA20] =	vst v0  }
0x5e: {  	[tilespmem:$0x1EA30] =	vst v0  }
0x5f: {  	[tilespmem:$0x1EA40] =	vst v0  }
0x60: {  	[tilespmem:$0x1EA50] =	vst v0  }
0x61: {  	[tilespmem:$0x1EA60] =	vst v0  }
0x62: {  	[tilespmem:$0x1EA70] =	vst v0  }
0x63: {  	[tilespmem:$0x1EA80] =	vst v0  }
0x64: {  	[tilespmem:$0x1EA90] =	vst v0  }
0x65: {  	[tilespmem:$0x1EAA0] =	vst v0  }
0x66: {  	[tilespmem:$0x1EAB0] =	vst v0  }
0x67: {  	[tilespmem:$0x1EAC0] =	vst v0  }
0x68: {  	[tilespmem:$0x1EAD0] =	vst v0  }
0x69: {  	[tilespmem:$0x1EAE0] =	vst v0  }
0x6a: {  	[tilespmem:$0x1EAF0] =	vst v0  }
0x6b: {  	[spmem:s11] =	stream.linear.scatter [tilespmem:s21], [sflag:$0x3], $0x280, $0x38;
	[tilespmem:$0x1ED80] =	vst v63  }
0x6c: {  	_ =	swait.ge [sflag:s20], $0x280  }
0x6d: {  	[sflag:s20] =	ssyncset.done $0x0  }
0x6e: {  	[sflag:s20] =	ssyncadd.s32 $0xFFFFFD80  }
0x6f: {  	s29 =	simm.s32 $0x0;
	[bflag:$0x0] =	sbarrier.arrive $0xFFFF  }
0x70: {  	[tilespmem:s29], [sflag:$0x3] =	stream.linear.gather [hbm4b:s12+s29], $0x1400, $0x38;
	[tilespmem:$0x1ED80] =	vst v63  }
0x71: {  	_ =	swait.ge [sflag:s20], $0x1400  }
0x72: {  	[sflag:s20] =	ssyncset.done $0x0  }
0x73: {  	[sflag:s20] =	ssyncadd.s32 $0xFFFFEC00  }
0x74: {  	[tilespmem:s22], [sflag:$0x3] =	stream.linear.gather [hbm4b:s13+s29], $0x1400, $0x38;
	[tilespmem:$0x1ED80] =	vst v63  }
0x75: {  	_ =	swait.ge [sflag:s20], $0x1400  }
0x76: {  	[sflag:s20] =	ssyncset.done $0x0  }
0x77: {  	s29 =	simm.s32 $0x0;
	[sflag:s20] =	ssyncadd.s32 $0xFFFFEC00  }
0x78: {  	[tilespmem:s19], [sflag:$0x1] =	stream.indirect.gather [hbm4b:s1+s23], $0x80, s29, s23, $0xb8;
	[tilespmem:$0x1ED80] =	vst v63  }
0x79: {  	s29 =	simm.s32 $0x80  }
0x7a: {  	[tilespmem:s24], [sflag:$0x2] =	stream.indirect.gather [hbm4b:s1+s23], $0x80, s29, s23, $0xb8;
	[tilespmem:$0x1ED80] =	vst v63  }
0x7b: {  	_ =	swait.ge [sflag:s25], $0x4000  }
0x7c: {  	[sflag:s25] =	ssyncset.done $0x0  }
0x7d: {  	s29 =	simm.s32 $0x1400;
	[sflag:s25] =	ssyncadd.s32 $0xFFFFC000  }
0x7e: {  	[spmem:s2] =	stream.indirect.scatter.add.f32 [tilespmem:s19], [sflag:$0x3], $0x80, s29, s23, $0xb8;
	[tilespmem:$0x1ED80] =	vst v63  }
0x7f: {  	_ =	swait.ge [sflag:s20], $0x4000  }
0x80: {  	[sflag:s20] =	ssyncset.done $0x0  }
0x81: {  	[sflag:s20] =	ssyncadd.s32 $0xFFFFC000  }
0x82: {  	[spmem:s3] =	stream.indirect.scatter.add.f32 [tilespmem:s26], [sflag:$0x3], $0x1, s29, s23, $0xb8;
	[tilespmem:$0x1ED80] =	vst v63  }
0x83: {  	_ =	swait.ge [sflag:s20], $0x80  }
0x84: {  	[sflag:s20] =	ssyncset.done $0x0  }
0x85: {  	[sflag:s20] =	ssyncadd.s32 $0xFFFFFF80  }
0x86: {  	_ =	swait.ge [sflag:s28], $0x4000  }
0x87: {  	[sflag:s28] =	ssyncset.done $0x0  }
0x88: {  	s29 =	simm.s32 $0x1480;
	[sflag:s28] =	ssyncadd.s32 $0xFFFFC000  }
0x89: {  	[spmem:s2] =	stream.indirect.scatter.add.f32 [tilespmem:s24], [sflag:$0x3], $0x80, s29, s23, $0xb8;
	[tilespmem:$0x1ED80] =	vst v63  }
0x8a: {  	_ =	swait.ge [sflag:s20], $0x4000  }
0x8b: {  	[sflag:s20] =	ssyncset.done $0x0  }
0x8c: {  	[sflag:s20] =	ssyncadd.s32 $0xFFFFC000  }
0x8d: {  	[spmem:s3] =	stream.indirect.scatter.add.f32 [tilespmem:s26], [sflag:$0x3], $0x1, s29, s23, $0xb8;
	[tilespmem:$0x1ED80] =	vst v63  }
0x8e: {  	_ =	swait.ge [sflag:s20], $0x80  }
0x8f: {  	s30 =	simm.s32 $0x800;
	s29 =	simm.s32 $0x400;
	[sflag:s20] =	ssyncset.done $0x0  }
.LBB2_4:
0x90: {  	s31 =	sshra.s32 s29, $0x2  }
0x91: {  	[sflag:s20] =	ssyncadd.s32 $0xFFFFFF80;
	s29 =	smov.u32 s30;
	s0 =	sadd.s32 $0x400, s30  }
0x92: {  	[tilespmem:s19], [sflag:$0x1] =	stream.indirect.gather [hbm4b:s1+s23], $0x80, s31, s23, $0xb8;
	[tilespmem:$0x1ED80] =	vst v63  }
0x93: {  	p0 =	sne.s32 s30, $0x4C00;
	s30 =	sadd.s32 $0x80, s31  }
0x94: {  	[tilespmem:s24], [sflag:$0x2] =	stream.indirect.gather [hbm4b:s1+s23], $0x80, s30, s23, $0xb8;
	[tilespmem:$0x1ED80] =	vst v63  }
0x95: {  	_ =	swait.ge [sflag:s25], $0x4000  }
0x96: {  	[sflag:s25] =	ssyncset.done $0x0  }
0x97: {  	s30 =	sadd.s32 $0x1400, s31;
	[sflag:s25] =	ssyncadd.s32 $0xFFFFC000  }
0x98: {  	[spmem:s2] =	stream.indirect.scatter.add.f32 [tilespmem:s19], [sflag:$0x3], $0x80, s30, s23, $0xb8;
	[tilespmem:$0x1ED80] =	vst v63  }
0x99: {  	_ =	swait.ge [sflag:s20], $0x4000  }
0x9a: {  	[sflag:s20] =	ssyncset.done $0x0  }
0x9b: {  	[sflag:s20] =	ssyncadd.s32 $0xFFFFC000  }
0x9c: {  	[spmem:s3] =	stream.indirect.scatter.add.f32 [tilespmem:s26], [sflag:$0x3], $0x1, s30, s23, $0xb8;
	[tilespmem:$0x1ED80] =	vst v63  }
0x9d: {  	_ =	swait.ge [sflag:s20], $0x80  }
0x9e: {  	[sflag:s20] =	ssyncset.done $0x0  }
0x9f: {  	[sflag:s20] =	ssyncadd.s32 $0xFFFFFF80  }
0xa0: {  	_ =	swait.ge [sflag:s28], $0x4000  }
0xa1: {  	[sflag:s28] =	ssyncset.done $0x0  }
0xa2: {  	s30 =	sadd.s32 $0x1480, s31;
	[sflag:s28] =	ssyncadd.s32 $0xFFFFC000  }
0xa3: {  	[spmem:s2] =	stream.indirect.scatter.add.f32 [tilespmem:s24], [sflag:$0x3], $0x80, s30, s23, $0xb8;
	[tilespmem:$0x1ED80] =	vst v63  }
0xa4: {  	_ =	swait.ge [sflag:s20], $0x4000  }
.Ltmp1:
0xa5: {  	[sflag:s20] =	ssyncset.done $0x0;
	(pc) =	sbr.rel @p0 .LBB2_4-.Ltmp1, $4  }
0xa6: {  	[sflag:s20] =	ssyncadd.s32 $0xFFFFC000  }
0xa7: {  	[spmem:s3] =	stream.indirect.scatter.add.f32 [tilespmem:s26], [sflag:$0x3], $0x1, s30, s23, $0xb8;
	[tilespmem:$0x1ED80] =	vst v63  }
0xa8: {  	_ =	swait.ge [sflag:s20], $0x80  }
0xa9: {  	s30 =	smov.u32 s0;
	[sflag:s20] =	ssyncset.done $0x0  }
0xaa: {  	s0 =	sshra.s32 s29, $0x2;
	[sflag:s20] =	ssyncadd.s32 $0xFFFFFF80  }
0xab: {  	[tilespmem:s19], [sflag:$0x1] =	stream.indirect.gather [hbm4b:s1+s23], $0x80, s0, s23, $0xb8;
	[tilespmem:$0x1ED80] =	vst v63  }
0xac: {  	s29 =	sadd.s32 $0x80, s0  }
0xad: {  	[tilespmem:s24], [sflag:$0x2] =	stream.indirect.gather [hbm4b:s1+s23], $0x80, s29, s23, $0xb8;
	[tilespmem:$0x1ED80] =	vst v63  }
0xae: {  	_ =	swait.ge [sflag:s25], $0x4000  }
0xaf: {  	[sflag:s25] =	ssyncset.done $0x0  }
0xb0: {  	s29 =	sadd.s32 $0x1400, s0;
	[sflag:s25] =	ssyncadd.s32 $0xFFFFC000  }
0xb1: {  	[spmem:s2] =	stream.indirect.scatter.add.f32 [tilespmem:s19], [sflag:$0x3], $0x80, s29, s23, $0xb8;
	[tilespmem:$0x1ED80] =	vst v63  }
0xb2: {  	_ =	swait.ge [sflag:s20], $0x4000  }
0xb3: {  	[sflag:s20] =	ssyncset.done $0x0  }
0xb4: {  	[sflag:s20] =	ssyncadd.s32 $0xFFFFC000  }
0xb5: {  	[spmem:s3] =	stream.indirect.scatter.add.f32 [tilespmem:s26], [sflag:$0x3], $0x1, s29, s23, $0xb8;
	[tilespmem:$0x1ED80] =	vst v63  }
0xb6: {  	_ =	swait.ge [sflag:s20], $0x80  }
0xb7: {  	[sflag:s20] =	ssyncset.done $0x0  }
0xb8: {  	[sflag:s20] =	ssyncadd.s32 $0xFFFFFF80  }
0xb9: {  	_ =	swait.ge [sflag:s28], $0x4000  }
0xba: {  	[sflag:s28] =	ssyncset.done $0x0  }
0xbb: {  	s0 =	sadd.s32 $0x1480, s0;
	[sflag:s28] =	ssyncadd.s32 $0xFFFFC000  }
0xbc: {  	[spmem:s2] =	stream.indirect.scatter.add.f32 [tilespmem:s24], [sflag:$0x3], $0x80, s0, s23, $0xb8;
	[tilespmem:$0x1ED80] =	vst v63  }
0xbd: {  	_ =	swait.ge [sflag:s20], $0x4000  }
0xbe: {  	[sflag:s20] =	ssyncset.done $0x0  }
0xbf: {  	[sflag:s20] =	ssyncadd.s32 $0xFFFFC000  }
0xc0: {  	[spmem:s3] =	stream.indirect.scatter.add.f32 [tilespmem:s26], [sflag:$0x3], $0x1, s0, s23, $0xb8;
	[tilespmem:$0x1ED80] =	vst v63  }
0xc1: {  	_ =	swait.ge [sflag:s20], $0x80  }
0xc2: {  	[sflag:s20] =	ssyncset.done $0x0  }
0xc3: {  	s31 =	simm.s32 $0x0;
	[sflag:s20] =	ssyncadd.s32 $0xFFFFFF80  }
0xc4: {  	[tilespmem:s31], [sflag:$0x3] =	stream.linear.gather [hbm4b:s14+s31], $0x1400, $0x38;
	[tilespmem:$0x1ED80] =	vst v63  }
0xc5: {  	_ =	swait.ge [sflag:s20], $0x1400  }
0xc6: {  	[sflag:s20] =	ssyncset.done $0x0  }
0xc7: {  	[sflag:s20] =	ssyncadd.s32 $0xFFFFEC00  }
0xc8: {  	[tilespmem:s22], [sflag:$0x3] =	stream.linear.gather [hbm4b:s15+s31], $0x1400, $0x38;
	[tilespmem:$0x1ED80] =	vst v63  }
0xc9: {  	_ =	swait.ge [sflag:s20], $0x1400  }
0xca: {  	[sflag:s20] =	ssyncset.done $0x0  }
0xcb: {  	s31 =	simm.s32 $0x0;
	[sflag:s20] =	ssyncadd.s32 $0xFFFFEC00  }
0xcc: {  	[tilespmem:s19], [sflag:$0x1] =	stream.indirect.gather [hbm4b:s1+s23], $0x80, s31, s23, $0xb8;
	[tilespmem:$0x1ED80] =	vst v63  }
0xcd: {  	s31 =	simm.s32 $0x80  }
0xce: {  	[tilespmem:s24], [sflag:$0x2] =	stream.indirect.gather [hbm4b:s1+s23], $0x80, s31, s23, $0xb8;
	[tilespmem:$0x1ED80] =	vst v63  }
0xcf: {  	_ =	swait.ge [sflag:s25], $0x4000  }
0xd0: {  	[sflag:s25] =	ssyncset.done $0x0  }
0xd1: {  	s31 =	simm.s32 $0x1400;
	[sflag:s25] =	ssyncadd.s32 $0xFFFFC000  }
0xd2: {  	[spmem:s2] =	stream.indirect.scatter.add.f32 [tilespmem:s19], [sflag:$0x3], $0x80, s31, s23, $0xb8;
	[tilespmem:$0x1ED80] =	vst v63  }
0xd3: {  	_ =	swait.ge [sflag:s20], $0x4000  }
0xd4: {  	[sflag:s20] =	ssyncset.done $0x0  }
0xd5: {  	[sflag:s20] =	ssyncadd.s32 $0xFFFFC000  }
0xd6: {  	[spmem:s3] =	stream.indirect.scatter.add.f32 [tilespmem:s26], [sflag:$0x3], $0x1, s31, s23, $0xb8;
	[tilespmem:$0x1ED80] =	vst v63  }
0xd7: {  	_ =	swait.ge [sflag:s20], $0x80  }
0xd8: {  	[sflag:s20] =	ssyncset.done $0x0  }
0xd9: {  	[sflag:s20] =	ssyncadd.s32 $0xFFFFFF80  }
0xda: {  	_ =	swait.ge [sflag:s28], $0x4000  }
0xdb: {  	[sflag:s28] =	ssyncset.done $0x0  }
0xdc: {  	s31 =	simm.s32 $0x1480;
	[sflag:s28] =	ssyncadd.s32 $0xFFFFC000  }
0xdd: {  	[spmem:s2] =	stream.indirect.scatter.add.f32 [tilespmem:s24], [sflag:$0x3], $0x80, s31, s23, $0xb8;
	[tilespmem:$0x1ED80] =	vst v63  }
0xde: {  	_ =	swait.ge [sflag:s20], $0x4000  }
0xdf: {  	[sflag:s20] =	ssyncset.done $0x0  }
0xe0: {  	[sflag:s20] =	ssyncadd.s32 $0xFFFFC000  }
0xe1: {  	[spmem:s3] =	stream.indirect.scatter.add.f32 [tilespmem:s26], [sflag:$0x3], $0x1, s31, s23, $0xb8;
	[tilespmem:$0x1ED80] =	vst v63  }
0xe2: {  	_ =	swait.ge [sflag:s20], $0x80  }
0xe3: {  	s30 =	simm.s32 $0x800;
	s29 =	simm.s32 $0x400;
	[sflag:s20] =	ssyncset.done $0x0  }
.LBB2_6:
0xe4: {  	s0 =	sshra.s32 s29, $0x2  }
0xe5: {  	[sflag:s20] =	ssyncadd.s32 $0xFFFFFF80;
	s29 =	smov.u32 s30;
	s31 =	sadd.s32 $0x400, s30  }
0xe6: {  	[tilespmem:s19], [sflag:$0x1] =	stream.indirect.gather [hbm4b:s1+s23], $0x80, s0, s23, $0xb8;
	[tilespmem:$0x1ED80] =	vst v63  }
0xe7: {  	p0 =	sne.s32 s30, $0x4C00;
	s30 =	sadd.s32 $0x80, s0  }
0xe8: {  	[tilespmem:s24], [sflag:$0x2] =	stream.indirect.gather [hbm4b:s1+s23], $0x80, s30, s23, $0xb8;
	[tilespmem:$0x1ED80] =	vst v63  }
0xe9: {  	_ =	swait.ge [sflag:s25], $0x4000  }
0xea: {  	[sflag:s25] =	ssyncset.done $0x0  }
0xeb: {  	s30 =	sadd.s32 $0x1400, s0;
	[sflag:s25] =	ssyncadd.s32 $0xFFFFC000  }
0xec: {  	[spmem:s2] =	stream.indirect.scatter.add.f32 [tilespmem:s19], [sflag:$0x3], $0x80, s30, s23, $0xb8;
	[tilespmem:$0x1ED80] =	vst v63  }
0xed: {  	_ =	swait.ge [sflag:s20], $0x4000  }
0xee: {  	[sflag:s20] =	ssyncset.done $0x0  }
0xef: {  	[sflag:s20] =	ssyncadd.s32 $0xFFFFC000  }
0xf0: {  	[spmem:s3] =	stream.indirect.scatter.add.f32 [tilespmem:s26], [sflag:$0x3], $0x1, s30, s23, $0xb8;
	[tilespmem:$0x1ED80] =	vst v63  }
0xf1: {  	_ =	swait.ge [sflag:s20], $0x80  }
0xf2: {  	[sflag:s20] =	ssyncset.done $0x0  }
0xf3: {  	[sflag:s20] =	ssyncadd.s32 $0xFFFFFF80  }
0xf4: {  	_ =	swait.ge [sflag:s28], $0x4000  }
0xf5: {  	[sflag:s28] =	ssyncset.done $0x0  }
0xf6: {  	s0 =	sadd.s32 $0x1480, s0;
	[sflag:s28] =	ssyncadd.s32 $0xFFFFC000  }
0xf7: {  	[spmem:s2] =	stream.indirect.scatter.add.f32 [tilespmem:s24], [sflag:$0x3], $0x80, s0, s23, $0xb8;
	[tilespmem:$0x1ED80] =	vst v63  }
0xf8: {  	_ =	swait.ge [sflag:s20], $0x4000  }
.Ltmp2:
0xf9: {  	[sflag:s20] =	ssyncset.done $0x0;
	(pc) =	sbr.rel @p0 .LBB2_6-.Ltmp2, $4  }
0xfa: {  	[sflag:s20] =	ssyncadd.s32 $0xFFFFC000  }
0xfb: {  	[spmem:s3] =	stream.indirect.scatter.add.f32 [tilespmem:s26], [sflag:$0x3], $0x1, s0, s23, $0xb8;
	[tilespmem:$0x1ED80] =	vst v63  }
0xfc: {  	_ =	swait.ge [sflag:s20], $0x80  }
0xfd: {  	s30 =	smov.u32 s31;
	[sflag:s20] =	ssyncset.done $0x0  }
0xfe: {  	s0 =	sshra.s32 s29, $0x2;
	[sflag:s20] =	ssyncadd.s32 $0xFFFFFF80  }
0xff: {  	[tilespmem:s19], [sflag:$0x1] =	stream.indirect.gather [hbm4b:s1+s23], $0x80, s0, s23, $0xb8;
	[tilespmem:$0x1ED80] =	vst v63  }
0x100: {  	s29 =	sadd.s32 $0x80, s0  }
0x101: {  	[tilespmem:s24], [sflag:$0x2] =	stream.indirect.gather [hbm4b:s1+s23], $0x80, s29, s23, $0xb8;
	[tilespmem:$0x1ED80] =	vst v63  }
0x102: {  	_ =	swait.ge [sflag:s25], $0x4000  }
0x103: {  	[sflag:s25] =	ssyncset.done $0x0  }
0x104: {  	s31 =	sadd.s32 $0x1400, s0;
	[sflag:s25] =	ssyncadd.s32 $0xFFFFC000  }
0x105: {  	[spmem:s2] =	stream.indirect.scatter.add.f32 [tilespmem:s19], [sflag:$0x3], $0x80, s31, s23, $0xb8;
	[tilespmem:$0x1ED80] =	vst v63  }
0x106: {  	_ =	swait.ge [sflag:s20], $0x4000  }
0x107: {  	[sflag:s20] =	ssyncset.done $0x0  }
0x108: {  	[sflag:s20] =	ssyncadd.s32 $0xFFFFC000  }
0x109: {  	[spmem:s3] =	stream.indirect.scatter.add.f32 [tilespmem:s26], [sflag:$0x3], $0x1, s31, s23, $0xb8;
	[tilespmem:$0x1ED80] =	vst v63  }
0x10a: {  	_ =	swait.ge [sflag:s20], $0x80  }
0x10b: {  	[sflag:s20] =	ssyncset.done $0x0  }
0x10c: {  	[sflag:s20] =	ssyncadd.s32 $0xFFFFFF80  }
0x10d: {  	_ =	swait.ge [sflag:s28], $0x4000  }
0x10e: {  	[sflag:s28] =	ssyncset.done $0x0  }
0x10f: {  	s0 =	sadd.s32 $0x1480, s0;
	[sflag:s28] =	ssyncadd.s32 $0xFFFFC000  }
0x110: {  	[spmem:s2] =	stream.indirect.scatter.add.f32 [tilespmem:s24], [sflag:$0x3], $0x80, s0, s23, $0xb8;
	[tilespmem:$0x1ED80] =	vst v63  }
0x111: {  	_ =	swait.ge [sflag:s20], $0x4000  }
0x112: {  	[sflag:s20] =	ssyncset.done $0x0  }
0x113: {  	[sflag:s20] =	ssyncadd.s32 $0xFFFFC000  }
0x114: {  	[spmem:s3] =	stream.indirect.scatter.add.f32 [tilespmem:s26], [sflag:$0x3], $0x1, s0, s23, $0xb8;
	[tilespmem:$0x1ED80] =	vst v63  }
0x115: {  	_ =	swait.ge [sflag:s20], $0x80  }
0x116: {  	[sflag:s20] =	ssyncset.done $0x0  }
0x117: {  	s29 =	sshll.u32 s5, $0x6;
	[sflag:s20] =	ssyncadd.s32 $0xFFFFFF80  }
0x118: {  	s30 =	sshrl.u32 s6, $0x3;
	s0 =	sor.u32 $0x1C03, s29;
	[bflag:$0x0] =	sbarrier.arrive $0xFFFF  }
0x119: {  	[hbm:s17], [sflag:s0] =	dma.local [spmem:s30], $0x2800  }
0x11a: {  	s4 =	sadd.s32 $0x1, s4;
	_ =	swait.ge [sflag:s20], $0x2800  }
0x11b: {  	p0 =	sne.s32 s4, s16;
	[sflag:s20] =	ssyncset.done $0x0  }
.Ltmp3:
0x11c: {  	s31 =	sshrl.u32 s11, $0x3;
	[sflag:s20] =	ssyncadd.s32 $0xFFFFD800;
	(pc) =	sbr.rel @p0 .LBB2_1-.Ltmp3, $4  }
0x11d: {  	[hbm:s18], [sflag:s0] =	dma.local [spmem:s31], $0x50  }
0x11e: {  	_ =	swait.ge [sflag:s20], $0x50  }
0x11f: {  	[sflag:s20] =	ssyncset.done $0x0  }
0x120: {  	[sflag:s20] =	ssyncadd.s32 $0xFFFFFFB0  }
0x121: {  	_ =	sfence.sel $0x180000  }
0x122: {  	[bflag:$0x0] =	sbarrier.arrive $0xFFFF  }
0x123: {  	_ =	strace $0x90000047  }
0x124: {  	[bflag:$0x2] =	sbarrier.arrive $0xFFFF  }
0x125: {  	p0 =	sne.s32 s5, $0x0;
	s0 =	rddreg [dreg:$0x5]  }
0x126: {  	s0 =	sadd.s32 @!p0 $0x100000, s0  }
0x127: {  	[sflag:s0] =	ssyncadd.tile.s32 @!p0 $0x1;
	_ =	shalt  }
.Lfunc_end2:
_tile_overlayer_lowered:
.L_overlay_start_2:
0x128: {  	(tag) =	ssettag $0x2  }
0x129: {  	s0 =	rddreg [dreg:$0x0];
	s2 =	stileid.u32  }
0x12a: {  	s1 =	rddreg [dreg:$0x1];
	p0 =	sne.s32 s2, $0x0  }
0x12b: {  	s3 =	rddreg [dreg:$0x2];
	[bflag:$0x3] =	sbarrier.arrive $0xFFFF;
	s2 =	simm.s32 @!p0 $0x1C03  }
0x12c: {  	[timem:s3], [sflag:s2] =	dma.local @!p0 [hbm:s0], s1  }
0x12d: {  	s0 =	simm.s32 @!p0 $0x3  }
0x12e: {  	_ =	swait.ge @!p0 [sflag:s0], s1  }
0x12f: {  	s1 =	ssub.s32 @!p0 $0x0, s1;
	[sflag:s0] =	ssyncset.done @!p0 $0x0  }
0x130: {  	[sflag:s0] =	ssyncadd.s32 @!p0 s1  }
0x131: {  	[bflag:$0x3] =	sbarrier.arrive $0xFFFF  }
0x132: {  	_ =	shalt  }

// kernel: kernel.9.cloned.1.call-start
scs
__scs_entry_jumppad:
0x0: {  	(pc) =	sbr.rel $0x88, $3  }
0x1: {  	(tag) =	ssettag $0x0;
	lr =	simm.s32 $0x1  }
0x2: {  	[smem:$0x3F9F] =	sst lr;
	_ =	strace $0xD0000000  }
0x3: {  	_ = 	snop  }
0x4: {  	_ = 	snop  }
0x5: {  	_ = 	snop  }
0x6: {  	_ = 	snop  }
0x7: {  	_ = 	snop  }
__scs_overlays_trampoline_lowered:
0x8: {  	[smem:$0x3FAE] =	sst s0  }
0x9: {  	[smem:$0x3FAF] =	sst s1  }
0xa: {  	[smem:$0x3FB0] =	sst s2  }
0xb: {  	[smem:$0x3FB1] =	sst s3  }
0xc: {  	[smem:$0x3FB2] =	sst s4  }
0xd: {  	[smem:$0x3FB3] =	sst s5  }
0xe: {  	[smem:$0x3FB4] =	sst s6  }
0xf: {  	[smem:$0x3FB5] =	sst s7  }
0x10: {  	[smem:$0x3FB6] =	sst s8  }
0x11: {  	[smem:$0x3FB7] =	sst s9;
	s0 =	simm.s32 @!p0 $0x0  }
0x12: {  	s1 =	sld [smem:$0x3F9D];
	s0 =	simm.s32 @p0 $0x1  }
0x13: {  	[smem:$0x3FB8] =	sst s0;
	s0 =	simm.s32 @!p1 $0x0  }
0x14: {  	s2 =	sld [smem:$0x3F9C];
	s0 =	simm.s32 @p1 $0x1  }
0x15: {  	[smem:$0x3FB9] =	sst s0;
	s0 =	simm.s32 @!p2 $0x0  }
0x16: {  	s3 =	sld [smem:$0x3FDB];
	s0 =	simm.s32 @p2 $0x1  }
0x17: {  	s4 =	simm.s32 $0x1BF5;
	[smem:$0x3FBB] =	sst s0  }
0x18: {  	s0 =	sld [smem:$0x3F9E];
	_ =	swait.ge [sflag:s4], $0x0  }
0x19: {  	s7 =	sld [smem:$0x3F9F]  }
0x1a: {  	s8 =	sadd.s32 $0xFFFFE003, lr  }
0x1b: {  	s9 =	sadd.s32 $0xFFFFFEF7, lr;
	s5 =	simm.s32 $0xFFFFFFFF;
	p2 =	slt.u32 s8, $0xFFFFF086  }
0x1c: {  	p1 =	slt.u32 s9, $0xF7A;
	s5 =	simm.s32 @!p2 $0x0  }
0x1d: {  	s5 =	simm.s32 @p1 $0x1;
	p0 =	seq.s32 s7, s2  }
0x1e: {  	s7 =	smul.u32 @!p0 $0xF7A, s2;
	p2 =	seq.s32 @!p0 s5, $0x0  }
0x1f: {  	s9 =	smul.u32 $0xF7A, s1;
	s8 =	simm.s32 @!p0 $0x1BF5;
	p2 =	por !p2, p0  }
0x20: {  	[sflag:s8] =	ssyncset.s32 @!p0 $0xFFFFF086;
	s6 =	sadd.s32 @!p0 s3, s7;
	s7 =	simm.s32 @!p0 $0x108  }
0x21: {  	s3 =	sadd.s32 s3, s9;
	s6 =	sadd.s32 @!p0 $0x88, s6;
	s7 =	simm.s32 @p2 $0x1082  }
0x22: {  	[simem:s7], [sflag:s8] =	dma.local @!p0 [hbm:s6], $0xF7A  }
0x23: {  	s9 =	sor.u32 $0xD0000000, s2;
	s6 =	simm.s32 $0x108;
	_ =	swait.ge @!p0 [sflag:s8], $0x0  }
0x24: {  	s3 =	sadd.s32 $0x88, s3;
	s6 =	simm.s32 @!p1 $0x1082;
	[sflag:s4] =	ssyncset.s32 $0xFFFFF086  }
0x25: {  	[simem:s6], [sflag:s4] =	dma.local [hbm:s3], $0xF7A  }
0x26: {  	[smem:$0x3F9F] =	sst s1;
	(tag) =	ssettag s2;
	_ =	strace s9  }
0x27: {  	s1 =	sld [smem:$0x3FAF]  }
0x28: {  	s2 =	sld [smem:$0x3FB0]  }
0x29: {  	s4 =	sld [smem:$0x3FB2]  }
0x2a: {  	p0 =	seq.s32 s5, $0x0;
	s5 =	sld [smem:$0x3FB3]  }
0x2b: {  	s6 =	sld [smem:$0x3FB4]  }
0x2c: {  	s7 =	sld [smem:$0x3FB5]  }
0x2d: {  	s3 =	simm.s32 $0x108;
	s8 =	sld [smem:$0x3FB6]  }
0x2e: {  	s3 =	simm.s32 @!p0 $0x1082;
	s9 =	sld [smem:$0x3FB7]  }
0x2f: {  	lr =	sadd.s32 s0, s3;
	s0 =	sld [smem:$0x3FAE]  }
0x30: {  	s3 =	sld [smem:$0x3FB1]  }
0x31: {  	[smem:$0x3FBA] =	sst s10  }
0x32: {  	s10 =	sld [smem:$0x3FB8];
	_ =	sdelay $0x3  }
0x33: {  	p0 =	seq.s32 s10, $0x1;
	s10 =	sld [smem:$0x3FBA];
	_ =	sdelay $0x3  }
0x34: {  	[smem:$0x3FBA] =	sst s10  }
0x35: {  	s10 =	sld [smem:$0x3FB9];
	_ =	sdelay $0x3  }
0x36: {  	p1 =	seq.s32 s10, $0x1;
	s10 =	sld [smem:$0x3FBA];
	_ =	sdelay $0x3  }
0x37: {  	[smem:$0x3FBA] =	sst s10  }
0x38: {  	s10 =	sld [smem:$0x3FBB]  }
0x39: {  	_ = 	snop;
	(pc) =	sbr.ind lr, $3  }
0x3a: {  	_ = 	snop  }
0x3b: {  	_ = 	snop  }
0x3c: {  	p2 =	seq.s32 s10, $0x1;
	s10 =	sld [smem:$0x3FBA]  }
0x3d: {  	_ =	shalt  }
0x3e: {  	_ =	shalt  }
0x3f: {  	_ =	shalt  }
0x40: {  	_ =	shalt  }
0x41: {  	_ =	shalt  }
0x42: {  	_ =	shalt  }
0x43: {  	_ =	shalt  }
0x44: {  	_ =	shalt  }
0x45: {  	_ =	shalt  }
0x46: {  	_ =	shalt  }
0x47: {  	_ =	shalt  }
0x48: {  	_ =	shalt  }
0x49: {  	_ =	shalt  }
0x4a: {  	_ =	shalt  }
0x4b: {  	_ =	shalt  }
0x4c: {  	_ =	shalt  }
0x4d: {  	_ =	shalt  }
0x4e: {  	_ =	shalt  }
0x4f: {  	_ =	shalt  }
0x50: {  	_ =	shalt  }
0x51: {  	_ =	shalt  }
0x52: {  	_ =	shalt  }
0x53: {  	_ =	shalt  }
0x54: {  	_ =	shalt  }
0x55: {  	_ =	shalt  }
0x56: {  	_ =	shalt  }
0x57: {  	_ =	shalt  }
0x58: {  	_ =	shalt  }
0x59: {  	_ =	shalt  }
0x5a: {  	_ =	shalt  }
0x5b: {  	_ =	shalt  }
0x5c: {  	_ =	shalt  }
0x5d: {  	_ =	shalt  }
0x5e: {  	_ =	shalt  }
0x5f: {  	_ =	shalt  }
0x60: {  	_ =	shalt  }
0x61: {  	_ =	shalt  }
0x62: {  	_ =	shalt  }
0x63: {  	_ =	shalt  }
0x64: {  	_ =	shalt  }
0x65: {  	_ =	shalt  }
0x66: {  	_ =	shalt  }
0x67: {  	_ =	shalt  }
0x68: {  	_ =	shalt  }
0x69: {  	_ =	shalt  }
0x6a: {  	_ =	shalt  }
0x6b: {  	_ =	shalt  }
0x6c: {  	_ =	shalt  }
0x6d: {  	_ =	shalt  }
0x6e: {  	_ =	shalt  }
0x6f: {  	_ =	shalt  }
0x70: {  	_ =	shalt  }
0x71: {  	_ =	shalt  }
0x72: {  	_ =	shalt  }
0x73: {  	_ =	shalt  }
0x74: {  	_ =	shalt  }
0x75: {  	_ =	shalt  }
0x76: {  	_ =	shalt  }
0x77: {  	_ =	shalt  }
0x78: {  	_ =	shalt  }
0x79: {  	_ =	shalt  }
0x7a: {  	_ =	shalt  }
0x7b: {  	_ =	shalt  }
0x7c: {  	_ =	shalt  }
0x7d: {  	_ =	shalt  }
0x7e: {  	_ =	shalt  }
0x7f: {  	_ =	shalt  }
0x80: {  	_ =	shalt  }
0x81: {  	_ =	shalt  }
0x82: {  	_ =	shalt  }
0x83: {  	_ =	shalt  }
0x84: {  	_ =	shalt  }
0x85: {  	_ =	shalt  }
0x86: {  	_ =	shalt  }
0x87: {  	_ =	shalt  }
.Lfunc_end0:
.L_simem_size_0:
called_computation.1_lowered:
.L_overlay_start_0:
0x88: {  	s2 =	sld [smem:$0x3FD9]  }
0x89: {  	s3 =	sld [smem:$0x3FFE];
	_ =	sdelay $0x1  }
0x8a: {  	s1 =	srdreg.scid  }
0x8b: {  	s0 =	sand.u32 $0x1, s1  }
0x8c: {  	s17 =	sshll.u32 s0, $0xA;
	s2 =	sadd.s32 s3, s2  }
0x8d: {  	s2 =	sadd.s32 s2, s17  }
0x8e: {  	[smem:$0x3FC6] =	sst s2  }
0x8f: {  	_ = 	snop  }
0x90: {  	s2 =	sld [smem:$0x3FD0];
	(tm) =	ssettm $0x1  }
0x91: {  	s18 =	sld [smem:$0x3FFB];
	_ =	sdelay $0x3  }
0x92: {  	_ =	strace s18  }
0x93: {  	s3 =	sld [smem:$0x3FFC];
	_ =	sdelay $0x3  }
0x94: {  	_ =	strace s3  }
0x95: {  	s3 =	sld [smem:$0x3FFD];
	_ =	sdelay $0x3  }
0x96: {  	_ =	strace s3  }
0x97: {  	_ =	strace $0x8FFFFFFF  }
0x98: {  	s19 =	sld [smem:$0x3FDB];
	_ =	sdelay $0x1  }
0x99: {  	s4 =	simm.s32 $_scs_section_size  }
0x9a: {  	s5 =	simm.s32 $_size__tile_overlayer_lowered;
	s6 =	simm.s32 $_tile_overlayer_lowered  }
0x9b: {  	s22 =	simm.s32 $0x1BFF;
	s21 =	sshll.u32 s6, $0x1;
	s3 =	sadd.s32 s4, s19  }
0x9c: {  	s7 =	simm.s32 $0x0;
	s20 =	sshll.u32 s5, $0x1;
	s5 =	sadd.s32 s21, s3  }
0x9d: {  	[timem:s7], [sflag:s22] =	dma.local [hbm:s5], s20  }
0x9e: {  	_ =	swait.ge [sflag:s22], s20  }
0x9f: {  	s4 =	ssub.s32 $0x0, s20;
	[sflag:s22] =	ssyncset.done $0x0  }
0xa0: {  	[sflag:s22] =	ssyncadd.s32 s4;
	_ =	sdelay $0x1  }
0xa1: {  	s23 =	simm.s32 $0x1B8B  }
0xa2: {  	_ =	swait.ge [sflag:s23], $0x1  }
0xa3: {  	[sflag:s23] =	ssyncset.done $0x0  }
0xa4: {  	s25 =	simm.s32 $0x1B8E;
	s24 =	sld [smem:$0x3FFE];
	[sflag:s23] =	ssyncadd.s32 $0xFFFFFFFF  }
0xa5: {  	s26 =	simm.s32 $execute0_lowered;
	[smem:$0x3FD2] =	sst s25  }
0xa6: {  	s5 =	sshll.u32 s26, $0x1;
	_ =	strace $0x80000049;
	[dreg:$0x1] =	wrdreg $0xFFFFFFFF  }
0xa7: {  	s28 =	simm.s32 $_size_execute0_lowered;
	s3 =	sadd.s32 s3, s5;
	[dreg:$0x0] =	wrdreg $0x0  }
0xa8: {  	s5 =	sshll.u32 s28, $0x1;
	[dreg:$0x2] =	wrdreg s3  }
0xa9: {  	[dreg:$0x3] =	wrdreg s5  }
0xaa: {  	[dreg:$0x4] =	wrdreg $0xC0  }
0xab: {  	_ =	task [dreg:s7], $0x5FFFF  }
0xac: {  	[dreg:$0x1] =	wrdreg $0xFFFFFFFF  }
0xad: {  	[dreg:$0x0] =	wrdreg $0x60  }
0xae: {  	[dreg:$0x2] =	wrdreg s24  }
0xaf: {  	[dreg:$0x3] =	wrdreg s2  }
0xb0: {  	[dreg:$0x4] =	wrdreg $0xA8000  }
0xb1: {  	[dreg:$0x5] =	wrdreg $0x9  }
0xb2: {  	_ =	task.clear_ibuf [dreg:s7], $0x6FFFF;
	_ =	strace $0x90000049  }
0xb3: {  	s29 =	simm.s32 $0x9;
	_ =	strace $0x8000004B  }
0xb4: {  	_ =	swait.ge [sflag:s29], $0x1  }
0xb5: {  	[sflag:s29] =	ssyncadd.s32 $0xFFFFFFFF  }
0xb6: {  	_ =	strace $0x9000004B  }
0xb7: {  	_ =	sfence  }
0xb8: {  	s30 =	sld [smem:$0x0];
	_ =	sdelay $0x2  }
0xb9: {  	s31 =	sshll.u32 s1, $0xD;
	s1 =	sshrl.u32 s1, $0x2  }
0xba: {  	s3 =	sand.u32 $0x4000, s31;
	s1 =	sadd.s32 s1, s30  }
0xbb: {  	s0 =	sor.u32 s3, s0;
	s1 =	sshll.u32 s1, $0x11  }
0xbc: {  	s0 =	sor.u32 s1, s0  }
0xbd: {  	s0 =	sadd.s32 $0x8F2B, s0  }
0xbe: {  	[sflag:s0] =	ssyncadd.remote.s32 $0x1  }
0xbf: {  	_ =	sfence.sel $0xFFFF  }
0xc0: {  	[dreg:$0x0] =	wrdreg $0xFFFFFFFF;
	(pc) =	sbr.abs _section_cstart, $3  }
0xc1: {  	[dreg:$0x1] =	wrdreg $0xFFFFFFFF  }
0xc2: {  	_ =	task.clear_ibuf [dreg:s7], $0x2FFFF;
	_ =	strace $0x9FFFFFFF  }
0xc3: {  	(tm) =	ssettm $0x7FFFFFFF  }
tec
execute0_lowered:
.L_overlay_start_1:
0x0: {  	(tag) =	ssettag $0x1  }
0x1: {  	s14 =	rddreg [dreg:$0x0]  }
0x2: {  	s12 =	rddreg [dreg:$0x1]  }
0x3: {  	s1 =	rddreg [dreg:$0x2]  }
0x4: {  	s0 =	rddreg [dreg:$0x3];
	s3 =	simm.s32 $0x0;
	s4 =	srdreg.scid  }
0x5: {  	s2 =	stileid.u32;
	s18 =	simm.s32 $0x5B800;
	s19 =	simm.s32 $0x80  }
0x6: {  	s20 =	simm.s32 $0x6800;
	s21 =	simm.s32 $0x1;
	s22 =	simm.s32 $0x2  }
0x7: {  	[smem:$0x7FF] =	sst s3;
	s13 =	sand.u32 $0x1, s4;
	s6 =	smul.u32 $0x50000, s2  }
0x8: {  	s4 =	sadd.s32 $0xB800, s14;
	s15 =	sadd.s32 $0x1800, s14;
	s30 =	smul.u32 $0x2800, s2  }
0x9: {  	_ =	strace $0x8000004A;
	s5 =	sshll.u32 s13, $0x4;
	s7 =	ssub.s32 $0x2, s13  }
0xa: {  	p0 =	seq.s32 s13, $0x1;
	s5 =	sor.u32 s2, s5;
	s8 =	sshrl.u32 s7, $0x1  }
0xb: {  	s6 =	sshrl.u32 s6, $0x2;
	s18 =	simm.s32 @!p0 $0x33800;
	s9 =	smul.u32 $0x2800, s5  }
0xc: {  	s16 =	ssub.s32 s7, s8;
	s5 =	sadd.s32 s6, s1;
	s31 =	sadd.s32 s18, s14  }
0xd: {  	s18 =	simm.s32 $0x1400;
	s6 =	sadd.s32 $0x4000, s5;
	s7 =	sadd.s32 $0x8000, s5  }
0xe: {  	s8 =	sadd.s32 $0xC000, s5;
	s14 =	smax.u32 s16, $0x1;
	s17 =	sshrl.u32 s9, $0x3  }
0xf: {  	s16 =	simm.s32 $0x2800;
	s9 =	sadd.s32 $0x10000, s5;
	s10 =	sadd.s32 s12, s17  }
0x10: {  	s11 =	sadd.s32 s15, s17;
	s29 =	sadd.s32 $0x280, s17;
	s17 =	simm.s32 $0x3  }
0x11: {  	v0 =	vimm.f32 $0.0e+00;
	s12 =	sadd.s32 s12, s29;
	s13 =	sadd.s32 s15, s29;
	s15 =	sadd.s32 s31, s30  }
.LBB2_1:
0x12: {  	s23 =	simm.s32 $0x0;
	s24 =	simm.s32 $0x200  }
.LBB2_2:
0x13: {  	p0 =	sne.s32 s24, $0xFE00;
	[tilespmem:s23+$0x2870] =	vst v0  }
0x14: {  	[tilespmem:s23+$0x2800] =	vst v0  }
0x15: {  	[tilespmem:s23+$0x2810] =	vst v0  }
.Ltmp0:
0x16: {  	[tilespmem:s23+$0x2820] =	vst v0;
	(pc) =	sbr.rel @p0 .LBB2_2-.Ltmp0, $4  }
0x17: {  	[tilespmem:s23+$0x2830] =	vst v0  }
0x18: {  	[tilespmem:s23+$0x2840] =	vst v0  }
0x19: {  	[tilespmem:s23+$0x2850] =	vst v0  }
0x1a: {  	[tilespmem:s23+$0x2860] =	vst v0;
	s23 =	sshra.s32 s24, $0x2;
	s24 =	sadd.s32 $0x200, s24  }
0x1b: {  	[tilespmem:s23+$0x2870] =	vst v0  }
0x1c: {  	[tilespmem:s23+$0x2800] =	vst v0  }
0x1d: {  	[tilespmem:s23+$0x2810] =	vst v0  }
0x1e: {  	[tilespmem:s23+$0x2820] =	vst v0  }
0x1f: {  	[tilespmem:s23+$0x2830] =	vst v0  }
0x20: {  	[tilespmem:s23+$0x2840] =	vst v0  }
0x21: {  	[tilespmem:s23+$0x2850] =	vst v0  }
0x22: {  	[tilespmem:s23+$0x2860] =	vst v0  }
0x23: {  	[spmem:s5] =	stream.linear.scatter [tilespmem:s16], [sflag:$0x3], $0x4000, $0x38;
	[tilespmem:$0x1E800] =	vst v63  }
0x24: {  	_ =	swait.ge [sflag:s17], $0x4000  }
0x25: {  	[sflag:s17] =	ssyncset.done $0x0  }
0x26: {  	[sflag:s17] =	ssyncadd.s32 $0xFFFFC000  }
0x27: {  	[spmem:s6] =	stream.linear.scatter [tilespmem:s16], [sflag:$0x3], $0x4000, $0x38;
	[tilespmem:$0x1E800] =	vst v63  }
0x28: {  	_ =	swait.ge [sflag:s17], $0x4000  }
0x29: {  	[sflag:s17] =	ssyncset.done $0x0  }
0x2a: {  	[sflag:s17] =	ssyncadd.s32 $0xFFFFC000  }
0x2b: {  	[spmem:s7] =	stream.linear.scatter [tilespmem:s16], [sflag:$0x3], $0x4000, $0x38;
	[tilespmem:$0x1E800] =	vst v63  }
0x2c: {  	_ =	swait.ge [sflag:s17], $0x4000  }
0x2d: {  	[sflag:s17] =	ssyncset.done $0x0  }
0x2e: {  	[sflag:s17] =	ssyncadd.s32 $0xFFFFC000  }
0x2f: {  	[spmem:s8] =	stream.linear.scatter [tilespmem:s16], [sflag:$0x3], $0x4000, $0x38;
	[tilespmem:$0x1E800] =	vst v63  }
0x30: {  	_ =	swait.ge [sflag:s17], $0x4000  }
0x31: {  	[sflag:s17] =	ssyncset.done $0x0  }
0x32: {  	[sflag:s17] =	ssyncadd.s32 $0xFFFFC000  }
0x33: {  	[spmem:s9] =	stream.linear.scatter [tilespmem:s16], [sflag:$0x3], $0x4000, $0x38;
	[tilespmem:$0x1E800] =	vst v63  }
0x34: {  	_ =	swait.ge [sflag:s17], $0x4000  }
0x35: {  	[sflag:s17] =	ssyncset.done $0x0  }
0x36: {  	[sflag:s17] =	ssyncadd.s32 $0xFFFFC000  }
0x37: {  	s26 =	simm.s32 $0x0;
	[bflag:$0x0] =	sbarrier.arrive $0xFFFF  }
0x38: {  	[tilespmem:s26], [sflag:$0x3] =	stream.linear.gather [hbm4b:s10+s26], $0x1400, $0x38;
	[tilespmem:$0x1E800] =	vst v63  }
0x39: {  	_ =	swait.ge [sflag:s17], $0x1400  }
0x3a: {  	[sflag:s17] =	ssyncset.done $0x0  }
0x3b: {  	[sflag:s17] =	ssyncadd.s32 $0xFFFFEC00  }
0x3c: {  	[tilespmem:s18], [sflag:$0x3] =	stream.linear.gather [hbm4b:s11+s26], $0x1400, $0x38;
	[tilespmem:$0x1E800] =	vst v63  }
0x3d: {  	_ =	swait.ge [sflag:s17], $0x1400  }
0x3e: {  	[sflag:s17] =	ssyncset.done $0x0  }
0x3f: {  	s28 =	simm.s32 $0x0;
	[sflag:s17] =	ssyncadd.s32 $0xFFFFEC00  }
0x40: {  	[tilespmem:s16], [sflag:$0x1] =	stream.indirect.gather [hbm4b:s4+s19], $0x80, s28, s19, $0xb8;
	[tilespmem:$0x1E800] =	vst v63  }
0x41: {  	s29 =	simm.s32 $0x80  }
0x42: {  	[tilespmem:s20], [sflag:$0x2] =	stream.indirect.gather [hbm4b:s4+s19], $0x80, s29, s19, $0xb8;
	[tilespmem:$0x1E800] =	vst v63  }
0x43: {  	_ =	swait.ge [sflag:s21], $0x4000  }
0x44: {  	[sflag:s21] =	ssyncset.done $0x0  }
0x45: {  	s30 =	simm.s32 $0x1400;
	[sflag:s21] =	ssyncadd.s32 $0xFFFFC000  }
0x46: {  	[spmem:s1] =	stream.indirect.scatter.add.f32 [tilespmem:s16], [sflag:$0x3], $0x80, s30, s19, $0xb8;
	[tilespmem:$0x1E800] =	vst v63  }
0x47: {  	_ =	swait.ge [sflag:s17], $0x4000  }
0x48: {  	[sflag:s17] =	ssyncset.done $0x0  }
0x49: {  	[sflag:s17] =	ssyncadd.s32 $0xFFFFC000  }
0x4a: {  	_ =	swait.ge [sflag:s22], $0x4000  }
0x4b: {  	[sflag:s22] =	ssyncset.done $0x0  }
0x4c: {  	s31 =	simm.s32 $0x1480;
	[sflag:s22] =	ssyncadd.s32 $0xFFFFC000  }
0x4d: {  	[spmem:s1] =	stream.indirect.scatter.add.f32 [tilespmem:s20], [sflag:$0x3], $0x80, s31, s19, $0xb8;
	[tilespmem:$0x1E800] =	vst v63  }
0x4e: {  	_ =	swait.ge [sflag:s17], $0x4000  }
0x4f: {  	s23 =	simm.s32 $0x400;
	s24 =	simm.s32 $0x800;
	[sflag:s17] =	ssyncset.done $0x0  }
.LBB2_4:
0x50: {  	s25 =	sshra.s32 s23, $0x2  }
0x51: {  	[sflag:s17] =	ssyncadd.s32 $0xFFFFC000;
	s23 =	smov.u32 s24;
	s26 =	sadd.s32 $0x400, s24  }
0x52: {  	[tilespmem:s16], [sflag:$0x1] =	stream.indirect.gather [hbm4b:s4+s19], $0x80, s25, s19, $0xb8;
	[tilespmem:$0x1E800] =	vst v63  }
0x53: {  	p0 =	sne.s32 s24, $0x4C00;
	s24 =	sadd.s32 $0x80, s25  }
0x54: {  	[tilespmem:s20], [sflag:$0x2] =	stream.indirect.gather [hbm4b:s4+s19], $0x80, s24, s19, $0xb8;
	[tilespmem:$0x1E800] =	vst v63  }
0x55: {  	_ =	swait.ge [sflag:s21], $0x4000  }
0x56: {  	[sflag:s21] =	ssyncset.done $0x0  }
0x57: {  	s24 =	sadd.s32 $0x1400, s25;
	[sflag:s21] =	ssyncadd.s32 $0xFFFFC000  }
0x58: {  	[spmem:s1] =	stream.indirect.scatter.add.f32 [tilespmem:s16], [sflag:$0x3], $0x80, s24, s19, $0xb8;
	[tilespmem:$0x1E800] =	vst v63  }
0x59: {  	_ =	swait.ge [sflag:s17], $0x4000  }
0x5a: {  	[sflag:s17] =	ssyncset.done $0x0  }
0x5b: {  	[sflag:s17] =	ssyncadd.s32 $0xFFFFC000  }
0x5c: {  	_ =	swait.ge [sflag:s22], $0x4000  }
.Ltmp1:
0x5d: {  	[sflag:s22] =	ssyncset.done $0x0;
	(pc) =	sbr.rel @p0 .LBB2_4-.Ltmp1, $4  }
0x5e: {  	s24 =	sadd.s32 $0x1480, s25;
	[sflag:s22] =	ssyncadd.s32 $0xFFFFC000  }
0x5f: {  	[spmem:s1] =	stream.indirect.scatter.add.f32 [tilespmem:s20], [sflag:$0x3], $0x80, s24, s19, $0xb8;
	[tilespmem:$0x1E800] =	vst v63  }
0x60: {  	_ =	swait.ge [sflag:s17], $0x4000  }
0x61: {  	s24 =	smov.u32 s26;
	[sflag:s17] =	ssyncset.done $0x0  }
0x62: {  	s23 =	sshra.s32 s23, $0x2;
	[sflag:s17] =	ssyncadd.s32 $0xFFFFC000  }
0x63: {  	[tilespmem:s16], [sflag:$0x1] =	stream.indirect.gather [hbm4b:s4+s19], $0x80, s23, s19, $0xb8;
	[tilespmem:$0x1E800] =	vst v63  }
0x64: {  	s24 =	sadd.s32 $0x80, s23  }
0x65: {  	[tilespmem:s20], [sflag:$0x2] =	stream.indirect.gather [hbm4b:s4+s19], $0x80, s24, s19, $0xb8;
	[tilespmem:$0x1E800] =	vst v63  }
0x66: {  	_ =	swait.ge [sflag:s21], $0x4000  }
0x67: {  	[sflag:s21] =	ssyncset.done $0x0  }
0x68: {  	s25 =	sadd.s32 $0x1400, s23;
	[sflag:s21] =	ssyncadd.s32 $0xFFFFC000  }
0x69: {  	[spmem:s1] =	stream.indirect.scatter.add.f32 [tilespmem:s16], [sflag:$0x3], $0x80, s25, s19, $0xb8;
	[tilespmem:$0x1E800] =	vst v63  }
0x6a: {  	_ =	swait.ge [sflag:s17], $0x4000  }
0x6b: {  	[sflag:s17] =	ssyncset.done $0x0  }
0x6c: {  	[sflag:s17] =	ssyncadd.s32 $0xFFFFC000  }
0x6d: {  	_ =	swait.ge [sflag:s22], $0x4000  }
0x6e: {  	[sflag:s22] =	ssyncset.done $0x0  }
0x6f: {  	s23 =	sadd.s32 $0x1480, s23;
	[sflag:s22] =	ssyncadd.s32 $0xFFFFC000  }
0x70: {  	[spmem:s1] =	stream.indirect.scatter.add.f32 [tilespmem:s20], [sflag:$0x3], $0x80, s23, s19, $0xb8;
	[tilespmem:$0x1E800] =	vst v63  }
0x71: {  	_ =	swait.ge [sflag:s17], $0x4000  }
0x72: {  	[sflag:s17] =	ssyncset.done $0x0  }
0x73: {  	s26 =	simm.s32 $0x0;
	[sflag:s17] =	ssyncadd.s32 $0xFFFFC000  }
0x74: {  	[tilespmem:s26], [sflag:$0x3] =	stream.linear.gather [hbm4b:s12+s26], $0x1400, $0x38;
	[tilespmem:$0x1E800] =	vst v63  }
0x75: {  	_ =	swait.ge [sflag:s17], $0x1400  }
0x76: {  	[sflag:s17] =	ssyncset.done $0x0  }
0x77: {  	[sflag:s17] =	ssyncadd.s32 $0xFFFFEC00  }
0x78: {  	[tilespmem:s18], [sflag:$0x3] =	stream.linear.gather [hbm4b:s13+s26], $0x1400, $0x38;
	[tilespmem:$0x1E800] =	vst v63  }
0x79: {  	_ =	swait.ge [sflag:s17], $0x1400  }
0x7a: {  	[sflag:s17] =	ssyncset.done $0x0  }
0x7b: {  	s28 =	simm.s32 $0x0;
	[sflag:s17] =	ssyncadd.s32 $0xFFFFEC00  }
0x7c: {  	[tilespmem:s16], [sflag:$0x1] =	stream.indirect.gather [hbm4b:s4+s19], $0x80, s28, s19, $0xb8;
	[tilespmem:$0x1E800] =	vst v63  }
0x7d: {  	s29 =	simm.s32 $0x80  }
0x7e: {  	[tilespmem:s20], [sflag:$0x2] =	stream.indirect.gather [hbm4b:s4+s19], $0x80, s29, s19, $0xb8;
	[tilespmem:$0x1E800] =	vst v63  }
0x7f: {  	_ =	swait.ge [sflag:s21], $0x4000  }
0x80: {  	[sflag:s21] =	ssyncset.done $0x0  }
0x81: {  	s30 =	simm.s32 $0x1400;
	[sflag:s21] =	ssyncadd.s32 $0xFFFFC000  }
0x82: {  	[spmem:s1] =	stream.indirect.scatter.add.f32 [tilespmem:s16], [sflag:$0x3], $0x80, s30, s19, $0xb8;
	[tilespmem:$0x1E800] =	vst v63  }
0x83: {  	_ =	swait.ge [sflag:s17], $0x4000  }
0x84: {  	[sflag:s17] =	ssyncset.done $0x0  }
0x85: {  	[sflag:s17] =	ssyncadd.s32 $0xFFFFC000  }
0x86: {  	_ =	swait.ge [sflag:s22], $0x4000  }
0x87: {  	[sflag:s22] =	ssyncset.done $0x0  }
0x88: {  	s31 =	simm.s32 $0x1480;
	[sflag:s22] =	ssyncadd.s32 $0xFFFFC000  }
0x89: {  	[spmem:s1] =	stream.indirect.scatter.add.f32 [tilespmem:s20], [sflag:$0x3], $0x80, s31, s19, $0xb8;
	[tilespmem:$0x1E800] =	vst v63  }
0x8a: {  	_ =	swait.ge [sflag:s17], $0x4000  }
0x8b: {  	s24 =	simm.s32 $0x800;
	s23 =	simm.s32 $0x400;
	[sflag:s17] =	ssyncset.done $0x0  }
.LBB2_6:
0x8c: {  	s25 =	sshra.s32 s23, $0x2  }
0x8d: {  	[sflag:s17] =	ssyncadd.s32 $0xFFFFC000;
	s23 =	smov.u32 s24;
	s26 =	sadd.s32 $0x400, s24  }
0x8e: {  	[tilespmem:s16], [sflag:$0x1] =	stream.indirect.gather [hbm4b:s4+s19], $0x80, s25, s19, $0xb8;
	[tilespmem:$0x1E800] =	vst v63  }
0x8f: {  	p0 =	sne.s32 s24, $0x4C00;
	s24 =	sadd.s32 $0x80, s25  }
0x90: {  	[tilespmem:s20], [sflag:$0x2] =	stream.indirect.gather [hbm4b:s4+s19], $0x80, s24, s19, $0xb8;
	[tilespmem:$0x1E800] =	vst v63  }
0x91: {  	_ =	swait.ge [sflag:s21], $0x4000  }
0x92: {  	[sflag:s21] =	ssyncset.done $0x0  }
0x93: {  	s24 =	sadd.s32 $0x1400, s25;
	[sflag:s21] =	ssyncadd.s32 $0xFFFFC000  }
0x94: {  	[spmem:s1] =	stream.indirect.scatter.add.f32 [tilespmem:s16], [sflag:$0x3], $0x80, s24, s19, $0xb8;
	[tilespmem:$0x1E800] =	vst v63  }
0x95: {  	_ =	swait.ge [sflag:s17], $0x4000  }
0x96: {  	[sflag:s17] =	ssyncset.done $0x0  }
0x97: {  	[sflag:s17] =	ssyncadd.s32 $0xFFFFC000  }
0x98: {  	_ =	swait.ge [sflag:s22], $0x4000  }
.Ltmp2:
0x99: {  	[sflag:s22] =	ssyncset.done $0x0;
	(pc) =	sbr.rel @p0 .LBB2_6-.Ltmp2, $4  }
0x9a: {  	s24 =	sadd.s32 $0x1480, s25;
	[sflag:s22] =	ssyncadd.s32 $0xFFFFC000  }
0x9b: {  	[spmem:s1] =	stream.indirect.scatter.add.f32 [tilespmem:s20], [sflag:$0x3], $0x80, s24, s19, $0xb8;
	[tilespmem:$0x1E800] =	vst v63  }
0x9c: {  	_ =	swait.ge [sflag:s17], $0x4000  }
0x9d: {  	s24 =	smov.u32 s26;
	[sflag:s17] =	ssyncset.done $0x0  }
0x9e: {  	s23 =	sshra.s32 s23, $0x2;
	[sflag:s17] =	ssyncadd.s32 $0xFFFFC000  }
0x9f: {  	[tilespmem:s16], [sflag:$0x1] =	stream.indirect.gather [hbm4b:s4+s19], $0x80, s23, s19, $0xb8;
	[tilespmem:$0x1E800] =	vst v63  }
0xa0: {  	s24 =	sadd.s32 $0x80, s23  }
0xa1: {  	[tilespmem:s20], [sflag:$0x2] =	stream.indirect.gather [hbm4b:s4+s19], $0x80, s24, s19, $0xb8;
	[tilespmem:$0x1E800] =	vst v63  }
0xa2: {  	_ =	swait.ge [sflag:s21], $0x4000  }
0xa3: {  	[sflag:s21] =	ssyncset.done $0x0  }
0xa4: {  	s29 =	sadd.s32 $0x1400, s23;
	[sflag:s21] =	ssyncadd.s32 $0xFFFFC000  }
0xa5: {  	[spmem:s1] =	stream.indirect.scatter.add.f32 [tilespmem:s16], [sflag:$0x3], $0x80, s29, s19, $0xb8;
	[tilespmem:$0x1E800] =	vst v63  }
0xa6: {  	_ =	swait.ge [sflag:s17], $0x4000  }
0xa7: {  	[sflag:s17] =	ssyncset.done $0x0  }
0xa8: {  	[sflag:s17] =	ssyncadd.s32 $0xFFFFC000  }
0xa9: {  	_ =	swait.ge [sflag:s22], $0x4000  }
0xaa: {  	[sflag:s22] =	ssyncset.done $0x0  }
0xab: {  	s23 =	sadd.s32 $0x1480, s23;
	[sflag:s22] =	ssyncadd.s32 $0xFFFFC000  }
0xac: {  	[spmem:s1] =	stream.indirect.scatter.add.f32 [tilespmem:s20], [sflag:$0x3], $0x80, s23, s19, $0xb8;
	[tilespmem:$0x1E800] =	vst v63  }
0xad: {  	_ =	swait.ge [sflag:s17], $0x4000  }
0xae: {  	s30 =	sshll.u32 s2, $0x6;
	s3 =	sadd.s32 $0x1, s3;
	[sflag:s17] =	ssyncset.done $0x0  }
0xaf: {  	s31 =	sshrl.u32 s5, $0x3;
	p0 =	sne.s32 s3, s14;
	[sflag:s17] =	ssyncadd.s32 $0xFFFFC000  }
.Ltmp3:
0xb0: {  	s23 =	sor.u32 $0x1C03, s30;
	[bflag:$0x0] =	sbarrier.arrive $0xFFFF;
	(pc) =	sbr.rel @p0 .LBB2_1-.Ltmp3, $4  }
0xb1: {  	[hbm:s15], [sflag:s23] =	dma.local [spmem:s31], $0x2800  }
0xb2: {  	_ =	swait.ge [sflag:s17], $0x2800  }
0xb3: {  	[sflag:s17] =	ssyncset.done $0x0  }
0xb4: {  	[sflag:s17] =	ssyncadd.s32 $0xFFFFD800  }
0xb5: {  	_ =	sfence.sel $0x180000  }
0xb6: {  	[bflag:$0x0] =	sbarrier.arrive $0xFFFF  }
0xb7: {  	p0 =	sne.s32 s2, $0x0;
	_ =	strace $0x9000004A  }
0xb8: {  	s0 =	sadd.s32 @!p0 $0x100000, s0;
	[bflag:$0x2] =	sbarrier.arrive $0xFFFF  }
0xb9: {  	[sflag:s0] =	ssyncadd.tile.s32 @!p0 $0x1;
	_ =	shalt  }
.Lfunc_end2:
_tile_overlayer_lowered:
.L_overlay_start_2:
0xba: {  	(tag) =	ssettag $0x2  }
0xbb: {  	s0 =	rddreg [dreg:$0x0];
	s2 =	stileid.u32  }
0xbc: {  	s1 =	rddreg [dreg:$0x1];
	p0 =	sne.s32 s2, $0x0  }
0xbd: {  	s3 =	rddreg [dreg:$0x2];
	[bflag:$0x3] =	sbarrier.arrive $0xFFFF;
	s2 =	simm.s32 @!p0 $0x1C03  }
0xbe: {  	[timem:s3], [sflag:s2] =	dma.local @!p0 [hbm:s0], s1  }
0xbf: {  	s0 =	simm.s32 @!p0 $0x3  }
0xc0: {  	_ =	swait.ge @!p0 [sflag:s0], s1  }
0xc1: {  	s1 =	ssub.s32 @!p0 $0x0, s1;
	[sflag:s0] =	ssyncset.done @!p0 $0x0  }
0xc2: {  	[sflag:s0] =	ssyncadd.s32 @!p0 s1  }
0xc3: {  	[bflag:$0x3] =	sbarrier.arrive $0xFFFF  }
0xc4: {  	_ =	shalt  }

</sc_bundles>
